<compile_context>
chip_gen: v7x
topology: tpu7x:2x2x1
jax: 0.10.2.dev20260603
libtpu: 0.0.44.dev20260713+nightly
codegen_flags: <defaults>
</compile_context>

<pallas_src>
import functools

import jax
import jax.numpy as jnp
from jax import lax
from jax.experimental import pallas as pl
from jax.experimental.pallas import tpu as pltpu
from jax.experimental.pallas import tpu_sc as plsc

_NU, _NI, _D = 8000, 2000, 128
_NC, _NS, _CH = 2, 16, 128


def _ceil_mult(x, m):
    return (x + m - 1) // m * m


@functools.lru_cache(maxsize=None)
def _make_spmm(n_edges_pad, n_rows_out_pad):
    edges_per_tile = n_edges_pad // (_NC * _NS)
    n_chunks = edges_per_tile // _CH
    rows_per_tile = n_rows_out_pad // _NS

    mesh = plsc.VectorSubcoreMesh(core_axis_name="c", subcore_axis_name="s")

    @functools.partial(
        pl.kernel,
        mesh=mesh,
        out_type=jax.ShapeDtypeStruct((_NC, n_rows_out_pad, _D), jnp.float32),
        scratch_types=[
            pltpu.VMEM((2, _CH), jnp.int32),
            pltpu.VMEM((2, _CH), jnp.int32),
            pltpu.VMEM((2, _CH, _D), jnp.float32),
            pltpu.VMEM_SHARED((n_rows_out_pad, _D), jnp.float32),
            pltpu.SemaphoreType.DMA((2,)),
        ],
    )
    def spmm(x_hbm, src_hbm, dst_hbm, zeros_hbm, out_hbm,
             src2, dst2, rows2, acc_sh, sems):
        cid = lax.axis_index("c")
        sid = lax.axis_index("s")
        row0 = sid * rows_per_tile
        pltpu.sync_copy(zeros_hbm.at[pl.ds(0, rows_per_tile)],
                        acc_sh.at[pl.ds(row0, rows_per_tile)])

        base = (cid * _NS + sid) * edges_per_tile
        plsc.subcore_barrier()

        pltpu.sync_copy(src_hbm.at[pl.ds(base, _CH)], src2.at[0])
        pltpu.sync_copy(dst_hbm.at[pl.ds(base, _CH)], dst2.at[0])
        pltpu.async_copy(x_hbm.at[src2.at[0]], rows2.at[0], sems.at[0])

        def chunk(i, carry):
            p = lax.rem(i, 2)
            q = lax.rem(i + 1, 2)

            @pl.when(i + 1 < n_chunks)
            def _():
                off = base + (i + 1) * _CH
                pltpu.sync_copy(src_hbm.at[pl.ds(off, _CH)], src2.at[q])
                pltpu.sync_copy(dst_hbm.at[pl.ds(off, _CH)], dst2.at[q])
                pltpu.async_copy(
                    x_hbm.at[src2.at[q]], rows2.at[q], sems.at[q])

            pltpu.make_async_copy(
                x_hbm.at[src2.at[p]], rows2.at[p], sems.at[p]).wait()
            pltpu.sync_copy(rows2.at[p], acc_sh.at[dst2.at[p]], add=True)
            return carry

        lax.fori_loop(0, n_chunks, chunk, 0)
        plsc.subcore_barrier()
        pltpu.sync_copy(acc_sh.at[pl.ds(row0, rows_per_tile)],
                        out_hbm.at[cid, pl.ds(row0, rows_per_tile)])

    return spmm


_ZROWS = 704


def _sc_segment_sum(dst, src, X, n_out, zeros):
    e = dst.shape[0]
    e_pad = _ceil_mult(e, _NC * _NS * _CH)
    n_pad = _ceil_mult(n_out + 1, _NS * 8)
    spare = n_pad - n_out
    pad_dst = n_out + jnp.arange(e_pad - e, dtype=jnp.int32) % spare
    dst = jnp.concatenate([dst, pad_dst])
    src = jnp.concatenate([src, jnp.zeros((e_pad - e,), jnp.int32)])
    return _make_spmm(e_pad, n_pad)(X, src, dst, zeros)




def _gcn_body(e_ref, q_ref, wt_ref, wb_ref, b_ref, s0_ref, s1_ref, sc_ref,
              o_ref):
    t = e_ref[...] @ q_ref[...]
    side = (s0_ref[...] + s1_ref[...]) * sc_ref[0, 0]
    y = t @ wt_ref[...] + side @ wb_ref[...] + b_ref[...]
    y = jnp.maximum(y, 0.0)
    nrm = jnp.sqrt(jnp.sum(y * y, axis=1, keepdims=True))
    o_ref[...] = y / (nrm + 1e-9)


def _gcn_layer(E, Q, Wt, Wb, b, s0, s1, scale):
    m = E.shape[0]
    bm = 2000
    full = pl.BlockSpec((_D, _D), lambda i: (0, 0))
    return pl.pallas_call(
        _gcn_body,
        grid=(m // bm,),
        in_specs=[
            pl.BlockSpec((bm, _D), lambda i: (i, 0)),
            full, full, full,
            pl.BlockSpec((1, _D), lambda i: (0, 0)),
            pl.BlockSpec((bm, _D), lambda i: (i, 0)),
            pl.BlockSpec((bm, _D), lambda i: (i, 0)),
            pl.BlockSpec((1, 1), lambda i: (0, 0)),
        ],
        out_specs=pl.BlockSpec((bm, _D), lambda i: (i, 0)),
        out_shape=jax.ShapeDtypeStruct((m, _D), jnp.float32),
    )(E, Q, Wt, Wb, b.reshape(1, _D), s0, s1, scale)


def _res_body(x_ref, e_ref, w_ref, b_ref, o_ref):
    o_ref[...] = x_ref[...] + e_ref[...] @ w_ref[...] + b_ref[...]


def _res_linear(x, E, W, b):
    m = x.shape[0]
    bm = 2000
    return pl.pallas_call(
        _res_body,
        grid=(m // bm,),
        in_specs=[
            pl.BlockSpec((bm, _D), lambda i: (i, 0)),
            pl.BlockSpec((bm, _D), lambda i: (i, 0)),
            pl.BlockSpec((_D, _D), lambda i: (0, 0)),
            pl.BlockSpec((1, _D), lambda i: (0, 0)),
        ],
        out_specs=pl.BlockSpec((bm, _D), lambda i: (i, 0)),
        out_shape=jax.ShapeDtypeStruct((m, _D), jnp.float32),
    )(x, E, W, b.reshape(1, _D))


def _attn_vec_body(eu_ref, u0_ref, u1_ref, wat_ref, wab_ref, ab_ref,
                   sc_ref, o_ref):
    up = (u0_ref[...] + u1_ref[...]) * sc_ref[0, 0]
    logit = eu_ref[...] @ wat_ref[...] + up @ wab_ref[...] + ab_ref[...]
    w = jnp.exp(logit[:, :1])
    o_ref[...] = jnp.concatenate(
        [w * eu_ref[...], w * up, w * jnp.ones((1, _D), jnp.float32)], axis=1)


def _attn_vec(Eu, u0, u1, WaT, WaB, ab, scale):
    bm = 2000
    blk = pl.BlockSpec((bm, _D), lambda i: (i, 0))
    full = pl.BlockSpec((_D, _D), lambda i: (0, 0))
    return pl.pallas_call(
        _attn_vec_body,
        grid=(_NU // bm,),
        in_specs=[blk, blk, blk, full, full,
                  pl.BlockSpec((1, _D), lambda i: (0, 0)),
                  pl.BlockSpec((1, 1), lambda i: (0, 0))],
        out_specs=pl.BlockSpec((bm, 3 * _D), lambda i: (i, 0)),
        out_shape=jax.ShapeDtypeStruct((_NU, 3 * _D), jnp.float32),
    )(Eu, u0, u1, WaT, WaB, ab, scale)


def _pool_body(oh_ref, a_ref, o_ref):
    o_ref[...] = oh_ref[...] @ a_ref[...]


def _pool(onehot, A):
    b = onehot.shape[0]
    bm = 512
    return pl.pallas_call(
        _pool_body,
        grid=(b // bm,),
        in_specs=[
            pl.BlockSpec((bm, _NU), lambda i: (i, 0)),
            pl.BlockSpec((_NU, 3 * _D), lambda i: (0, 0)),
        ],
        out_specs=pl.BlockSpec((bm, 3 * _D), lambda i: (i, 0)),
        out_shape=jax.ShapeDtypeStruct((b, 3 * _D), jnp.float32),
    )(onehot, A)


def _heads_body(p_ref, ei_ref, i0_ref, i1_ref, hsc_ref, xall_ref, wall_ref,
                mw1_ref, mb1_ref, mw2_ref, mb2_ref,
                wt_ref, wtb_ref, wup_ref, wupb_ref,
                gh1a_ref, gh1b_ref, ghb1_ref, gh2_ref, ghb2_ref,
                he1_ref, heb1_ref, he2_ref, heb2_ref,
                hz1_ref, hzb1_ref, hz2_ref, hzb2_ref,
                be_ref, bz_ref,
                cg1a_ref, cg1b_ref, cgb1_ref, cg2_ref, cgb2_ref,
                weza_ref, wezb_ref, wezbias_ref,
                gsca_ref, gscb_ref, gscbias_ref,
                esc_ref, eh_ref):
    P = p_ref[...]
    pooled = P[:, :2 * _D] / P[:, 2 * _D:2 * _D + 1]
    h = jnp.maximum(pooled @ mw1_ref[...] + mb1_ref[...], 0.0)
    e_sc_gcn = h @ mw2_ref[...] + mb2_ref[...]

    i_pair = (i0_ref[...] + i1_ref[...]) * hsc_ref[0, 0]
    e_i_gcn = jnp.concatenate([ei_ref[...], i_pair], axis=1)
    h_cat = xall_ref[...] @ wall_ref[...]
    h_types = h_cat @ wt_ref[...] + wtb_ref[...]
    h_prop = h_types @ wup_ref[...] + wupb_ref[...]
    gh = jnp.maximum(
        e_i_gcn @ gh1a_ref[...] + h_prop @ gh1b_ref[...] + ghb1_ref[...], 0.0)
    gh = jax.nn.sigmoid(gh @ gh2_ref[...] + ghb2_ref[...])
    eh_ref[...] = gh * e_i_gcn + (1.0 - gh) * h_prop

    le = jnp.maximum(e_sc_gcn @ he1_ref[...] + heb1_ref[...], 0.0) \
        @ he2_ref[...] + heb2_ref[...]
    lz = jnp.maximum(e_sc_gcn @ hz1_ref[...] + hzb1_ref[...], 0.0) \
        @ hz2_ref[...] + hzb2_ref[...]
    pE = jax.nn.softmax(le, axis=1) @ be_ref[...]
    pZ = jax.nn.softmax(lz, axis=1) @ bz_ref[...]
    cg = jnp.maximum(
        pE @ cg1a_ref[...] + pZ @ cg1b_ref[...] + cgb1_ref[...], 0.0)
    wmix = jax.nn.softmax(cg @ cg2_ref[...] + cgb2_ref[...], axis=1)
    e_sc_ez = (wmix[:, 0:1] * pE) @ weza_ref[...] \
        + (wmix[:, 1:2] * pZ) @ wezb_ref[...] + wezbias_ref[...]
    g = jax.nn.sigmoid(e_sc_gcn @ gsca_ref[...] + e_sc_ez @ gscb_ref[...]
                       + gscbias_ref[...])
    esc_ref[...] = g * e_sc_gcn + (1.0 - g) * e_sc_ez


def _heads(P, Ei, i0, i1, hscale, X_all, Wall, hp):
    b = P.shape[0]
    return pl.pallas_call(
        _heads_body,
        out_shape=(jax.ShapeDtypeStruct((b, 2 * _D), jnp.float32),
                   jax.ShapeDtypeStruct((_NI, 2 * _D), jnp.float32)),
    )(P, Ei, i0, i1, hscale, X_all, Wall, *hp)


def _final_body(esc_ref, eh_ref, o_ref):
    o_ref[...] = jax.nn.sigmoid(
        lax.dot_general(esc_ref[...], eh_ref[...],
                        (((1,), (1,)), ((), ()))))


def _final(e_sc, e_H):
    b = e_sc.shape[0]
    bm = 512
    return pl.pallas_call(
        _final_body,
        grid=(b // bm,),
        in_specs=[
            pl.BlockSpec((bm, 2 * _D), lambda i: (i, 0)),
            pl.BlockSpec((_NI, 2 * _D), lambda i: (0, 0)),
        ],
        out_specs=pl.BlockSpec((bm, _NI), lambda i: (i, 0)),
        out_shape=jax.ShapeDtypeStruct((b, _NI), jnp.float32),
    )(e_sc, e_H)


def kernel(sym_onehot, params, edge_index, edge_w, s_index, s_w,
           h_index, h_w, X_flavor, X_qi, X_mer):
    p = params
    N = _NU + _NI
    zeros = jnp.zeros((_ZROWS, _D), jnp.float32)

    e_scale = edge_w[0].reshape(1, 1)
    s_scale = s_w[0].reshape(1, 1)
    h_scale = h_w[0].reshape(1, 1)
    WaT = jnp.zeros((_D, _D), jnp.float32).at[:, 0:1].set(p['attn_W'][:_D])
    WaB = jnp.zeros((_D, _D), jnp.float32).at[:, 0:1].set(p['attn_W'][_D:])
    ab = jnp.zeros((1, _D), jnp.float32).at[0, 0].set(p['attn_b'][0])
    X_all = jnp.concatenate([X_qi, X_flavor, X_mer], axis=1)
    Wall = jnp.zeros((22, 3 * _D), jnp.float32)
    Wall = Wall.at[0:5, 0:_D].set(p['Wq'])
    Wall = Wall.at[5:10, _D:2 * _D].set(p['Wf'])
    Wall = Wall.at[10:22, 2 * _D:3 * _D].set(p['Wm'])
    hp = (
        p['mlp_W1'], p['mlp_b1'].reshape(1, -1),
        p['mlp_W2'], p['mlp_b2'].reshape(1, -1),
        p['Wt_W'], p['Wt_b'].reshape(1, -1),
        p['Wup_W'], p['Wup_b'].reshape(1, -1),
        p['gH_W1'][:2 * _D], p['gH_W1'][2 * _D:], p['gH_b1'].reshape(1, -1),
        p['gH_W2'], p['gH_b2'].reshape(1, -1),
        p['hE_W1'], p['hE_b1'].reshape(1, -1),
        p['hE_W2'], p['hE_b2'].reshape(1, -1),
        p['hZ_W1'], p['hZ_b1'].reshape(1, -1),
        p['hZ_W2'], p['hZ_b2'].reshape(1, -1),
        p['B_E'], p['B_Z'],
        p['cg_W1'][:_D], p['cg_W1'][_D:], p['cg_b1'].reshape(1, -1),
        p['cg_W2'], p['cg_b2'].reshape(1, -1),
        p['Wez_W'][:_D], p['Wez_W'][_D:], p['Wez_b'].reshape(1, -1),
        p['gsc_W'][:2 * _D], p['gsc_W'][2 * _D:], p['gsc_b'].reshape(1, -1),
    )

    Eu, Ei = p['user_emb'], p['item_emb']
    for k in range(2):
        allE = jnp.concatenate([Eu, Ei], axis=0)
        part = _sc_segment_sum(edge_index[0], edge_index[1], allE, N, zeros)
        Eu = _gcn_layer(Eu, p['Qu'][k], p['Wgcu_W'][k][:_D],
                        p['Wgcu_W'][k][_D:], p['Wgcu_b'][k],
                        part[0, :_NU], part[1, :_NU], e_scale)
        Ei = _gcn_layer(Ei, p['Qi'][k], p['Wgci_W'][k][:_D],
                        p['Wgci_W'][k][_D:], p['Wgci_b'][k],
                        part[0, _NU:N], part[1, _NU:N], e_scale)
    Eu = _res_linear(Eu, p['user_emb'], p['Mu_W'], p['Mu_b'])
    Ei = _res_linear(Ei, p['item_emb'], p['Mi_W'], p['Mi_b'])
    allE2 = jnp.concatenate([Eu, Ei], axis=0)
    sh_dst = jnp.concatenate([s_index[0], h_index[0] + _NU])
    sh_src = jnp.concatenate([s_index[1], h_index[1] + _NU])
    part2 = _sc_segment_sum(sh_dst, sh_src, allE2, N, zeros)
    A = _attn_vec(Eu, part2[0, :_NU], part2[1, :_NU], WaT, WaB, ab, s_scale)
    P = _pool(sym_onehot, A)
    e_sc, e_H = _heads(P, Ei, part2[0, _NU:N], part2[1, _NU:N], h_scale,
                       X_all, Wall, hp)
    return _final(e_sc, e_H)

# --- scband reference (transcript-rebuilt; emitter-appended) ---
"""Pipeline reference for scband-msyngcn-torch-11038065951573 (READ-ONLY COPY).

The authoritative reference and input builder live on the scoring server;
editing this copy changes nothing except your own understanding.
"""

import jax, jax.numpy as jnp
import numpy as np

NU, NI, D, DL, EOD, DH = 8000, 2000, 128, 128, 256, 128
B = 1024

def _xavier(key, shape):
    lim = (6.0 / (shape[-2] + shape[-1])) ** 0.5
    return jax.random.uniform(key, shape, minval=-lim, maxval=lim, dtype=jnp.float32)

def setup_inputs(seed: int = 0):
    key = jax.random.key(seed)
    ks = list(jax.random.split(key, 48))
    N = NU + NI
    EA, ES, EH = N * 32, NU * 16, NI * 16
    edge_index = jnp.stack([jax.random.randint(ks[0], (EA,), 0, N),
                            jax.random.randint(ks[1], (EA,), 0, N)]).astype(jnp.int32)
    edge_w = jnp.full((EA,), 1.0 / 32.0, dtype=jnp.float32)
    s_index = jnp.stack([jax.random.randint(ks[2], (ES,), 0, NU),
                         jax.random.randint(ks[3], (ES,), 0, NU)]).astype(jnp.int32)
    s_w = jnp.full((ES,), 1.0 / 16.0, dtype=jnp.float32)
    h_index = jnp.stack([jax.random.randint(ks[4], (EH,), 0, NI),
                         jax.random.randint(ks[5], (EH,), 0, NI)]).astype(jnp.int32)
    h_w = jnp.full((EH,), 1.0 / 16.0, dtype=jnp.float32)
    sym_onehot = (jax.random.uniform(ks[6], (B, NU)) < 0.01).astype(jnp.float32)
    sym_onehot = sym_onehot.at[:, 0].set(1.0)
    X_flavor = (jax.random.uniform(ks[7], (NI, 5)) < 0.4).astype(jnp.float32)
    X_qi = (jax.random.uniform(ks[8], (NI, 5)) < 0.4).astype(jnp.float32)
    X_mer = (jax.random.uniform(ks[9], (NI, 12)) < 0.3).astype(jnp.float32)
    i = iter(ks[10:])
    p = {
        'user_emb': _xavier(next(i), (NU, D)),
        'item_emb': _xavier(next(i), (NI, D)),
        'Qu': _xavier(next(i), (2, D, D)),
        'Qi': _xavier(next(i), (2, D, D)),
        'Wgcu_W': _xavier(next(i), (2, 2 * D, D)), 'Wgcu_b': jnp.zeros((2, D), jnp.float32),
        'Wgci_W': _xavier(next(i), (2, 2 * D, D)), 'Wgci_b': jnp.zeros((2, D), jnp.float32),
        'Mu_W': _xavier(next(i), (D, DL)), 'Mu_b': jnp.zeros((DL,), jnp.float32),
        'Mi_W': _xavier(next(i), (D, DL)), 'Mi_b': jnp.zeros((DL,), jnp.float32),
        'attn_W': _xavier(next(i), (EOD, 1)), 'attn_b': jnp.zeros((1,), jnp.float32),
        'mlp_W1': _xavier(next(i), (EOD, 256)), 'mlp_b1': jnp.zeros((256,), jnp.float32),
        'mlp_W2': _xavier(next(i), (256, EOD)), 'mlp_b2': jnp.zeros((EOD,), jnp.float32),
        'gsc_W': _xavier(next(i), (2 * EOD, EOD)), 'gsc_b': jnp.zeros((EOD,), jnp.float32),
        'Wf': _xavier(next(i), (5, DL)),
        'Wq': _xavier(next(i), (5, DL)),
        'Wm': _xavier(next(i), (12, DL)),
        'Wt_W': _xavier(next(i), (3 * DL, DL)), 'Wt_b': jnp.zeros((DL,), jnp.float32),
        'Wup_W': _xavier(next(i), (DL, EOD)), 'Wup_b': jnp.zeros((EOD,), jnp.float32),
        'gH_W1': _xavier(next(i), (2 * EOD, EOD)), 'gH_b1': jnp.zeros((EOD,), jnp.float32),
        'gH_W2': _xavier(next(i), (EOD, EOD)), 'gH_b2': jnp.zeros((EOD,), jnp.float32),
        'hE_W1': _xavier(next(i), (EOD, DH)), 'hE_b1': jnp.zeros((DH,), jnp.float32),
        'hE_W2': _xavier(next(i), (DH, 8)), 'hE_b2': jnp.zeros((8,), jnp.float32),
        'hZ_W1': _xavier(next(i), (EOD, DH)), 'hZ_b1': jnp.zeros((DH,), jnp.float32),
        'hZ_W2': _xavier(next(i), (DH, 12)), 'hZ_b2': jnp.zeros((12,), jnp.float32),
        'B_E': _xavier(next(i), (8, DH)),
        'B_Z': _xavier(next(i), (12, DH)),
        'cg_W1': _xavier(next(i), (2 * DH, DH)), 'cg_b1': jnp.zeros((DH,), jnp.float32),
        'cg_W2': _xavier(next(i), (DH, 2)), 'cg_b2': jnp.zeros((2,), jnp.float32),
        'Wez_W': _xavier(next(i), (2 * DH, EOD)), 'Wez_b': jnp.zeros((EOD,), jnp.float32),
    }
    return {'sym_onehot': sym_onehot, 'params': p,
            'edge_index': edge_index, 'edge_w': edge_w,
            's_index': s_index, 's_w': s_w,
            'h_index': h_index, 'h_w': h_w,
            'X_flavor': X_flavor, 'X_qi': X_qi, 'X_mer': X_mer}

def _row_norm(x):
    return x / (jnp.linalg.norm(x, axis=1, keepdims=True) + 1e-9)

def _spmm(idx, w, X, n):
    return jax.ops.segment_sum(w[:, None] * X[idx[1]], idx[0], num_segments=n)

def _forward(sym_onehot, p, edge_index, edge_w, s_index, s_w, h_index, h_w, X_flavor, X_qi, X_mer):
    Eu, Ei = p['user_emb'], p['item_emb']
    N = NU + NI
    for k in range(2):
        allE = jnp.concatenate([Eu, Ei], axis=0)
        side = _spmm(edge_index, edge_w, allE, N)
        su, si = side[:NU], side[NU:]
        Eu = jax.nn.relu(jnp.concatenate([Eu @ p['Qu'][k], su], axis=1) @ p['Wgcu_W'][k] + p['Wgcu_b'][k])
        Ei = jax.nn.relu(jnp.concatenate([Ei @ p['Qi'][k], si], axis=1) @ p['Wgci_W'][k] + p['Wgci_b'][k])
        Eu, Ei = _row_norm(Eu), _row_norm(Ei)
    Eu = Eu + p['user_emb'] @ p['Mu_W'] + p['Mu_b']
    Ei = Ei + p['item_emb'] @ p['Mi_W'] + p['Mi_b']
    u_pair = _spmm(s_index, s_w, Eu, NU)
    i_pair = _spmm(h_index, h_w, Ei, NI)
    e_u = jnp.concatenate([Eu, u_pair], axis=1)
    e_i_gcn = jnp.concatenate([Ei, i_pair], axis=1)
    logit = (e_u @ p['attn_W'] + p['attn_b'])[:, 0]
    masked = jnp.where(sym_onehot > 0, logit[None, :], -1e9)
    attn = jax.nn.softmax(masked, axis=1) * sym_onehot
    attn = attn / (attn.sum(axis=1, keepdims=True) + 1e-9)
    pooled = attn @ e_u
    h = jax.nn.relu(pooled @ p['mlp_W1'] + p['mlp_b1'])
    e_sc_gcn = h @ p['mlp_W2'] + p['mlp_b2']
    Hf, Hq, Hm = X_flavor @ p['Wf'], X_qi @ p['Wq'], X_mer @ p['Wm']
    H_types = jnp.concatenate([Hq, Hf, Hm], axis=1) @ p['Wt_W'] + p['Wt_b']
    H_prop = H_types @ p['Wup_W'] + p['Wup_b']
    gh = jax.nn.relu(jnp.concatenate([e_i_gcn, H_prop], axis=1) @ p['gH_W1'] + p['gH_b1'])
    gh = jax.nn.sigmoid(gh @ p['gH_W2'] + p['gH_b2'])
    e_H = gh * e_i_gcn + (1.0 - gh) * H_prop
    le = jax.nn.relu(e_sc_gcn @ p['hE_W1'] + p['hE_b1']) @ p['hE_W2'] + p['hE_b2']
    lz = jax.nn.relu(e_sc_gcn @ p['hZ_W1'] + p['hZ_b1']) @ p['hZ_W2'] + p['hZ_b2']
    pE = jax.nn.softmax(le, axis=1) @ p['B_E']
    pZ = jax.nn.softmax(lz, axis=1) @ p['B_Z']
    cg = jax.nn.relu(jnp.concatenate([pE, pZ], axis=1) @ p['cg_W1'] + p['cg_b1'])
    w = jax.nn.softmax(cg @ p['cg_W2'] + p['cg_b2'], axis=1)
    e_sc_ez = jnp.concatenate([w[:, 0:1] * pE, w[:, 1:2] * pZ], axis=1) @ p['Wez_W'] + p['Wez_b']
    g = jax.nn.sigmoid(jnp.concatenate([e_sc_gcn, e_sc_ez], axis=1) @ p['gsc_W'] + p['gsc_b'])
    e_sc = g * e_sc_gcn + (1.0 - g) * e_sc_ez
    return jax.nn.sigmoid(e_sc @ e_H.T)

def reference(sym_onehot, params, edge_index, edge_w, s_index, s_w, h_index, h_w, X_flavor, X_qi, X_mer):
    return _forward(sym_onehot, params, edge_index, edge_w, s_index, s_w, h_index, h_w, X_flavor, X_qi, X_mer)

if __name__ == "__main__":
    import jax
    _d = setup_inputs()
    print(jax.jit(kernel)(*tuple(_d.values())))

</pallas_src>

<mosaic_0001>
#map = affine_map<(d0, d1) -> (0, 0)>
#map1 = affine_map<(d0, d1) -> (0)>
#map2 = affine_map<(d0, d1) -> (0, 0, 0)>
module attributes {stable_mosaic.version = 14 : i64} {
  func.func @spmm(%arg0: i32, %arg1: i32, %arg2: memref<10000x128xf32, #tpu.memory_space<hbm>>, %arg3: memref<323584xi32, #tpu.memory_space<hbm>>, %arg4: memref<323584xi32, #tpu.memory_space<hbm>>, %arg5: memref<704x128xf32, #tpu.memory_space<hbm>>, %arg6: memref<2x10112x128xf32, #tpu.memory_space<hbm>>, %arg7: memref<2x128xi32, #tpu.memory_space<vmem>>, %arg8: memref<2x128xi32, #tpu.memory_space<vmem>>, %arg9: memref<2x128x128xf32, #tpu.memory_space<vmem>>, %arg10: memref<10112x128xf32, #tpu.memory_space<vmem_shared>>, %arg11: memref<2x!tpu.dma_semaphore, #tpu.memory_space<semaphore_mem>>) attributes {dimension_semantics = [#tpu.dimension_semantics<core_parallel>, #tpu.dimension_semantics<subcore_parallel>], iteration_bounds = array<i64: 2, 16>, scalar_prefetch = 0 : i64, scratch_operands = 5 : i64, tpu.core_type = #tpu.core_type<sc_vector_subcore>, window_params = [{transform_indices = #map}, {transform_indices = #map1}, {transform_indices = #map1}, {transform_indices = #map}, {transform_indices = #map2}]} {
    %mul3A = arith.constant 632 : i32
    %mul3A_0 = arith.muli %arg1, %mul3A : i32
    "tpu.region"() ({
      %run_scoped3A_26 = tpu.sem_alloc : memref<!tpu.dma_semaphore, #tpu.memory_space<semaphore_mem>>
      %dma_start3A_27 = arith.constant 0 : i32
      %dma_start3A_28 = tpu.memref_slice %arg10[%mul3A_0, %dma_start3A_27] : memref<10112x128xf32, #tpu.memory_space<vmem_shared>> -> memref<632x128xf32, #tpu.memory_space<vmem_shared>>
      %dma_start3A_29 = arith.constant 0 : i32
      %dma_start3A_30 = arith.constant 0 : i32
      %dma_start3A_31 = tpu.memref_slice %arg5[%dma_start3A_29, %dma_start3A_30] : memref<704x128xf32, #tpu.memory_space<hbm>> -> memref<632x128xf32, #tpu.memory_space<hbm>>
      tpu.enqueue_dma source(%dma_start3A_31 : memref<632x128xf32, #tpu.memory_space<hbm>>) target(%dma_start3A_28 : memref<632x128xf32, #tpu.memory_space<vmem_shared>>) target_semaphore(%run_scoped3A_26 : memref<!tpu.dma_semaphore, #tpu.memory_space<semaphore_mem>>)
      %dma_wait3A = arith.constant 0 : i32
      %dma_wait3A_32 = tpu.memref_slice %arg10[%mul3A_0, %dma_wait3A] : memref<10112x128xf32, #tpu.memory_space<vmem_shared>> -> memref<632x128xf32, #tpu.memory_space<vmem_shared>>
      %dma_wait3A_33 = arith.constant 0 : i32
      %dma_wait3A_34 = arith.constant 0 : i32
      %dma_wait3A_35 = tpu.memref_slice %arg5[%dma_wait3A_33, %dma_wait3A_34] : memref<704x128xf32, #tpu.memory_space<hbm>> -> memref<632x128xf32, #tpu.memory_space<hbm>>
      tpu.wait_dma2 semaphore(%run_scoped3A_26 : memref<!tpu.dma_semaphore, #tpu.memory_space<semaphore_mem>>) src(%dma_wait3A_35 : memref<632x128xf32, #tpu.memory_space<hbm>>) dst(%dma_wait3A_32 : memref<632x128xf32, #tpu.memory_space<vmem_shared>>)
      tpu.yield
    }) : () -> ()
    %mul3A_1 = arith.constant 16 : i32
    %mul3A_2 = arith.muli %arg0, %mul3A_1 : i32
    %add3A = arith.addi %mul3A_2, %arg1 : i32
    %mul3A_3 = arith.constant 10112 : i32
    %mul3A_4 = arith.muli %add3A, %mul3A_3 : i32
    %barrier3A = arith.constant 0 : index
    tpu.barrier barrier_id(%barrier3A)
    %run_scoped3A = arith.constant 0 : i32
    "tpu.region"() ({
      %run_scoped3A_26 = tpu.sem_alloc : memref<!tpu.dma_semaphore, #tpu.memory_space<semaphore_mem>>
      %dma_start3A_27 = arith.constant 0 : i32
      %dma_start3A_28 = tpu.memref_slice %arg7[%run_scoped3A, %dma_start3A_27] : memref<2x128xi32, #tpu.memory_space<vmem>> -> memref<1x128xi32, #tpu.memory_space<vmem>>
      %dma_start3A_29 = tpu.memref_squeeze %dma_start3A_28 : memref<1x128xi32, #tpu.memory_space<vmem>> -> memref<128xi32, #tpu.memory_space<vmem>>
      %dma_start3A_30 = tpu.memref_slice %arg3[%mul3A_4] : memref<323584xi32, #tpu.memory_space<hbm>> -> memref<128xi32, #tpu.memory_space<hbm>>
      %dma_start3A_31 = arith.constant 0 : i32
      %dma_start3A_32 = tpu.memref_slice %arg7[%run_scoped3A, %dma_start3A_31] : memref<2x128xi32, #tpu.memory_space<vmem>> -> memref<1x128xi32, #tpu.memory_space<vmem>>
      %dma_start3A_33 = tpu.memref_squeeze %dma_start3A_32 : memref<1x128xi32, #tpu.memory_space<vmem>> -> memref<128xi32, #tpu.memory_space<vmem>>
      %dma_start3A_34 = tpu.memref_slice %arg3[%mul3A_4] : memref<323584xi32, #tpu.memory_space<hbm>> -> memref<128xi32, #tpu.memory_space<hbm>>
      tpu.enqueue_dma source(%dma_start3A_34 : memref<128xi32, #tpu.memory_space<hbm>>) target(%dma_start3A_33 : memref<128xi32, #tpu.memory_space<vmem>>) target_semaphore(%run_scoped3A_26 : memref<!tpu.dma_semaphore, #tpu.memory_space<semaphore_mem>>)
      %dma_wait3A = arith.constant 0 : i32
      %dma_wait3A_35 = tpu.memref_slice %arg7[%run_scoped3A, %dma_wait3A] : memref<2x128xi32, #tpu.memory_space<vmem>> -> memref<1x128xi32, #tpu.memory_space<vmem>>
      %dma_wait3A_36 = tpu.memref_squeeze %dma_wait3A_35 : memref<1x128xi32, #tpu.memory_space<vmem>> -> memref<128xi32, #tpu.memory_space<vmem>>
      %dma_wait3A_37 = tpu.memref_slice %arg3[%mul3A_4] : memref<323584xi32, #tpu.memory_space<hbm>> -> memref<128xi32, #tpu.memory_space<hbm>>
      %dma_wait3A_38 = arith.constant 0 : i32
      %dma_wait3A_39 = tpu.memref_slice %arg7[%run_scoped3A, %dma_wait3A_38] : memref<2x128xi32, #tpu.memory_space<vmem>> -> memref<1x128xi32, #tpu.memory_space<vmem>>
      %dma_wait3A_40 = tpu.memref_squeeze %dma_wait3A_39 : memref<1x128xi32, #tpu.memory_space<vmem>> -> memref<128xi32, #tpu.memory_space<vmem>>
      %dma_wait3A_41 = tpu.memref_slice %arg3[%mul3A_4] : memref<323584xi32, #tpu.memory_space<hbm>> -> memref<128xi32, #tpu.memory_space<hbm>>
      tpu.wait_dma2 semaphore(%run_scoped3A_26 : memref<!tpu.dma_semaphore, #tpu.memory_space<semaphore_mem>>) src(%dma_wait3A_41 : memref<128xi32, #tpu.memory_space<hbm>>) dst(%dma_wait3A_40 : memref<128xi32, #tpu.memory_space<vmem>>)
      tpu.yield
    }) : () -> ()
    %run_scoped3A_5 = arith.constant 0 : i32
    "tpu.region"() ({
      %run_scoped3A_26 = tpu.sem_alloc : memref<!tpu.dma_semaphore, #tpu.memory_space<semaphore_mem>>
      %dma_start3A_27 = arith.constant 0 : i32
      %dma_start3A_28 = tpu.memref_slice %arg8[%run_scoped3A_5, %dma_start3A_27] : memref<2x128xi32, #tpu.memory_space<vmem>> -> memref<1x128xi32, #tpu.memory_space<vmem>>
      %dma_start3A_29 = tpu.memref_squeeze %dma_start3A_28 : memref<1x128xi32, #tpu.memory_space<vmem>> -> memref<128xi32, #tpu.memory_space<vmem>>
      %dma_start3A_30 = tpu.memref_slice %arg4[%mul3A_4] : memref<323584xi32, #tpu.memory_space<hbm>> -> memref<128xi32, #tpu.memory_space<hbm>>
      %dma_start3A_31 = arith.constant 0 : i32
      %dma_start3A_32 = tpu.memref_slice %arg8[%run_scoped3A_5, %dma_start3A_31] : memref<2x128xi32, #tpu.memory_space<vmem>> -> memref<1x128xi32, #tpu.memory_space<vmem>>
      %dma_start3A_33 = tpu.memref_squeeze %dma_start3A_32 : memref<1x128xi32, #tpu.memory_space<vmem>> -> memref<128xi32, #tpu.memory_space<vmem>>
      %dma_start3A_34 = tpu.memref_slice %arg4[%mul3A_4] : memref<323584xi32, #tpu.memory_space<hbm>> -> memref<128xi32, #tpu.memory_space<hbm>>
      tpu.enqueue_dma source(%dma_start3A_34 : memref<128xi32, #tpu.memory_space<hbm>>) target(%dma_start3A_33 : memref<128xi32, #tpu.memory_space<vmem>>) target_semaphore(%run_scoped3A_26 : memref<!tpu.dma_semaphore, #tpu.memory_space<semaphore_mem>>)
      %dma_wait3A = arith.constant 0 : i32
      %dma_wait3A_35 = tpu.memref_slice %arg8[%run_scoped3A_5, %dma_wait3A] : memref<2x128xi32, #tpu.memory_space<vmem>> -> memref<1x128xi32, #tpu.memory_space<vmem>>
      %dma_wait3A_36 = tpu.memref_squeeze %dma_wait3A_35 : memref<1x128xi32, #tpu.memory_space<vmem>> -> memref<128xi32, #tpu.memory_space<vmem>>
      %dma_wait3A_37 = tpu.memref_slice %arg4[%mul3A_4] : memref<323584xi32, #tpu.memory_space<hbm>> -> memref<128xi32, #tpu.memory_space<hbm>>
      %dma_wait3A_38 = arith.constant 0 : i32
      %dma_wait3A_39 = tpu.memref_slice %arg8[%run_scoped3A_5, %dma_wait3A_38] : memref<2x128xi32, #tpu.memory_space<vmem>> -> memref<1x128xi32, #tpu.memory_space<vmem>>
      %dma_wait3A_40 = tpu.memref_squeeze %dma_wait3A_39 : memref<1x128xi32, #tpu.memory_space<vmem>> -> memref<128xi32, #tpu.memory_space<vmem>>
      %dma_wait3A_41 = tpu.memref_slice %arg4[%mul3A_4] : memref<323584xi32, #tpu.memory_space<hbm>> -> memref<128xi32, #tpu.memory_space<hbm>>
      tpu.wait_dma2 semaphore(%run_scoped3A_26 : memref<!tpu.dma_semaphore, #tpu.memory_space<semaphore_mem>>) src(%dma_wait3A_41 : memref<128xi32, #tpu.memory_space<hbm>>) dst(%dma_wait3A_40 : memref<128xi32, #tpu.memory_space<vmem>>)
      tpu.yield
    }) : () -> ()
    %dma_start3A = arith.constant 0 : i32
    %dma_start3A_6 = arith.constant 0 : i32
    %dma_start3A_7 = arith.constant 0 : i32
    %dma_start3A_8 = arith.constant 0 : i32
    %dma_start3A_9 = arith.constant 0 : i32
    %dma_start3A_10 = tpu.memref_slice %arg9[%dma_start3A_6, %dma_start3A_8, %dma_start3A_9] : memref<2x128x128xf32, #tpu.memory_space<vmem>> -> memref<1x128x128xf32, #tpu.memory_space<vmem>>
    %dma_start3A_11 = tpu.memref_squeeze %dma_start3A_10 : memref<1x128x128xf32, #tpu.memory_space<vmem>> -> memref<128x128xf32, #tpu.memory_space<vmem>>
    %dma_start3A_12 = arith.constant 0 : i32
    %dma_start3A_13 = tpu.memref_slice %arg7[%dma_start3A, %dma_start3A_12] : memref<2x128xi32, #tpu.memory_space<vmem>> -> memref<1x128xi32, #tpu.memory_space<vmem>>
    %dma_start3A_14 = tpu.memref_squeeze %dma_start3A_13 : memref<1x128xi32, #tpu.memory_space<vmem>> -> memref<128xi32, #tpu.memory_space<vmem>>
    %dma_start3A_15 = arith.constant 0 : i32
    %dma_start3A_16 = arith.constant 0 : i32
    %dma_start3A_17 = tpu.memref_slice %arg2[%dma_start3A_15, %dma_start3A_16] : memref<10000x128xf32, #tpu.memory_space<hbm>> -> memref<10000x128xf32, #tpu.memory_space<hbm>>
    %dma_start3A_18 = tpu.memref_slice %arg11[%dma_start3A_7] : memref<2x!tpu.dma_semaphore, #tpu.memory_space<semaphore_mem>> -> memref<1x!tpu.dma_semaphore, #tpu.memory_space<semaphore_mem>>
    %dma_start3A_19 = tpu.memref_squeeze %dma_start3A_18 : memref<1x!tpu.dma_semaphore, #tpu.memory_space<semaphore_mem>> -> memref<!tpu.dma_semaphore, #tpu.memory_space<semaphore_mem>>
    tpu.enqueue_indirect_dma source(%dma_start3A_17 : memref<10000x128xf32, #tpu.memory_space<hbm>>) target(%dma_start3A_11 : memref<128x128xf32, #tpu.memory_space<vmem>>) offsets(%dma_start3A_14 : memref<128xi32, #tpu.memory_space<vmem>>) semaphore(%dma_start3A_19 : memref<!tpu.dma_semaphore, #tpu.memory_space<semaphore_mem>>)
    %scan3A = arith.constant 0 : i32
    %scan3A_20 = arith.constant 0 : i32
    %scan3A_21 = arith.constant 79 : i32
    %scan3A_22 = arith.addi %scan3A_20, %scan3A_21 : i32
    %scan3A_23 = arith.constant 1 : i32
    scf.for %scan3A_26 = %scan3A_20 to %scan3A_22 step %scan3A_23  : i32 {
      %rem3A = arith.constant 2 : i32
      %rem3A_27 = arith.remsi %scan3A_26, %rem3A : i32
      %add3A_28 = arith.constant 1 : i32
      %add3A_29 = arith.addi %scan3A_26, %add3A_28 : i32
      %rem3A_30 = arith.constant 2 : i32
      %rem3A_31 = arith.remsi %add3A_29, %rem3A_30 : i32
      %add3A_32 = arith.constant 1 : i32
      %add3A_33 = arith.addi %scan3A_26, %add3A_32 : i32
      %lt3A = arith.constant 79 : i32
      %lt3A_34 = arith.cmpi slt, %add3A_33, %lt3A : i32
      %convert_element_type3A = arith.extui %lt3A_34 : i1 to i32
      %cond3A = arith.constant 0 : i32
      %cond3A_35 = arith.cmpi ne, %convert_element_type3A, %cond3A : i32
      scf.if %cond3A_35 {
        %add3A_47 = arith.constant 1 : i32
        %add3A_48 = arith.addi %scan3A_26, %add3A_47 : i32
        %mul3A_49 = arith.constant 128 : i32
        %mul3A_50 = arith.muli %add3A_48, %mul3A_49 : i32
        %add3A_51 = arith.addi %mul3A_4, %mul3A_50 : i32
        "tpu.region"() ({
          %run_scoped3A_64 = tpu.sem_alloc : memref<!tpu.dma_semaphore, #tpu.memory_space<semaphore_mem>>
          %dma_start3A_65 = arith.constant 0 : i32
          %dma_start3A_66 = tpu.memref_slice %arg7[%rem3A_31, %dma_start3A_65] : memref<2x128xi32, #tpu.memory_space<vmem>> -> memref<1x128xi32, #tpu.memory_space<vmem>>
          %dma_start3A_67 = tpu.memref_squeeze %dma_start3A_66 : memref<1x128xi32, #tpu.memory_space<vmem>> -> memref<128xi32, #tpu.memory_space<vmem>>
          %dma_start3A_68 = tpu.memref_slice %arg3[%add3A_51] : memref<323584xi32, #tpu.memory_space<hbm>> -> memref<128xi32, #tpu.memory_space<hbm>>
          %dma_start3A_69 = arith.constant 0 : i32
          %dma_start3A_70 = tpu.memref_slice %arg7[%rem3A_31, %dma_start3A_69] : memref<2x128xi32, #tpu.memory_space<vmem>> -> memref<1x128xi32, #tpu.memory_space<vmem>>
          %dma_start3A_71 = tpu.memref_squeeze %dma_start3A_70 : memref<1x128xi32, #tpu.memory_space<vmem>> -> memref<128xi32, #tpu.memory_space<vmem>>
          %dma_start3A_72 = tpu.memref_slice %arg3[%add3A_51] : memref<323584xi32, #tpu.memory_space<hbm>> -> memref<128xi32, #tpu.memory_space<hbm>>
          tpu.enqueue_dma source(%dma_start3A_72 : memref<128xi32, #tpu.memory_space<hbm>>) target(%dma_start3A_71 : memref<128xi32, #tpu.memory_space<vmem>>) target_semaphore(%run_scoped3A_64 : memref<!tpu.dma_semaphore, #tpu.memory_space<semaphore_mem>>)
          %dma_wait3A_73 = arith.constant 0 : i32
          %dma_wait3A_74 = tpu.memref_slice %arg7[%rem3A_31, %dma_wait3A_73] : memref<2x128xi32, #tpu.memory_space<vmem>> -> memref<1x128xi32, #tpu.memory_space<vmem>>
          %dma_wait3A_75 = tpu.memref_squeeze %dma_wait3A_74 : memref<1x128xi32, #tpu.memory_space<vmem>> -> memref<128xi32, #tpu.memory_space<vmem>>
          %dma_wait3A_76 = tpu.memref_slice %arg3[%add3A_51] : memref<323584xi32, #tpu.memory_space<hbm>> -> memref<128xi32, #tpu.memory_space<hbm>>
          %dma_wait3A_77 = arith.constant 0 : i32
          %dma_wait3A_78 = tpu.memref_slice %arg7[%rem3A_31, %dma_wait3A_77] : memref<2x128xi32, #tpu.memory_space<vmem>> -> memref<1x128xi32, #tpu.memory_space<vmem>>
          %dma_wait3A_79 = tpu.memref_squeeze %dma_wait3A_78 : memref<1x128xi32, #tpu.memory_space<vmem>> -> memref<128xi32, #tpu.memory_space<vmem>>
          %dma_wait3A_80 = tpu.memref_slice %arg3[%add3A_51] : memref<323584xi32, #tpu.memory_space<hbm>> -> memref<128xi32, #tpu.memory_space<hbm>>
          tpu.wait_dma2 semaphore(%run_scoped3A_64 : memref<!tpu.dma_semaphore, #tpu.memory_space<semaphore_mem>>) src(%dma_wait3A_80 : memref<128xi32, #tpu.memory_space<hbm>>) dst(%dma_wait3A_79 : memref<128xi32, #tpu.memory_space<vmem>>)
          tpu.yield
        }) : () -> ()
        "tpu.region"() ({
          %run_scoped3A_64 = tpu.sem_alloc : memref<!tpu.dma_semaphore, #tpu.memory_space<semaphore_mem>>
          %dma_start3A_65 = arith.constant 0 : i32
          %dma_start3A_66 = tpu.memref_slice %arg8[%rem3A_31, %dma_start3A_65] : memref<2x128xi32, #tpu.memory_space<vmem>> -> memref<1x128xi32, #tpu.memory_space<vmem>>
          %dma_start3A_67 = tpu.memref_squeeze %dma_start3A_66 : memref<1x128xi32, #tpu.memory_space<vmem>> -> memref<128xi32, #tpu.memory_space<vmem>>
          %dma_start3A_68 = tpu.memref_slice %arg4[%add3A_51] : memref<323584xi32, #tpu.memory_space<hbm>> -> memref<128xi32, #tpu.memory_space<hbm>>
          %dma_start3A_69 = arith.constant 0 : i32
          %dma_start3A_70 = tpu.memref_slice %arg8[%rem3A_31, %dma_start3A_69] : memref<2x128xi32, #tpu.memory_space<vmem>> -> memref<1x128xi32, #tpu.memory_space<vmem>>
          %dma_start3A_71 = tpu.memref_squeeze %dma_start3A_70 : memref<1x128xi32, #tpu.memory_space<vmem>> -> memref<128xi32, #tpu.memory_space<vmem>>
          %dma_start3A_72 = tpu.memref_slice %arg4[%add3A_51] : memref<323584xi32, #tpu.memory_space<hbm>> -> memref<128xi32, #tpu.memory_space<hbm>>
          tpu.enqueue_dma source(%dma_start3A_72 : memref<128xi32, #tpu.memory_space<hbm>>) target(%dma_start3A_71 : memref<128xi32, #tpu.memory_space<vmem>>) target_semaphore(%run_scoped3A_64 : memref<!tpu.dma_semaphore, #tpu.memory_space<semaphore_mem>>)
          %dma_wait3A_73 = arith.constant 0 : i32
          %dma_wait3A_74 = tpu.memref_slice %arg8[%rem3A_31, %dma_wait3A_73] : memref<2x128xi32, #tpu.memory_space<vmem>> -> memref<1x128xi32, #tpu.memory_space<vmem>>
          %dma_wait3A_75 = tpu.memref_squeeze %dma_wait3A_74 : memref<1x128xi32, #tpu.memory_space<vmem>> -> memref<128xi32, #tpu.memory_space<vmem>>
          %dma_wait3A_76 = tpu.memref_slice %arg4[%add3A_51] : memref<323584xi32, #tpu.memory_space<hbm>> -> memref<128xi32, #tpu.memory_space<hbm>>
          %dma_wait3A_77 = arith.constant 0 : i32
          %dma_wait3A_78 = tpu.memref_slice %arg8[%rem3A_31, %dma_wait3A_77] : memref<2x128xi32, #tpu.memory_space<vmem>> -> memref<1x128xi32, #tpu.memory_space<vmem>>
          %dma_wait3A_79 = tpu.memref_squeeze %dma_wait3A_78 : memref<1x128xi32, #tpu.memory_space<vmem>> -> memref<128xi32, #tpu.memory_space<vmem>>
          %dma_wait3A_80 = tpu.memref_slice %arg4[%add3A_51] : memref<323584xi32, #tpu.memory_space<hbm>> -> memref<128xi32, #tpu.memory_space<hbm>>
          tpu.wait_dma2 semaphore(%run_scoped3A_64 : memref<!tpu.dma_semaphore, #tpu.memory_space<semaphore_mem>>) src(%dma_wait3A_80 : memref<128xi32, #tpu.memory_space<hbm>>) dst(%dma_wait3A_79 : memref<128xi32, #tpu.memory_space<vmem>>)
          tpu.yield
        }) : () -> ()
        %dma_start3A_52 = arith.constant 0 : i32
        %dma_start3A_53 = arith.constant 0 : i32
        %dma_start3A_54 = tpu.memref_slice %arg9[%rem3A_31, %dma_start3A_52, %dma_start3A_53] : memref<2x128x128xf32, #tpu.memory_space<vmem>> -> memref<1x128x128xf32, #tpu.memory_space<vmem>>
        %dma_start3A_55 = tpu.memref_squeeze %dma_start3A_54 : memref<1x128x128xf32, #tpu.memory_space<vmem>> -> memref<128x128xf32, #tpu.memory_space<vmem>>
        %dma_start3A_56 = arith.constant 0 : i32
        %dma_start3A_57 = tpu.memref_slice %arg7[%rem3A_31, %dma_start3A_56] : memref<2x128xi32, #tpu.memory_space<vmem>> -> memref<1x128xi32, #tpu.memory_space<vmem>>
        %dma_start3A_58 = tpu.memref_squeeze %dma_start3A_57 : memref<1x128xi32, #tpu.memory_space<vmem>> -> memref<128xi32, #tpu.memory_space<vmem>>
        %dma_start3A_59 = arith.constant 0 : i32
        %dma_start3A_60 = arith.constant 0 : i32
        %dma_start3A_61 = tpu.memref_slice %arg2[%dma_start3A_59, %dma_start3A_60] : memref<10000x128xf32, #tpu.memory_space<hbm>> -> memref<10000x128xf32, #tpu.memory_space<hbm>>
        %dma_start3A_62 = tpu.memref_slice %arg11[%rem3A_31] : memref<2x!tpu.dma_semaphore, #tpu.memory_space<semaphore_mem>> -> memref<1x!tpu.dma_semaphore, #tpu.memory_space<semaphore_mem>>
        %dma_start3A_63 = tpu.memref_squeeze %dma_start3A_62 : memref<1x!tpu.dma_semaphore, #tpu.memory_space<semaphore_mem>> -> memref<!tpu.dma_semaphore, #tpu.memory_space<semaphore_mem>>
        tpu.enqueue_indirect_dma source(%dma_start3A_61 : memref<10000x128xf32, #tpu.memory_space<hbm>>) target(%dma_start3A_55 : memref<128x128xf32, #tpu.memory_space<vmem>>) offsets(%dma_start3A_58 : memref<128xi32, #tpu.memory_space<vmem>>) semaphore(%dma_start3A_63 : memref<!tpu.dma_semaphore, #tpu.memory_space<semaphore_mem>>)
      } else {
      }
      %dma_wait3A = arith.constant 0 : i32
      %dma_wait3A_36 = arith.constant 0 : i32
      %dma_wait3A_37 = tpu.memref_slice %arg9[%rem3A_27, %dma_wait3A, %dma_wait3A_36] : memref<2x128x128xf32, #tpu.memory_space<vmem>> -> memref<1x128x128xf32, #tpu.memory_space<vmem>>
      %dma_wait3A_38 = tpu.memref_squeeze %dma_wait3A_37 : memref<1x128x128xf32, #tpu.memory_space<vmem>> -> memref<128x128xf32, #tpu.memory_space<vmem>>
      %dma_wait3A_39 = arith.constant 0 : i32
      %dma_wait3A_40 = tpu.memref_slice %arg7[%rem3A_27, %dma_wait3A_39] : memref<2x128xi32, #tpu.memory_space<vmem>> -> memref<1x128xi32, #tpu.memory_space<vmem>>
      %dma_wait3A_41 = tpu.memref_squeeze %dma_wait3A_40 : memref<1x128xi32, #tpu.memory_space<vmem>> -> memref<128xi32, #tpu.memory_space<vmem>>
      %dma_wait3A_42 = arith.constant 0 : i32
      %dma_wait3A_43 = arith.constant 0 : i32
      %dma_wait3A_44 = tpu.memref_slice %arg2[%dma_wait3A_42, %dma_wait3A_43] : memref<10000x128xf32, #tpu.memory_space<hbm>> -> memref<10000x128xf32, #tpu.memory_space<hbm>>
      %dma_wait3A_45 = tpu.memref_slice %arg11[%rem3A_27] : memref<2x!tpu.dma_semaphore, #tpu.memory_space<semaphore_mem>> -> memref<1x!tpu.dma_semaphore, #tpu.memory_space<semaphore_mem>>
      %dma_wait3A_46 = tpu.memref_squeeze %dma_wait3A_45 : memref<1x!tpu.dma_semaphore, #tpu.memory_space<semaphore_mem>> -> memref<!tpu.dma_semaphore, #tpu.memory_space<semaphore_mem>>
      tpu.wait_indirect_dma semaphore(%dma_wait3A_46 : memref<!tpu.dma_semaphore, #tpu.memory_space<semaphore_mem>>) src(%dma_wait3A_44 : memref<10000x128xf32, #tpu.memory_space<hbm>>) dst(%dma_wait3A_38 : memref<128x128xf32, #tpu.memory_space<vmem>>)
      "tpu.region"() ({
        %run_scoped3A_47 = tpu.sem_alloc : memref<!tpu.dma_semaphore, #tpu.memory_space<semaphore_mem>>
        %dma_start3A_48 = arith.constant 0 : i32
        %dma_start3A_49 = arith.constant 0 : i32
        %dma_start3A_50 = tpu.memref_slice %arg9[%rem3A_27, %dma_start3A_48, %dma_start3A_49] : memref<2x128x128xf32, #tpu.memory_space<vmem>> -> memref<1x128x128xf32, #tpu.memory_space<vmem>>
        %dma_start3A_51 = tpu.memref_squeeze %dma_start3A_50 : memref<1x128x128xf32, #tpu.memory_space<vmem>> -> memref<128x128xf32, #tpu.memory_space<vmem>>
        %dma_start3A_52 = arith.constant 0 : i32
        %dma_start3A_53 = tpu.memref_slice %arg8[%rem3A_27, %dma_start3A_52] : memref<2x128xi32, #tpu.memory_space<vmem>> -> memref<1x128xi32, #tpu.memory_space<vmem>>
        %dma_start3A_54 = tpu.memref_squeeze %dma_start3A_53 : memref<1x128xi32, #tpu.memory_space<vmem>> -> memref<128xi32, #tpu.memory_space<vmem>>
        %dma_start3A_55 = arith.constant 0 : i32
        %dma_start3A_56 = arith.constant 0 : i32
        %dma_start3A_57 = tpu.memref_slice %arg10[%dma_start3A_55, %dma_start3A_56] : memref<10112x128xf32, #tpu.memory_space<vmem_shared>> -> memref<10112x128xf32, #tpu.memory_space<vmem_shared>>
        tpu.enqueue_indirect_dma source(%dma_start3A_51 : memref<128x128xf32, #tpu.memory_space<vmem>>) target(%dma_start3A_57 : memref<10112x128xf32, #tpu.memory_space<vmem_shared>>) offsets(%dma_start3A_54 : memref<128xi32, #tpu.memory_space<vmem>>) semaphore(%run_scoped3A_47 : memref<!tpu.dma_semaphore, #tpu.memory_space<semaphore_mem>>) {add = true}
        %dma_wait3A_58 = arith.constant 0 : i32
        %dma_wait3A_59 = arith.constant 0 : i32
        %dma_wait3A_60 = tpu.memref_slice %arg9[%rem3A_27, %dma_wait3A_58, %dma_wait3A_59] : memref<2x128x128xf32, #tpu.memory_space<vmem>> -> memref<1x128x128xf32, #tpu.memory_space<vmem>>
        %dma_wait3A_61 = tpu.memref_squeeze %dma_wait3A_60 : memref<1x128x128xf32, #tpu.memory_space<vmem>> -> memref<128x128xf32, #tpu.memory_space<vmem>>
        %dma_wait3A_62 = arith.constant 0 : i32
        %dma_wait3A_63 = tpu.memref_slice %arg8[%rem3A_27, %dma_wait3A_62] : memref<2x128xi32, #tpu.memory_space<vmem>> -> memref<1x128xi32, #tpu.memory_space<vmem>>
        %dma_wait3A_64 = tpu.memref_squeeze %dma_wait3A_63 : memref<1x128xi32, #tpu.memory_space<vmem>> -> memref<128xi32, #tpu.memory_space<vmem>>
        %dma_wait3A_65 = arith.constant 0 : i32
        %dma_wait3A_66 = arith.constant 0 : i32
        %dma_wait3A_67 = tpu.memref_slice %arg10[%dma_wait3A_65, %dma_wait3A_66] : memref<10112x128xf32, #tpu.memory_space<vmem_shared>> -> memref<10112x128xf32, #tpu.memory_space<vmem_shared>>
        tpu.wait_indirect_dma semaphore(%run_scoped3A_47 : memref<!tpu.dma_semaphore, #tpu.memory_space<semaphore_mem>>) src(%dma_wait3A_61 : memref<128x128xf32, #tpu.memory_space<vmem>>) dst(%dma_wait3A_67 : memref<10112x128xf32, #tpu.memory_space<vmem_shared>>)
        tpu.yield
      }) : () -> ()
    }
    %scan3A_24 = arith.constant 79 : i32
    %barrier3A_25 = arith.constant 0 : index
    tpu.barrier barrier_id(%barrier3A_25)
    "tpu.region"() ({
      %run_scoped3A_26 = tpu.sem_alloc : memref<!tpu.dma_semaphore, #tpu.memory_space<semaphore_mem>>
      %dma_start3A_27 = arith.constant 0 : i32
      %dma_start3A_28 = tpu.memref_slice %arg6[%arg0, %mul3A_0, %dma_start3A_27] : memref<2x10112x128xf32, #tpu.memory_space<hbm>> -> memref<1x632x128xf32, #tpu.memory_space<hbm>>
      %dma_start3A_29 = tpu.memref_squeeze %dma_start3A_28 : memref<1x632x128xf32, #tpu.memory_space<hbm>> -> memref<632x128xf32, #tpu.memory_space<hbm>>
      %dma_start3A_30 = arith.constant 0 : i32
      %dma_start3A_31 = tpu.memref_slice %arg10[%mul3A_0, %dma_start3A_30] : memref<10112x128xf32, #tpu.memory_space<vmem_shared>> -> memref<632x128xf32, #tpu.memory_space<vmem_shared>>
      tpu.enqueue_dma source(%dma_start3A_31 : memref<632x128xf32, #tpu.memory_space<vmem_shared>>) target(%dma_start3A_29 : memref<632x128xf32, #tpu.memory_space<hbm>>) target_semaphore(%run_scoped3A_26 : memref<!tpu.dma_semaphore, #tpu.memory_space<semaphore_mem>>)
      %dma_wait3A = arith.constant 0 : i32
      %dma_wait3A_32 = tpu.memref_slice %arg6[%arg0, %mul3A_0, %dma_wait3A] : memref<2x10112x128xf32, #tpu.memory_space<hbm>> -> memref<1x632x128xf32, #tpu.memory_space<hbm>>
      %dma_wait3A_33 = tpu.memref_squeeze %dma_wait3A_32 : memref<1x632x128xf32, #tpu.memory_space<hbm>> -> memref<632x128xf32, #tpu.memory_space<hbm>>
      %dma_wait3A_34 = arith.constant 0 : i32
      %dma_wait3A_35 = tpu.memref_slice %arg10[%mul3A_0, %dma_wait3A_34] : memref<10112x128xf32, #tpu.memory_space<vmem_shared>> -> memref<632x128xf32, #tpu.memory_space<vmem_shared>>
      tpu.wait_dma2 semaphore(%run_scoped3A_26 : memref<!tpu.dma_semaphore, #tpu.memory_space<semaphore_mem>>) src(%dma_wait3A_35 : memref<632x128xf32, #tpu.memory_space<vmem_shared>>) dst(%dma_wait3A_33 : memref<632x128xf32, #tpu.memory_space<hbm>>)
      tpu.yield
    }) : () -> ()
    return
  }
}

#map = affine_map<(d0, d1) -> (0, 0)>
#map1 = affine_map<(d0, d1) -> (0)>
#map2 = affine_map<(d0, d1) -> (0, 0, 0)>
module attributes {stable_mosaic.version = 14 : i64} {
  func.func @spmm(%arg0: i32, %arg1: i32, %arg2: memref<10000x128xf32, #tpu.memory_space<hbm>>, %arg3: memref<323584xi32, #tpu.memory_space<hbm>>, %arg4: memref<323584xi32, #tpu.memory_space<hbm>>, %arg5: memref<704x128xf32, #tpu.memory_space<hbm>>, %arg6: memref<2x10112x128xf32, #tpu.memory_space<hbm>>, %arg7: memref<2x128xi32, #tpu.memory_space<vmem>>, %arg8: memref<2x128xi32, #tpu.memory_space<vmem>>, %arg9: memref<2x128x128xf32, #tpu.memory_space<vmem>>, %arg10: memref<10112x128xf32, #tpu.memory_space<vmem_shared>>, %arg11: memref<2x!tpu.dma_semaphore, #tpu.memory_space<semaphore_mem>>) attributes {dimension_semantics = [#tpu.dimension_semantics<core_parallel>, #tpu.dimension_semantics<subcore_parallel>], iteration_bounds = array<i64: 2, 16>, scalar_prefetch = 0 : i64, scratch_operands = 5 : i64, tpu.core_type = #tpu.core_type<sc_vector_subcore>, window_params = [{transform_indices = #map}, {transform_indices = #map1}, {transform_indices = #map1}, {transform_indices = #map}, {transform_indices = #map2}]} {
    %mul3A = arith.constant 632 : i32
    %mul3A_0 = arith.muli %arg1, %mul3A : i32
    "tpu.region"() ({
      %run_scoped3A_26 = tpu.sem_alloc : memref<!tpu.dma_semaphore, #tpu.memory_space<semaphore_mem>>
      %dma_start3A_27 = arith.constant 0 : i32
      %dma_start3A_28 = tpu.memref_slice %arg10[%mul3A_0, %dma_start3A_27] : memref<10112x128xf32, #tpu.memory_space<vmem_shared>> -> memref<632x128xf32, #tpu.memory_space<vmem_shared>>
      %dma_start3A_29 = arith.constant 0 : i32
      %dma_start3A_30 = arith.constant 0 : i32
      %dma_start3A_31 = tpu.memref_slice %arg5[%dma_start3A_29, %dma_start3A_30] : memref<704x128xf32, #tpu.memory_space<hbm>> -> memref<632x128xf32, #tpu.memory_space<hbm>>
      tpu.enqueue_dma source(%dma_start3A_31 : memref<632x128xf32, #tpu.memory_space<hbm>>) target(%dma_start3A_28 : memref<632x128xf32, #tpu.memory_space<vmem_shared>>) target_semaphore(%run_scoped3A_26 : memref<!tpu.dma_semaphore, #tpu.memory_space<semaphore_mem>>)
      %dma_wait3A = arith.constant 0 : i32
      %dma_wait3A_32 = tpu.memref_slice %arg10[%mul3A_0, %dma_wait3A] : memref<10112x128xf32, #tpu.memory_space<vmem_shared>> -> memref<632x128xf32, #tpu.memory_space<vmem_shared>>
      %dma_wait3A_33 = arith.constant 0 : i32
      %dma_wait3A_34 = arith.constant 0 : i32
      %dma_wait3A_35 = tpu.memref_slice %arg5[%dma_wait3A_33, %dma_wait3A_34] : memref<704x128xf32, #tpu.memory_space<hbm>> -> memref<632x128xf32, #tpu.memory_space<hbm>>
      tpu.wait_dma2 semaphore(%run_scoped3A_26 : memref<!tpu.dma_semaphore, #tpu.memory_space<semaphore_mem>>) src(%dma_wait3A_35 : memref<632x128xf32, #tpu.memory_space<hbm>>) dst(%dma_wait3A_32 : memref<632x128xf32, #tpu.memory_space<vmem_shared>>)
      tpu.yield
    }) : () -> ()
    %mul3A_1 = arith.constant 16 : i32
    %mul3A_2 = arith.muli %arg0, %mul3A_1 : i32
    %add3A = arith.addi %mul3A_2, %arg1 : i32
    %mul3A_3 = arith.constant 10112 : i32
    %mul3A_4 = arith.muli %add3A, %mul3A_3 : i32
    %barrier3A = arith.constant 0 : index
    tpu.barrier barrier_id(%barrier3A)
    %run_scoped3A = arith.constant 0 : i32
    "tpu.region"() ({
      %run_scoped3A_26 = tpu.sem_alloc : memref<!tpu.dma_semaphore, #tpu.memory_space<semaphore_mem>>
      %dma_start3A_27 = arith.constant 0 : i32
      %dma_start3A_28 = tpu.memref_slice %arg7[%run_scoped3A, %dma_start3A_27] : memref<2x128xi32, #tpu.memory_space<vmem>> -> memref<1x128xi32, #tpu.memory_space<vmem>>
      %dma_start3A_29 = tpu.memref_squeeze %dma_start3A_28 : memref<1x128xi32, #tpu.memory_space<vmem>> -> memref<128xi32, #tpu.memory_space<vmem>>
      %dma_start3A_30 = tpu.memref_slice %arg3[%mul3A_4] : memref<323584xi32, #tpu.memory_space<hbm>> -> memref<128xi32, #tpu.memory_space<hbm>>
      %dma_start3A_31 = arith.constant 0 : i32
      %dma_start3A_32 = tpu.memref_slice %arg7[%run_scoped3A, %dma_start3A_31] : memref<2x128xi32, #tpu.memory_space<vmem>> -> memref<1x128xi32, #tpu.memory_space<vmem>>
      %dma_start3A_33 = tpu.memref_squeeze %dma_start3A_32 : memref<1x128xi32, #tpu.memory_space<vmem>> -> memref<128xi32, #tpu.memory_space<vmem>>
      %dma_start3A_34 = tpu.memref_slice %arg3[%mul3A_4] : memref<323584xi32, #tpu.memory_space<hbm>> -> memref<128xi32, #tpu.memory_space<hbm>>
      tpu.enqueue_dma source(%dma_start3A_34 : memref<128xi32, #tpu.memory_space<hbm>>) target(%dma_start3A_33 : memref<128xi32, #tpu.memory_space<vmem>>) target_semaphore(%run_scoped3A_26 : memref<!tpu.dma_semaphore, #tpu.memory_space<semaphore_mem>>)
      %dma_wait3A = arith.constant 0 : i32
      %dma_wait3A_35 = tpu.memref_slice %arg7[%run_scoped3A, %dma_wait3A] : memref<2x128xi32, #tpu.memory_space<vmem>> -> memref<1x128xi32, #tpu.memory_space<vmem>>
      %dma_wait3A_36 = tpu.memref_squeeze %dma_wait3A_35 : memref<1x128xi32, #tpu.memory_space<vmem>> -> memref<128xi32, #tpu.memory_space<vmem>>
      %dma_wait3A_37 = tpu.memref_slice %arg3[%mul3A_4] : memref<323584xi32, #tpu.memory_space<hbm>> -> memref<128xi32, #tpu.memory_space<hbm>>
      %dma_wait3A_38 = arith.constant 0 : i32
      %dma_wait3A_39 = tpu.memref_slice %arg7[%run_scoped3A, %dma_wait3A_38] : memref<2x128xi32, #tpu.memory_space<vmem>> -> memref<1x128xi32, #tpu.memory_space<vmem>>
      %dma_wait3A_40 = tpu.memref_squeeze %dma_wait3A_39 : memref<1x128xi32, #tpu.memory_space<vmem>> -> memref<128xi32, #tpu.memory_space<vmem>>
      %dma_wait3A_41 = tpu.memref_slice %arg3[%mul3A_4] : memref<323584xi32, #tpu.memory_space<hbm>> -> memref<128xi32, #tpu.memory_space<hbm>>
      tpu.wait_dma2 semaphore(%run_scoped3A_26 : memref<!tpu.dma_semaphore, #tpu.memory_space<semaphore_mem>>) src(%dma_wait3A_41 : memref<128xi32, #tpu.memory_space<hbm>>) dst(%dma_wait3A_40 : memref<128xi32, #tpu.memory_space<vmem>>)
      tpu.yield
    }) : () -> ()
    %run_scoped3A_5 = arith.constant 0 : i32
    "tpu.region"() ({
      %run_scoped3A_26 = tpu.sem_alloc : memref<!tpu.dma_semaphore, #tpu.memory_space<semaphore_mem>>
      %dma_start3A_27 = arith.constant 0 : i32
      %dma_start3A_28 = tpu.memref_slice %arg8[%run_scoped3A_5, %dma_start3A_27] : memref<2x128xi32, #tpu.memory_space<vmem>> -> memref<1x128xi32, #tpu.memory_space<vmem>>
      %dma_start3A_29 = tpu.memref_squeeze %dma_start3A_28 : memref<1x128xi32, #tpu.memory_space<vmem>> -> memref<128xi32, #tpu.memory_space<vmem>>
      %dma_start3A_30 = tpu.memref_slice %arg4[%mul3A_4] : memref<323584xi32, #tpu.memory_space<hbm>> -> memref<128xi32, #tpu.memory_space<hbm>>
      %dma_start3A_31 = arith.constant 0 : i32
      %dma_start3A_32 = tpu.memref_slice %arg8[%run_scoped3A_5, %dma_start3A_31] : memref<2x128xi32, #tpu.memory_space<vmem>> -> memref<1x128xi32, #tpu.memory_space<vmem>>
      %dma_start3A_33 = tpu.memref_squeeze %dma_start3A_32 : memref<1x128xi32, #tpu.memory_space<vmem>> -> memref<128xi32, #tpu.memory_space<vmem>>
      %dma_start3A_34 = tpu.memref_slice %arg4[%mul3A_4] : memref<323584xi32, #tpu.memory_space<hbm>> -> memref<128xi32, #tpu.memory_space<hbm>>
      tpu.enqueue_dma source(%dma_start3A_34 : memref<128xi32, #tpu.memory_space<hbm>>) target(%dma_start3A_33 : memref<128xi32, #tpu.memory_space<vmem>>) target_semaphore(%run_scoped3A_26 : memref<!tpu.dma_semaphore, #tpu.memory_space<semaphore_mem>>)
      %dma_wait3A = arith.constant 0 : i32
      %dma_wait3A_35 = tpu.memref_slice %arg8[%run_scoped3A_5, %dma_wait3A] : memref<2x128xi32, #tpu.memory_space<vmem>> -> memref<1x128xi32, #tpu.memory_space<vmem>>
      %dma_wait3A_36 = tpu.memref_squeeze %dma_wait3A_35 : memref<1x128xi32, #tpu.memory_space<vmem>> -> memref<128xi32, #tpu.memory_space<vmem>>
      %dma_wait3A_37 = tpu.memref_slice %arg4[%mul3A_4] : memref<323584xi32, #tpu.memory_space<hbm>> -> memref<128xi32, #tpu.memory_space<hbm>>
      %dma_wait3A_38 = arith.constant 0 : i32
      %dma_wait3A_39 = tpu.memref_slice %arg8[%run_scoped3A_5, %dma_wait3A_38] : memref<2x128xi32, #tpu.memory_space<vmem>> -> memref<1x128xi32, #tpu.memory_space<vmem>>
      %dma_wait3A_40 = tpu.memref_squeeze %dma_wait3A_39 : memref<1x128xi32, #tpu.memory_space<vmem>> -> memref<128xi32, #tpu.memory_space<vmem>>
      %dma_wait3A_41 = tpu.memref_slice %arg4[%mul3A_4] : memref<323584xi32, #tpu.memory_space<hbm>> -> memref<128xi32, #tpu.memory_space<hbm>>
      tpu.wait_dma2 semaphore(%run_scoped3A_26 : memref<!tpu.dma_semaphore, #tpu.memory_space<semaphore_mem>>) src(%dma_wait3A_41 : memref<128xi32, #tpu.memory_space<hbm>>) dst(%dma_wait3A_40 : memref<128xi32, #tpu.memory_space<vmem>>)
      tpu.yield
    }) : () -> ()
    %dma_start3A = arith.constant 0 : i32
    %dma_start3A_6 = arith.constant 0 : i32
    %dma_start3A_7 = arith.constant 0 : i32
    %dma_start3A_8 = arith.constant 0 : i32
    %dma_start3A_9 = arith.constant 0 : i32
    %dma_start3A_10 = tpu.memref_slice %arg9[%dma_start3A_6, %dma_start3A_8, %dma_start3A_9] : memref<2x128x128xf32, #tpu.memory_space<vmem>> -> memref<1x128x128xf32, #tpu.memory_space<vmem>>
    %dma_start3A_11 = tpu.memref_squeeze %dma_start3A_10 : memref<1x128x128xf32, #tpu.memory_space<vmem>> -> memref<128x128xf32, #tpu.memory_space<vmem>>
    %dma_start3A_12 = arith.constant 0 : i32
    %dma_start3A_13 = tpu.memref_slice %arg7[%dma_start3A, %dma_start3A_12] : memref<2x128xi32, #tpu.memory_space<vmem>> -> memref<1x128xi32, #tpu.memory_space<vmem>>
    %dma_start3A_14 = tpu.memref_squeeze %dma_start3A_13 : memref<1x128xi32, #tpu.memory_space<vmem>> -> memref<128xi32, #tpu.memory_space<vmem>>
    %dma_start3A_15 = arith.constant 0 : i32
    %dma_start3A_16 = arith.constant 0 : i32
    %dma_start3A_17 = tpu.memref_slice %arg2[%dma_start3A_15, %dma_start3A_16] : memref<10000x128xf32, #tpu.memory_space<hbm>> -> memref<10000x128xf32, #tpu.memory_space<hbm>>
    %dma_start3A_18 = tpu.memref_slice %arg11[%dma_start3A_7] : memref<2x!tpu.dma_semaphore, #tpu.memory_space<semaphore_mem>> -> memref<1x!tpu.dma_semaphore, #tpu.memory_space<semaphore_mem>>
    %dma_start3A_19 = tpu.memref_squeeze %dma_start3A_18 : memref<1x!tpu.dma_semaphore, #tpu.memory_space<semaphore_mem>> -> memref<!tpu.dma_semaphore, #tpu.memory_space<semaphore_mem>>
    tpu.enqueue_indirect_dma source(%dma_start3A_17 : memref<10000x128xf32, #tpu.memory_space<hbm>>) target(%dma_start3A_11 : memref<128x128xf32, #tpu.memory_space<vmem>>) offsets(%dma_start3A_14 : memref<128xi32, #tpu.memory_space<vmem>>) semaphore(%dma_start3A_19 : memref<!tpu.dma_semaphore, #tpu.memory_space<semaphore_mem>>)
    %scan3A = arith.constant 0 : i32
    %scan3A_20 = arith.constant 0 : i32
    %scan3A_21 = arith.constant 79 : i32
    %scan3A_22 = arith.addi %scan3A_20, %scan3A_21 : i32
    %scan3A_23 = arith.constant 1 : i32
    scf.for %scan3A_26 = %scan3A_20 to %scan3A_22 step %scan3A_23  : i32 {
      %rem3A = arith.constant 2 : i32
      %rem3A_27 = arith.remsi %scan3A_26, %rem3A : i32
      %add3A_28 = arith.constant 1 : i32
      %add3A_29 = arith.addi %scan3A_26, %add3A_28 : i32
      %rem3A_30 = arith.constant 2 : i32
      %rem3A_31 = arith.remsi %add3A_29, %rem3A_30 : i32
      %add3A_32 = arith.constant 1 : i32
      %add3A_33 = arith.addi %scan3A_26, %add3A_32 : i32
      %lt3A = arith.constant 79 : i32
      %lt3A_34 = arith.cmpi slt, %add3A_33, %lt3A : i32
      %convert_element_type3A = arith.extui %lt3A_34 : i1 to i32
      %cond3A = arith.constant 0 : i32
      %cond3A_35 = arith.cmpi ne, %convert_element_type3A, %cond3A : i32
      scf.if %cond3A_35 {
        %add3A_47 = arith.constant 1 : i32
        %add3A_48 = arith.addi %scan3A_26, %add3A_47 : i32
        %mul3A_49 = arith.constant 128 : i32
        %mul3A_50 = arith.muli %add3A_48, %mul3A_49 : i32
        %add3A_51 = arith.addi %mul3A_4, %mul3A_50 : i32
        "tpu.region"() ({
          %run_scoped3A_64 = tpu.sem_alloc : memref<!tpu.dma_semaphore, #tpu.memory_space<semaphore_mem>>
          %dma_start3A_65 = arith.constant 0 : i32
          %dma_start3A_66 = tpu.memref_slice %arg7[%rem3A_31, %dma_start3A_65] : memref<2x128xi32, #tpu.memory_space<vmem>> -> memref<1x128xi32, #tpu.memory_space<vmem>>
          %dma_start3A_67 = tpu.memref_squeeze %dma_start3A_66 : memref<1x128xi32, #tpu.memory_space<vmem>> -> memref<128xi32, #tpu.memory_space<vmem>>
          %dma_start3A_68 = tpu.memref_slice %arg3[%add3A_51] : memref<323584xi32, #tpu.memory_space<hbm>> -> memref<128xi32, #tpu.memory_space<hbm>>
          %dma_start3A_69 = arith.constant 0 : i32
          %dma_start3A_70 = tpu.memref_slice %arg7[%rem3A_31, %dma_start3A_69] : memref<2x128xi32, #tpu.memory_space<vmem>> -> memref<1x128xi32, #tpu.memory_space<vmem>>
          %dma_start3A_71 = tpu.memref_squeeze %dma_start3A_70 : memref<1x128xi32, #tpu.memory_space<vmem>> -> memref<128xi32, #tpu.memory_space<vmem>>
          %dma_start3A_72 = tpu.memref_slice %arg3[%add3A_51] : memref<323584xi32, #tpu.memory_space<hbm>> -> memref<128xi32, #tpu.memory_space<hbm>>
          tpu.enqueue_dma source(%dma_start3A_72 : memref<128xi32, #tpu.memory_space<hbm>>) target(%dma_start3A_71 : memref<128xi32, #tpu.memory_space<vmem>>) target_semaphore(%run_scoped3A_64 : memref<!tpu.dma_semaphore, #tpu.memory_space<semaphore_mem>>)
          %dma_wait3A_73 = arith.constant 0 : i32
          %dma_wait3A_74 = tpu.memref_slice %arg7[%rem3A_31, %dma_wait3A_73] : memref<2x128xi32, #tpu.memory_space<vmem>> -> memref<1x128xi32, #tpu.memory_space<vmem>>
          %dma_wait3A_75 = tpu.memref_squeeze %dma_wait3A_74 : memref<1x128xi32, #tpu.memory_space<vmem>> -> memref<128xi32, #tpu.memory_space<vmem>>
          %dma_wait3A_76 = tpu.memref_slice %arg3[%add3A_51] : memref<323584xi32, #tpu.memory_space<hbm>> -> memref<128xi32, #tpu.memory_space<hbm>>
          %dma_wait3A_77 = arith.constant 0 : i32
          %dma_wait3A_78 = tpu.memref_slice %arg7[%rem3A_31, %dma_wait3A_77] : memref<2x128xi32, #tpu.memory_space<vmem>> -> memref<1x128xi32, #tpu.memory_space<vmem>>
          %dma_wait3A_79 = tpu.memref_squeeze %dma_wait3A_78 : memref<1x128xi32, #tpu.memory_space<vmem>> -> memref<128xi32, #tpu.memory_space<vmem>>
          %dma_wait3A_80 = tpu.memref_slice %arg3[%add3A_51] : memref<323584xi32, #tpu.memory_space<hbm>> -> memref<128xi32, #tpu.memory_space<hbm>>
          tpu.wait_dma2 semaphore(%run_scoped3A_64 : memref<!tpu.dma_semaphore, #tpu.memory_space<semaphore_mem>>) src(%dma_wait3A_80 : memref<128xi32, #tpu.memory_space<hbm>>) dst(%dma_wait3A_79 : memref<128xi32, #tpu.memory_space<vmem>>)
          tpu.yield
        }) : () -> ()
        "tpu.region"() ({
          %run_scoped3A_64 = tpu.sem_alloc : memref<!tpu.dma_semaphore, #tpu.memory_space<semaphore_mem>>
          %dma_start3A_65 = arith.constant 0 : i32
          %dma_start3A_66 = tpu.memref_slice %arg8[%rem3A_31, %dma_start3A_65] : memref<2x128xi32, #tpu.memory_space<vmem>> -> memref<1x128xi32, #tpu.memory_space<vmem>>
          %dma_start3A_67 = tpu.memref_squeeze %dma_start3A_66 : memref<1x128xi32, #tpu.memory_space<vmem>> -> memref<128xi32, #tpu.memory_space<vmem>>
          %dma_start3A_68 = tpu.memref_slice %arg4[%add3A_51] : memref<323584xi32, #tpu.memory_space<hbm>> -> memref<128xi32, #tpu.memory_space<hbm>>
          %dma_start3A_69 = arith.constant 0 : i32
          %dma_start3A_70 = tpu.memref_slice %arg8[%rem3A_31, %dma_start3A_69] : memref<2x128xi32, #tpu.memory_space<vmem>> -> memref<1x128xi32, #tpu.memory_space<vmem>>
          %dma_start3A_71 = tpu.memref_squeeze %dma_start3A_70 : memref<1x128xi32, #tpu.memory_space<vmem>> -> memref<128xi32, #tpu.memory_space<vmem>>
          %dma_start3A_72 = tpu.memref_slice %arg4[%add3A_51] : memref<323584xi32, #tpu.memory_space<hbm>> -> memref<128xi32, #tpu.memory_space<hbm>>
          tpu.enqueue_dma source(%dma_start3A_72 : memref<128xi32, #tpu.memory_space<hbm>>) target(%dma_start3A_71 : memref<128xi32, #tpu.memory_space<vmem>>) target_semaphore(%run_scoped3A_64 : memref<!tpu.dma_semaphore, #tpu.memory_space<semaphore_mem>>)
          %dma_wait3A_73 = arith.constant 0 : i32
          %dma_wait3A_74 = tpu.memref_slice %arg8[%rem3A_31, %dma_wait3A_73] : memref<2x128xi32, #tpu.memory_space<vmem>> -> memref<1x128xi32, #tpu.memory_space<vmem>>
          %dma_wait3A_75 = tpu.memref_squeeze %dma_wait3A_74 : memref<1x128xi32, #tpu.memory_space<vmem>> -> memref<128xi32, #tpu.memory_space<vmem>>
          %dma_wait3A_76 = tpu.memref_slice %arg4[%add3A_51] : memref<323584xi32, #tpu.memory_space<hbm>> -> memref<128xi32, #tpu.memory_space<hbm>>
          %dma_wait3A_77 = arith.constant 0 : i32
          %dma_wait3A_78 = tpu.memref_slice %arg8[%rem3A_31, %dma_wait3A_77] : memref<2x128xi32, #tpu.memory_space<vmem>> -> memref<1x128xi32, #tpu.memory_space<vmem>>
          %dma_wait3A_79 = tpu.memref_squeeze %dma_wait3A_78 : memref<1x128xi32, #tpu.memory_space<vmem>> -> memref<128xi32, #tpu.memory_space<vmem>>
          %dma_wait3A_80 = tpu.memref_slice %arg4[%add3A_51] : memref<323584xi32, #tpu.memory_space<hbm>> -> memref<128xi32, #tpu.memory_space<hbm>>
          tpu.wait_dma2 semaphore(%run_scoped3A_64 : memref<!tpu.dma_semaphore, #tpu.memory_space<semaphore_mem>>) src(%dma_wait3A_80 : memref<128xi32, #tpu.memory_space<hbm>>) dst(%dma_wait3A_79 : memref<128xi32, #tpu.memory_space<vmem>>)
          tpu.yield
        }) : () -> ()
        %dma_start3A_52 = arith.constant 0 : i32
        %dma_start3A_53 = arith.constant 0 : i32
        %dma_start3A_54 = tpu.memref_slice %arg9[%rem3A_31, %dma_start3A_52, %dma_start3A_53] : memref<2x128x128xf32, #tpu.memory_space<vmem>> -> memref<1x128x128xf32, #tpu.memory_space<vmem>>
        %dma_start3A_55 = tpu.memref_squeeze %dma_start3A_54 : memref<1x128x128xf32, #tpu.memory_space<vmem>> -> memref<128x128xf32, #tpu.memory_space<vmem>>
        %dma_start3A_56 = arith.constant 0 : i32
        %dma_start3A_57 = tpu.memref_slice %arg7[%rem3A_31, %dma_start3A_56] : memref<2x128xi32, #tpu.memory_space<vmem>> -> memref<1x128xi32, #tpu.memory_space<vmem>>
        %dma_start3A_58 = tpu.memref_squeeze %dma_start3A_57 : memref<1x128xi32, #tpu.memory_space<vmem>> -> memref<128xi32, #tpu.memory_space<vmem>>
        %dma_start3A_59 = arith.constant 0 : i32
        %dma_start3A_60 = arith.constant 0 : i32
        %dma_start3A_61 = tpu.memref_slice %arg2[%dma_start3A_59, %dma_start3A_60] : memref<10000x128xf32, #tpu.memory_space<hbm>> -> memref<10000x128xf32, #tpu.memory_space<hbm>>
        %dma_start3A_62 = tpu.memref_slice %arg11[%rem3A_31] : memref<2x!tpu.dma_semaphore, #tpu.memory_space<semaphore_mem>> -> memref<1x!tpu.dma_semaphore, #tpu.memory_space<semaphore_mem>>
        %dma_start3A_63 = tpu.memref_squeeze %dma_start3A_62 : memref<1x!tpu.dma_semaphore, #tpu.memory_space<semaphore_mem>> -> memref<!tpu.dma_semaphore, #tpu.memory_space<semaphore_mem>>
        tpu.enqueue_indirect_dma source(%dma_start3A_61 : memref<10000x128xf32, #tpu.memory_space<hbm>>) target(%dma_start3A_55 : memref<128x128xf32, #tpu.memory_space<vmem>>) offsets(%dma_start3A_58 : memref<128xi32, #tpu.memory_space<vmem>>) semaphore(%dma_start3A_63 : memref<!tpu.dma_semaphore, #tpu.memory_space<semaphore_mem>>)
      } else {
      }
      %dma_wait3A = arith.constant 0 : i32
      %dma_wait3A_36 = arith.constant 0 : i32
      %dma_wait3A_37 = tpu.memref_slice %arg9[%rem3A_27, %dma_wait3A, %dma_wait3A_36] : memref<2x128x128xf32, #tpu.memory_space<vmem>> -> memref<1x128x128xf32, #tpu.memory_space<vmem>>
      %dma_wait3A_38 = tpu.memref_squeeze %dma_wait3A_37 : memref<1x128x128xf32, #tpu.memory_space<vmem>> -> memref<128x128xf32, #tpu.memory_space<vmem>>
      %dma_wait3A_39 = arith.constant 0 : i32
      %dma_wait3A_40 = tpu.memref_slice %arg7[%rem3A_27, %dma_wait3A_39] : memref<2x128xi32, #tpu.memory_space<vmem>> -> memref<1x128xi32, #tpu.memory_space<vmem>>
      %dma_wait3A_41 = tpu.memref_squeeze %dma_wait3A_40 : memref<1x128xi32, #tpu.memory_space<vmem>> -> memref<128xi32, #tpu.memory_space<vmem>>
      %dma_wait3A_42 = arith.constant 0 : i32
      %dma_wait3A_43 = arith.constant 0 : i32
      %dma_wait3A_44 = tpu.memref_slice %arg2[%dma_wait3A_42, %dma_wait3A_43] : memref<10000x128xf32, #tpu.memory_space<hbm>> -> memref<10000x128xf32, #tpu.memory_space<hbm>>
      %dma_wait3A_45 = tpu.memref_slice %arg11[%rem3A_27] : memref<2x!tpu.dma_semaphore, #tpu.memory_space<semaphore_mem>> -> memref<1x!tpu.dma_semaphore, #tpu.memory_space<semaphore_mem>>
      %dma_wait3A_46 = tpu.memref_squeeze %dma_wait3A_45 : memref<1x!tpu.dma_semaphore, #tpu.memory_space<semaphore_mem>> -> memref<!tpu.dma_semaphore, #tpu.memory_space<semaphore_mem>>
      tpu.wait_indirect_dma semaphore(%dma_wait3A_46 : memref<!tpu.dma_semaphore, #tpu.memory_space<semaphore_mem>>) src(%dma_wait3A_44 : memref<10000x128xf32, #tpu.memory_space<hbm>>) dst(%dma_wait3A_38 : memref<128x128xf32, #tpu.memory_space<vmem>>)
      "tpu.region"() ({
        %run_scoped3A_47 = tpu.sem_alloc : memref<!tpu.dma_semaphore, #tpu.memory_space<semaphore_mem>>
        %dma_start3A_48 = arith.constant 0 : i32
        %dma_start3A_49 = arith.constant 0 : i32
        %dma_start3A_50 = tpu.memref_slice %arg9[%rem3A_27, %dma_start3A_48, %dma_start3A_49] : memref<2x128x128xf32, #tpu.memory_space<vmem>> -> memref<1x128x128xf32, #tpu.memory_space<vmem>>
        %dma_start3A_51 = tpu.memref_squeeze %dma_start3A_50 : memref<1x128x128xf32, #tpu.memory_space<vmem>> -> memref<128x128xf32, #tpu.memory_space<vmem>>
        %dma_start3A_52 = arith.constant 0 : i32
        %dma_start3A_53 = tpu.memref_slice %arg8[%rem3A_27, %dma_start3A_52] : memref<2x128xi32, #tpu.memory_space<vmem>> -> memref<1x128xi32, #tpu.memory_space<vmem>>
        %dma_start3A_54 = tpu.memref_squeeze %dma_start3A_53 : memref<1x128xi32, #tpu.memory_space<vmem>> -> memref<128xi32, #tpu.memory_space<vmem>>
        %dma_start3A_55 = arith.constant 0 : i32
        %dma_start3A_56 = arith.constant 0 : i32
        %dma_start3A_57 = tpu.memref_slice %arg10[%dma_start3A_55, %dma_start3A_56] : memref<10112x128xf32, #tpu.memory_space<vmem_shared>> -> memref<10112x128xf32, #tpu.memory_space<vmem_shared>>
        tpu.enqueue_indirect_dma source(%dma_start3A_51 : memref<128x128xf32, #tpu.memory_space<vmem>>) target(%dma_start3A_57 : memref<10112x128xf32, #tpu.memory_space<vmem_shared>>) offsets(%dma_start3A_54 : memref<128xi32, #tpu.memory_space<vmem>>) semaphore(%run_scoped3A_47 : memref<!tpu.dma_semaphore, #tpu.memory_space<semaphore_mem>>) {add = true}
        %dma_wait3A_58 = arith.constant 0 : i32
        %dma_wait3A_59 = arith.constant 0 : i32
        %dma_wait3A_60 = tpu.memref_slice %arg9[%rem3A_27, %dma_wait3A_58, %dma_wait3A_59] : memref<2x128x128xf32, #tpu.memory_space<vmem>> -> memref<1x128x128xf32, #tpu.memory_space<vmem>>
        %dma_wait3A_61 = tpu.memref_squeeze %dma_wait3A_60 : memref<1x128x128xf32, #tpu.memory_space<vmem>> -> memref<128x128xf32, #tpu.memory_space<vmem>>
        %dma_wait3A_62 = arith.constant 0 : i32
        %dma_wait3A_63 = tpu.memref_slice %arg8[%rem3A_27, %dma_wait3A_62] : memref<2x128xi32, #tpu.memory_space<vmem>> -> memref<1x128xi32, #tpu.memory_space<vmem>>
        %dma_wait3A_64 = tpu.memref_squeeze %dma_wait3A_63 : memref<1x128xi32, #tpu.memory_space<vmem>> -> memref<128xi32, #tpu.memory_space<vmem>>
        %dma_wait3A_65 = arith.constant 0 : i32
        %dma_wait3A_66 = arith.constant 0 : i32
        %dma_wait3A_67 = tpu.memref_slice %arg10[%dma_wait3A_65, %dma_wait3A_66] : memref<10112x128xf32, #tpu.memory_space<vmem_shared>> -> memref<10112x128xf32, #tpu.memory_space<vmem_shared>>
        tpu.wait_indirect_dma semaphore(%run_scoped3A_47 : memref<!tpu.dma_semaphore, #tpu.memory_space<semaphore_mem>>) src(%dma_wait3A_61 : memref<128x128xf32, #tpu.memory_space<vmem>>) dst(%dma_wait3A_67 : memref<10112x128xf32, #tpu.memory_space<vmem_shared>>)
        tpu.yield
      }) : () -> ()
    }
    %scan3A_24 = arith.constant 79 : i32
    %barrier3A_25 = arith.constant 0 : index
    tpu.barrier barrier_id(%barrier3A_25)
    "tpu.region"() ({
      %run_scoped3A_26 = tpu.sem_alloc : memref<!tpu.dma_semaphore, #tpu.memory_space<semaphore_mem>>
      %dma_start3A_27 = arith.constant 0 : i32
      %dma_start3A_28 = tpu.memref_slice %arg6[%arg0, %mul3A_0, %dma_start3A_27] : memref<2x10112x128xf32, #tpu.memory_space<hbm>> -> memref<1x632x128xf32, #tpu.memory_space<hbm>>
      %dma_start3A_29 = tpu.memref_squeeze %dma_start3A_28 : memref<1x632x128xf32, #tpu.memory_space<hbm>> -> memref<632x128xf32, #tpu.memory_space<hbm>>
      %dma_start3A_30 = arith.constant 0 : i32
      %dma_start3A_31 = tpu.memref_slice %arg10[%mul3A_0, %dma_start3A_30] : memref<10112x128xf32, #tpu.memory_space<vmem_shared>> -> memref<632x128xf32, #tpu.memory_space<vmem_shared>>
      tpu.enqueue_dma source(%dma_start3A_31 : memref<632x128xf32, #tpu.memory_space<vmem_shared>>) target(%dma_start3A_29 : memref<632x128xf32, #tpu.memory_space<hbm>>) target_semaphore(%run_scoped3A_26 : memref<!tpu.dma_semaphore, #tpu.memory_space<semaphore_mem>>)
      %dma_wait3A = arith.constant 0 : i32
      %dma_wait3A_32 = tpu.memref_slice %arg6[%arg0, %mul3A_0, %dma_wait3A] : memref<2x10112x128xf32, #tpu.memory_space<hbm>> -> memref<1x632x128xf32, #tpu.memory_space<hbm>>
      %dma_wait3A_33 = tpu.memref_squeeze %dma_wait3A_32 : memref<1x632x128xf32, #tpu.memory_space<hbm>> -> memref<632x128xf32, #tpu.memory_space<hbm>>
      %dma_wait3A_34 = arith.constant 0 : i32
      %dma_wait3A_35 = tpu.memref_slice %arg10[%mul3A_0, %dma_wait3A_34] : memref<10112x128xf32, #tpu.memory_space<vmem_shared>> -> memref<632x128xf32, #tpu.memory_space<vmem_shared>>
      tpu.wait_dma2 semaphore(%run_scoped3A_26 : memref<!tpu.dma_semaphore, #tpu.memory_space<semaphore_mem>>) src(%dma_wait3A_35 : memref<632x128xf32, #tpu.memory_space<vmem_shared>>) dst(%dma_wait3A_33 : memref<632x128xf32, #tpu.memory_space<hbm>>)
      tpu.yield
    }) : () -> ()
    return
  }
}

#map = affine_map<(d0, d1) -> (0, 0)>
#map1 = affine_map<(d0, d1) -> (0)>
#map2 = affine_map<(d0, d1) -> (0, 0, 0)>
module attributes {stable_mosaic.version = 14 : i64} {
  func.func @spmm(%arg0: i32, %arg1: i32, %arg2: memref<10000x128xf32, #tpu.memory_space<hbm>>, %arg3: memref<163840xi32, #tpu.memory_space<hbm>>, %arg4: memref<163840xi32, #tpu.memory_space<hbm>>, %arg5: memref<704x128xf32, #tpu.memory_space<hbm>>, %arg6: memref<2x10112x128xf32, #tpu.memory_space<hbm>>, %arg7: memref<2x128xi32, #tpu.memory_space<vmem>>, %arg8: memref<2x128xi32, #tpu.memory_space<vmem>>, %arg9: memref<2x128x128xf32, #tpu.memory_space<vmem>>, %arg10: memref<10112x128xf32, #tpu.memory_space<vmem_shared>>, %arg11: memref<2x!tpu.dma_semaphore, #tpu.memory_space<semaphore_mem>>) attributes {dimension_semantics = [#tpu.dimension_semantics<core_parallel>, #tpu.dimension_semantics<subcore_parallel>], iteration_bounds = array<i64: 2, 16>, scalar_prefetch = 0 : i64, scratch_operands = 5 : i64, tpu.core_type = #tpu.core_type<sc_vector_subcore>, window_params = [{transform_indices = #map}, {transform_indices = #map1}, {transform_indices = #map1}, {transform_indices = #map}, {transform_indices = #map2}]} {
    %mul3A = arith.constant 632 : i32
    %mul3A_0 = arith.muli %arg1, %mul3A : i32
    "tpu.region"() ({
      %run_scoped3A_26 = tpu.sem_alloc : memref<!tpu.dma_semaphore, #tpu.memory_space<semaphore_mem>>
      %dma_start3A_27 = arith.constant 0 : i32
      %dma_start3A_28 = tpu.memref_slice %arg10[%mul3A_0, %dma_start3A_27] : memref<10112x128xf32, #tpu.memory_space<vmem_shared>> -> memref<632x128xf32, #tpu.memory_space<vmem_shared>>
      %dma_start3A_29 = arith.constant 0 : i32
      %dma_start3A_30 = arith.constant 0 : i32
      %dma_start3A_31 = tpu.memref_slice %arg5[%dma_start3A_29, %dma_start3A_30] : memref<704x128xf32, #tpu.memory_space<hbm>> -> memref<632x128xf32, #tpu.memory_space<hbm>>
      tpu.enqueue_dma source(%dma_start3A_31 : memref<632x128xf32, #tpu.memory_space<hbm>>) target(%dma_start3A_28 : memref<632x128xf32, #tpu.memory_space<vmem_shared>>) target_semaphore(%run_scoped3A_26 : memref<!tpu.dma_semaphore, #tpu.memory_space<semaphore_mem>>)
      %dma_wait3A = arith.constant 0 : i32
      %dma_wait3A_32 = tpu.memref_slice %arg10[%mul3A_0, %dma_wait3A] : memref<10112x128xf32, #tpu.memory_space<vmem_shared>> -> memref<632x128xf32, #tpu.memory_space<vmem_shared>>
      %dma_wait3A_33 = arith.constant 0 : i32
      %dma_wait3A_34 = arith.constant 0 : i32
      %dma_wait3A_35 = tpu.memref_slice %arg5[%dma_wait3A_33, %dma_wait3A_34] : memref<704x128xf32, #tpu.memory_space<hbm>> -> memref<632x128xf32, #tpu.memory_space<hbm>>
      tpu.wait_dma2 semaphore(%run_scoped3A_26 : memref<!tpu.dma_semaphore, #tpu.memory_space<semaphore_mem>>) src(%dma_wait3A_35 : memref<632x128xf32, #tpu.memory_space<hbm>>) dst(%dma_wait3A_32 : memref<632x128xf32, #tpu.memory_space<vmem_shared>>)
      tpu.yield
    }) : () -> ()
    %mul3A_1 = arith.constant 16 : i32
    %mul3A_2 = arith.muli %arg0, %mul3A_1 : i32
    %add3A = arith.addi %mul3A_2, %arg1 : i32
    %mul3A_3 = arith.constant 5120 : i32
    %mul3A_4 = arith.muli %add3A, %mul3A_3 : i32
    %barrier3A = arith.constant 0 : index
    tpu.barrier barrier_id(%barrier3A)
    %run_scoped3A = arith.constant 0 : i32
    "tpu.region"() ({
      %run_scoped3A_26 = tpu.sem_alloc : memref<!tpu.dma_semaphore, #tpu.memory_space<semaphore_mem>>
      %dma_start3A_27 = arith.constant 0 : i32
      %dma_start3A_28 = tpu.memref_slice %arg7[%run_scoped3A, %dma_start3A_27] : memref<2x128xi32, #tpu.memory_space<vmem>> -> memref<1x128xi32, #tpu.memory_space<vmem>>
      %dma_start3A_29 = tpu.memref_squeeze %dma_start3A_28 : memref<1x128xi32, #tpu.memory_space<vmem>> -> memref<128xi32, #tpu.memory_space<vmem>>
      %dma_start3A_30 = tpu.memref_slice %arg3[%mul3A_4] : memref<163840xi32, #tpu.memory_space<hbm>> -> memref<128xi32, #tpu.memory_space<hbm>>
      %dma_start3A_31 = arith.constant 0 : i32
      %dma_start3A_32 = tpu.memref_slice %arg7[%run_scoped3A, %dma_start3A_31] : memref<2x128xi32, #tpu.memory_space<vmem>> -> memref<1x128xi32, #tpu.memory_space<vmem>>
      %dma_start3A_33 = tpu.memref_squeeze %dma_start3A_32 : memref<1x128xi32, #tpu.memory_space<vmem>> -> memref<128xi32, #tpu.memory_space<vmem>>
      %dma_start3A_34 = tpu.memref_slice %arg3[%mul3A_4] : memref<163840xi32, #tpu.memory_space<hbm>> -> memref<128xi32, #tpu.memory_space<hbm>>
      tpu.enqueue_dma source(%dma_start3A_34 : memref<128xi32, #tpu.memory_space<hbm>>) target(%dma_start3A_33 : memref<128xi32, #tpu.memory_space<vmem>>) target_semaphore(%run_scoped3A_26 : memref<!tpu.dma_semaphore, #tpu.memory_space<semaphore_mem>>)
      %dma_wait3A = arith.constant 0 : i32
      %dma_wait3A_35 = tpu.memref_slice %arg7[%run_scoped3A, %dma_wait3A] : memref<2x128xi32, #tpu.memory_space<vmem>> -> memref<1x128xi32, #tpu.memory_space<vmem>>
      %dma_wait3A_36 = tpu.memref_squeeze %dma_wait3A_35 : memref<1x128xi32, #tpu.memory_space<vmem>> -> memref<128xi32, #tpu.memory_space<vmem>>
      %dma_wait3A_37 = tpu.memref_slice %arg3[%mul3A_4] : memref<163840xi32, #tpu.memory_space<hbm>> -> memref<128xi32, #tpu.memory_space<hbm>>
      %dma_wait3A_38 = arith.constant 0 : i32
      %dma_wait3A_39 = tpu.memref_slice %arg7[%run_scoped3A, %dma_wait3A_38] : memref<2x128xi32, #tpu.memory_space<vmem>> -> memref<1x128xi32, #tpu.memory_space<vmem>>
      %dma_wait3A_40 = tpu.memref_squeeze %dma_wait3A_39 : memref<1x128xi32, #tpu.memory_space<vmem>> -> memref<128xi32, #tpu.memory_space<vmem>>
      %dma_wait3A_41 = tpu.memref_slice %arg3[%mul3A_4] : memref<163840xi32, #tpu.memory_space<hbm>> -> memref<128xi32, #tpu.memory_space<hbm>>
      tpu.wait_dma2 semaphore(%run_scoped3A_26 : memref<!tpu.dma_semaphore, #tpu.memory_space<semaphore_mem>>) src(%dma_wait3A_41 : memref<128xi32, #tpu.memory_space<hbm>>) dst(%dma_wait3A_40 : memref<128xi32, #tpu.memory_space<vmem>>)
      tpu.yield
    }) : () -> ()
    %run_scoped3A_5 = arith.constant 0 : i32
    "tpu.region"() ({
      %run_scoped3A_26 = tpu.sem_alloc : memref<!tpu.dma_semaphore, #tpu.memory_space<semaphore_mem>>
      %dma_start3A_27 = arith.constant 0 : i32
      %dma_start3A_28 = tpu.memref_slice %arg8[%run_scoped3A_5, %dma_start3A_27] : memref<2x128xi32, #tpu.memory_space<vmem>> -> memref<1x128xi32, #tpu.memory_space<vmem>>
      %dma_start3A_29 = tpu.memref_squeeze %dma_start3A_28 : memref<1x128xi32, #tpu.memory_space<vmem>> -> memref<128xi32, #tpu.memory_space<vmem>>
      %dma_start3A_30 = tpu.memref_slice %arg4[%mul3A_4] : memref<163840xi32, #tpu.memory_space<hbm>> -> memref<128xi32, #tpu.memory_space<hbm>>
      %dma_start3A_31 = arith.constant 0 : i32
      %dma_start3A_32 = tpu.memref_slice %arg8[%run_scoped3A_5, %dma_start3A_31] : memref<2x128xi32, #tpu.memory_space<vmem>> -> memref<1x128xi32, #tpu.memory_space<vmem>>
      %dma_start3A_33 = tpu.memref_squeeze %dma_start3A_32 : memref<1x128xi32, #tpu.memory_space<vmem>> -> memref<128xi32, #tpu.memory_space<vmem>>
      %dma_start3A_34 = tpu.memref_slice %arg4[%mul3A_4] : memref<163840xi32, #tpu.memory_space<hbm>> -> memref<128xi32, #tpu.memory_space<hbm>>
      tpu.enqueue_dma source(%dma_start3A_34 : memref<128xi32, #tpu.memory_space<hbm>>) target(%dma_start3A_33 : memref<128xi32, #tpu.memory_space<vmem>>) target_semaphore(%run_scoped3A_26 : memref<!tpu.dma_semaphore, #tpu.memory_space<semaphore_mem>>)
      %dma_wait3A = arith.constant 0 : i32
      %dma_wait3A_35 = tpu.memref_slice %arg8[%run_scoped3A_5, %dma_wait3A] : memref<2x128xi32, #tpu.memory_space<vmem>> -> memref<1x128xi32, #tpu.memory_space<vmem>>
      %dma_wait3A_36 = tpu.memref_squeeze %dma_wait3A_35 : memref<1x128xi32, #tpu.memory_space<vmem>> -> memref<128xi32, #tpu.memory_space<vmem>>
      %dma_wait3A_37 = tpu.memref_slice %arg4[%mul3A_4] : memref<163840xi32, #tpu.memory_space<hbm>> -> memref<128xi32, #tpu.memory_space<hbm>>
      %dma_wait3A_38 = arith.constant 0 : i32
      %dma_wait3A_39 = tpu.memref_slice %arg8[%run_scoped3A_5, %dma_wait3A_38] : memref<2x128xi32, #tpu.memory_space<vmem>> -> memref<1x128xi32, #tpu.memory_space<vmem>>
      %dma_wait3A_40 = tpu.memref_squeeze %dma_wait3A_39 : memref<1x128xi32, #tpu.memory_space<vmem>> -> memref<128xi32, #tpu.memory_space<vmem>>
      %dma_wait3A_41 = tpu.memref_slice %arg4[%mul3A_4] : memref<163840xi32, #tpu.memory_space<hbm>> -> memref<128xi32, #tpu.memory_space<hbm>>
      tpu.wait_dma2 semaphore(%run_scoped3A_26 : memref<!tpu.dma_semaphore, #tpu.memory_space<semaphore_mem>>) src(%dma_wait3A_41 : memref<128xi32, #tpu.memory_space<hbm>>) dst(%dma_wait3A_40 : memref<128xi32, #tpu.memory_space<vmem>>)
      tpu.yield
    }) : () -> ()
    %dma_start3A = arith.constant 0 : i32
    %dma_start3A_6 = arith.constant 0 : i32
    %dma_start3A_7 = arith.constant 0 : i32
    %dma_start3A_8 = arith.constant 0 : i32
    %dma_start3A_9 = arith.constant 0 : i32
    %dma_start3A_10 = tpu.memref_slice %arg9[%dma_start3A_6, %dma_start3A_8, %dma_start3A_9] : memref<2x128x128xf32, #tpu.memory_space<vmem>> -> memref<1x128x128xf32, #tpu.memory_space<vmem>>
    %dma_start3A_11 = tpu.memref_squeeze %dma_start3A_10 : memref<1x128x128xf32, #tpu.memory_space<vmem>> -> memref<128x128xf32, #tpu.memory_space<vmem>>
    %dma_start3A_12 = arith.constant 0 : i32
    %dma_start3A_13 = tpu.memref_slice %arg7[%dma_start3A, %dma_start3A_12] : memref<2x128xi32, #tpu.memory_space<vmem>> -> memref<1x128xi32, #tpu.memory_space<vmem>>
    %dma_start3A_14 = tpu.memref_squeeze %dma_start3A_13 : memref<1x128xi32, #tpu.memory_space<vmem>> -> memref<128xi32, #tpu.memory_space<vmem>>
    %dma_start3A_15 = arith.constant 0 : i32
    %dma_start3A_16 = arith.constant 0 : i32
    %dma_start3A_17 = tpu.memref_slice %arg2[%dma_start3A_15, %dma_start3A_16] : memref<10000x128xf32, #tpu.memory_space<hbm>> -> memref<10000x128xf32, #tpu.memory_space<hbm>>
    %dma_start3A_18 = tpu.memref_slice %arg11[%dma_start3A_7] : memref<2x!tpu.dma_semaphore, #tpu.memory_space<semaphore_mem>> -> memref<1x!tpu.dma_semaphore, #tpu.memory_space<semaphore_mem>>
    %dma_start3A_19 = tpu.memref_squeeze %dma_start3A_18 : memref<1x!tpu.dma_semaphore, #tpu.memory_space<semaphore_mem>> -> memref<!tpu.dma_semaphore, #tpu.memory_space<semaphore_mem>>
    tpu.enqueue_indirect_dma source(%dma_start3A_17 : memref<10000x128xf32, #tpu.memory_space<hbm>>) target(%dma_start3A_11 : memref<128x128xf32, #tpu.memory_space<vmem>>) offsets(%dma_start3A_14 : memref<128xi32, #tpu.memory_space<vmem>>) semaphore(%dma_start3A_19 : memref<!tpu.dma_semaphore, #tpu.memory_space<semaphore_mem>>)
    %scan3A = arith.constant 0 : i32
    %scan3A_20 = arith.constant 0 : i32
    %scan3A_21 = arith.constant 40 : i32
    %scan3A_22 = arith.addi %scan3A_20, %scan3A_21 : i32
    %scan3A_23 = arith.constant 1 : i32
    scf.for %scan3A_26 = %scan3A_20 to %scan3A_22 step %scan3A_23  : i32 {
      %rem3A = arith.constant 2 : i32
      %rem3A_27 = arith.remsi %scan3A_26, %rem3A : i32
      %add3A_28 = arith.constant 1 : i32
      %add3A_29 = arith.addi %scan3A_26, %add3A_28 : i32
      %rem3A_30 = arith.constant 2 : i32
      %rem3A_31 = arith.remsi %add3A_29, %rem3A_30 : i32
      %add3A_32 = arith.constant 1 : i32
      %add3A_33 = arith.addi %scan3A_26, %add3A_32 : i32
      %lt3A = arith.constant 40 : i32
      %lt3A_34 = arith.cmpi slt, %add3A_33, %lt3A : i32
      %convert_element_type3A = arith.extui %lt3A_34 : i1 to i32
      %cond3A = arith.constant 0 : i32
      %cond3A_35 = arith.cmpi ne, %convert_element_type3A, %cond3A : i32
      scf.if %cond3A_35 {
        %add3A_47 = arith.constant 1 : i32
        %add3A_48 = arith.addi %scan3A_26, %add3A_47 : i32
        %mul3A_49 = arith.constant 128 : i32
        %mul3A_50 = arith.muli %add3A_48, %mul3A_49 : i32
        %add3A_51 = arith.addi %mul3A_4, %mul3A_50 : i32
        "tpu.region"() ({
          %run_scoped3A_64 = tpu.sem_alloc : memref<!tpu.dma_semaphore, #tpu.memory_space<semaphore_mem>>
          %dma_start3A_65 = arith.constant 0 : i32
          %dma_start3A_66 = tpu.memref_slice %arg7[%rem3A_31, %dma_start3A_65] : memref<2x128xi32, #tpu.memory_space<vmem>> -> memref<1x128xi32, #tpu.memory_space<vmem>>
          %dma_start3A_67 = tpu.memref_squeeze %dma_start3A_66 : memref<1x128xi32, #tpu.memory_space<vmem>> -> memref<128xi32, #tpu.memory_space<vmem>>
          %dma_start3A_68 = tpu.memref_slice %arg3[%add3A_51] : memref<163840xi32, #tpu.memory_space<hbm>> -> memref<128xi32, #tpu.memory_space<hbm>>
          %dma_start3A_69 = arith.constant 0 : i32
          %dma_start3A_70 = tpu.memref_slice %arg7[%rem3A_31, %dma_start3A_69] : memref<2x128xi32, #tpu.memory_space<vmem>> -> memref<1x128xi32, #tpu.memory_space<vmem>>
          %dma_start3A_71 = tpu.memref_squeeze %dma_start3A_70 : memref<1x128xi32, #tpu.memory_space<vmem>> -> memref<128xi32, #tpu.memory_space<vmem>>
          %dma_start3A_72 = tpu.memref_slice %arg3[%add3A_51] : memref<163840xi32, #tpu.memory_space<hbm>> -> memref<128xi32, #tpu.memory_space<hbm>>
          tpu.enqueue_dma source(%dma_start3A_72 : memref<128xi32, #tpu.memory_space<hbm>>) target(%dma_start3A_71 : memref<128xi32, #tpu.memory_space<vmem>>) target_semaphore(%run_scoped3A_64 : memref<!tpu.dma_semaphore, #tpu.memory_space<semaphore_mem>>)
          %dma_wait3A_73 = arith.constant 0 : i32
          %dma_wait3A_74 = tpu.memref_slice %arg7[%rem3A_31, %dma_wait3A_73] : memref<2x128xi32, #tpu.memory_space<vmem>> -> memref<1x128xi32, #tpu.memory_space<vmem>>
          %dma_wait3A_75 = tpu.memref_squeeze %dma_wait3A_74 : memref<1x128xi32, #tpu.memory_space<vmem>> -> memref<128xi32, #tpu.memory_space<vmem>>
          %dma_wait3A_76 = tpu.memref_slice %arg3[%add3A_51] : memref<163840xi32, #tpu.memory_space<hbm>> -> memref<128xi32, #tpu.memory_space<hbm>>
          %dma_wait3A_77 = arith.constant 0 : i32
          %dma_wait3A_78 = tpu.memref_slice %arg7[%rem3A_31, %dma_wait3A_77] : memref<2x128xi32, #tpu.memory_space<vmem>> -> memref<1x128xi32, #tpu.memory_space<vmem>>
          %dma_wait3A_79 = tpu.memref_squeeze %dma_wait3A_78 : memref<1x128xi32, #tpu.memory_space<vmem>> -> memref<128xi32, #tpu.memory_space<vmem>>
          %dma_wait3A_80 = tpu.memref_slice %arg3[%add3A_51] : memref<163840xi32, #tpu.memory_space<hbm>> -> memref<128xi32, #tpu.memory_space<hbm>>
          tpu.wait_dma2 semaphore(%run_scoped3A_64 : memref<!tpu.dma_semaphore, #tpu.memory_space<semaphore_mem>>) src(%dma_wait3A_80 : memref<128xi32, #tpu.memory_space<hbm>>) dst(%dma_wait3A_79 : memref<128xi32, #tpu.memory_space<vmem>>)
          tpu.yield
        }) : () -> ()
        "tpu.region"() ({
          %run_scoped3A_64 = tpu.sem_alloc : memref<!tpu.dma_semaphore, #tpu.memory_space<semaphore_mem>>
          %dma_start3A_65 = arith.constant 0 : i32
          %dma_start3A_66 = tpu.memref_slice %arg8[%rem3A_31, %dma_start3A_65] : memref<2x128xi32, #tpu.memory_space<vmem>> -> memref<1x128xi32, #tpu.memory_space<vmem>>
          %dma_start3A_67 = tpu.memref_squeeze %dma_start3A_66 : memref<1x128xi32, #tpu.memory_space<vmem>> -> memref<128xi32, #tpu.memory_space<vmem>>
          %dma_start3A_68 = tpu.memref_slice %arg4[%add3A_51] : memref<163840xi32, #tpu.memory_space<hbm>> -> memref<128xi32, #tpu.memory_space<hbm>>
          %dma_start3A_69 = arith.constant 0 : i32
          %dma_start3A_70 = tpu.memref_slice %arg8[%rem3A_31, %dma_start3A_69] : memref<2x128xi32, #tpu.memory_space<vmem>> -> memref<1x128xi32, #tpu.memory_space<vmem>>
          %dma_start3A_71 = tpu.memref_squeeze %dma_start3A_70 : memref<1x128xi32, #tpu.memory_space<vmem>> -> memref<128xi32, #tpu.memory_space<vmem>>
          %dma_start3A_72 = tpu.memref_slice %arg4[%add3A_51] : memref<163840xi32, #tpu.memory_space<hbm>> -> memref<128xi32, #tpu.memory_space<hbm>>
          tpu.enqueue_dma source(%dma_start3A_72 : memref<128xi32, #tpu.memory_space<hbm>>) target(%dma_start3A_71 : memref<128xi32, #tpu.memory_space<vmem>>) target_semaphore(%run_scoped3A_64 : memref<!tpu.dma_semaphore, #tpu.memory_space<semaphore_mem>>)
          %dma_wait3A_73 = arith.constant 0 : i32
          %dma_wait3A_74 = tpu.memref_slice %arg8[%rem3A_31, %dma_wait3A_73] : memref<2x128xi32, #tpu.memory_space<vmem>> -> memref<1x128xi32, #tpu.memory_space<vmem>>
          %dma_wait3A_75 = tpu.memref_squeeze %dma_wait3A_74 : memref<1x128xi32, #tpu.memory_space<vmem>> -> memref<128xi32, #tpu.memory_space<vmem>>
          %dma_wait3A_76 = tpu.memref_slice %arg4[%add3A_51] : memref<163840xi32, #tpu.memory_space<hbm>> -> memref<128xi32, #tpu.memory_space<hbm>>
          %dma_wait3A_77 = arith.constant 0 : i32
          %dma_wait3A_78 = tpu.memref_slice %arg8[%rem3A_31, %dma_wait3A_77] : memref<2x128xi32, #tpu.memory_space<vmem>> -> memref<1x128xi32, #tpu.memory_space<vmem>>
          %dma_wait3A_79 = tpu.memref_squeeze %dma_wait3A_78 : memref<1x128xi32, #tpu.memory_space<vmem>> -> memref<128xi32, #tpu.memory_space<vmem>>
          %dma_wait3A_80 = tpu.memref_slice %arg4[%add3A_51] : memref<163840xi32, #tpu.memory_space<hbm>> -> memref<128xi32, #tpu.memory_space<hbm>>
          tpu.wait_dma2 semaphore(%run_scoped3A_64 : memref<!tpu.dma_semaphore, #tpu.memory_space<semaphore_mem>>) src(%dma_wait3A_80 : memref<128xi32, #tpu.memory_space<hbm>>) dst(%dma_wait3A_79 : memref<128xi32, #tpu.memory_space<vmem>>)
          tpu.yield
        }) : () -> ()
        %dma_start3A_52 = arith.constant 0 : i32
        %dma_start3A_53 = arith.constant 0 : i32
        %dma_start3A_54 = tpu.memref_slice %arg9[%rem3A_31, %dma_start3A_52, %dma_start3A_53] : memref<2x128x128xf32, #tpu.memory_space<vmem>> -> memref<1x128x128xf32, #tpu.memory_space<vmem>>
        %dma_start3A_55 = tpu.memref_squeeze %dma_start3A_54 : memref<1x128x128xf32, #tpu.memory_space<vmem>> -> memref<128x128xf32, #tpu.memory_space<vmem>>
        %dma_start3A_56 = arith.constant 0 : i32
        %dma_start3A_57 = tpu.memref_slice %arg7[%rem3A_31, %dma_start3A_56] : memref<2x128xi32, #tpu.memory_space<vmem>> -> memref<1x128xi32, #tpu.memory_space<vmem>>
        %dma_start3A_58 = tpu.memref_squeeze %dma_start3A_57 : memref<1x128xi32, #tpu.memory_space<vmem>> -> memref<128xi32, #tpu.memory_space<vmem>>
        %dma_start3A_59 = arith.constant 0 : i32
        %dma_start3A_60 = arith.constant 0 : i32
        %dma_start3A_61 = tpu.memref_slice %arg2[%dma_start3A_59, %dma_start3A_60] : memref<10000x128xf32, #tpu.memory_space<hbm>> -> memref<10000x128xf32, #tpu.memory_space<hbm>>
        %dma_start3A_62 = tpu.memref_slice %arg11[%rem3A_31] : memref<2x!tpu.dma_semaphore, #tpu.memory_space<semaphore_mem>> -> memref<1x!tpu.dma_semaphore, #tpu.memory_space<semaphore_mem>>
        %dma_start3A_63 = tpu.memref_squeeze %dma_start3A_62 : memref<1x!tpu.dma_semaphore, #tpu.memory_space<semaphore_mem>> -> memref<!tpu.dma_semaphore, #tpu.memory_space<semaphore_mem>>
        tpu.enqueue_indirect_dma source(%dma_start3A_61 : memref<10000x128xf32, #tpu.memory_space<hbm>>) target(%dma_start3A_55 : memref<128x128xf32, #tpu.memory_space<vmem>>) offsets(%dma_start3A_58 : memref<128xi32, #tpu.memory_space<vmem>>) semaphore(%dma_start3A_63 : memref<!tpu.dma_semaphore, #tpu.memory_space<semaphore_mem>>)
      } else {
      }
      %dma_wait3A = arith.constant 0 : i32
      %dma_wait3A_36 = arith.constant 0 : i32
      %dma_wait3A_37 = tpu.memref_slice %arg9[%rem3A_27, %dma_wait3A, %dma_wait3A_36] : memref<2x128x128xf32, #tpu.memory_space<vmem>> -> memref<1x128x128xf32, #tpu.memory_space<vmem>>
      %dma_wait3A_38 = tpu.memref_squeeze %dma_wait3A_37 : memref<1x128x128xf32, #tpu.memory_space<vmem>> -> memref<128x128xf32, #tpu.memory_space<vmem>>
      %dma_wait3A_39 = arith.constant 0 : i32
      %dma_wait3A_40 = tpu.memref_slice %arg7[%rem3A_27, %dma_wait3A_39] : memref<2x128xi32, #tpu.memory_space<vmem>> -> memref<1x128xi32, #tpu.memory_space<vmem>>
      %dma_wait3A_41 = tpu.memref_squeeze %dma_wait3A_40 : memref<1x128xi32, #tpu.memory_space<vmem>> -> memref<128xi32, #tpu.memory_space<vmem>>
      %dma_wait3A_42 = arith.constant 0 : i32
      %dma_wait3A_43 = arith.constant 0 : i32
      %dma_wait3A_44 = tpu.memref_slice %arg2[%dma_wait3A_42, %dma_wait3A_43] : memref<10000x128xf32, #tpu.memory_space<hbm>> -> memref<10000x128xf32, #tpu.memory_space<hbm>>
      %dma_wait3A_45 = tpu.memref_slice %arg11[%rem3A_27] : memref<2x!tpu.dma_semaphore, #tpu.memory_space<semaphore_mem>> -> memref<1x!tpu.dma_semaphore, #tpu.memory_space<semaphore_mem>>
      %dma_wait3A_46 = tpu.memref_squeeze %dma_wait3A_45 : memref<1x!tpu.dma_semaphore, #tpu.memory_space<semaphore_mem>> -> memref<!tpu.dma_semaphore, #tpu.memory_space<semaphore_mem>>
      tpu.wait_indirect_dma semaphore(%dma_wait3A_46 : memref<!tpu.dma_semaphore, #tpu.memory_space<semaphore_mem>>) src(%dma_wait3A_44 : memref<10000x128xf32, #tpu.memory_space<hbm>>) dst(%dma_wait3A_38 : memref<128x128xf32, #tpu.memory_space<vmem>>)
      "tpu.region"() ({
        %run_scoped3A_47 = tpu.sem_alloc : memref<!tpu.dma_semaphore, #tpu.memory_space<semaphore_mem>>
        %dma_start3A_48 = arith.constant 0 : i32
        %dma_start3A_49 = arith.constant 0 : i32
        %dma_start3A_50 = tpu.memref_slice %arg9[%rem3A_27, %dma_start3A_48, %dma_start3A_49] : memref<2x128x128xf32, #tpu.memory_space<vmem>> -> memref<1x128x128xf32, #tpu.memory_space<vmem>>
        %dma_start3A_51 = tpu.memref_squeeze %dma_start3A_50 : memref<1x128x128xf32, #tpu.memory_space<vmem>> -> memref<128x128xf32, #tpu.memory_space<vmem>>
        %dma_start3A_52 = arith.constant 0 : i32
        %dma_start3A_53 = tpu.memref_slice %arg8[%rem3A_27, %dma_start3A_52] : memref<2x128xi32, #tpu.memory_space<vmem>> -> memref<1x128xi32, #tpu.memory_space<vmem>>
        %dma_start3A_54 = tpu.memref_squeeze %dma_start3A_53 : memref<1x128xi32, #tpu.memory_space<vmem>> -> memref<128xi32, #tpu.memory_space<vmem>>
        %dma_start3A_55 = arith.constant 0 : i32
        %dma_start3A_56 = arith.constant 0 : i32
        %dma_start3A_57 = tpu.memref_slice %arg10[%dma_start3A_55, %dma_start3A_56] : memref<10112x128xf32, #tpu.memory_space<vmem_shared>> -> memref<10112x128xf32, #tpu.memory_space<vmem_shared>>
        tpu.enqueue_indirect_dma source(%dma_start3A_51 : memref<128x128xf32, #tpu.memory_space<vmem>>) target(%dma_start3A_57 : memref<10112x128xf32, #tpu.memory_space<vmem_shared>>) offsets(%dma_start3A_54 : memref<128xi32, #tpu.memory_space<vmem>>) semaphore(%run_scoped3A_47 : memref<!tpu.dma_semaphore, #tpu.memory_space<semaphore_mem>>) {add = true}
        %dma_wait3A_58 = arith.constant 0 : i32
        %dma_wait3A_59 = arith.constant 0 : i32
        %dma_wait3A_60 = tpu.memref_slice %arg9[%rem3A_27, %dma_wait3A_58, %dma_wait3A_59] : memref<2x128x128xf32, #tpu.memory_space<vmem>> -> memref<1x128x128xf32, #tpu.memory_space<vmem>>
        %dma_wait3A_61 = tpu.memref_squeeze %dma_wait3A_60 : memref<1x128x128xf32, #tpu.memory_space<vmem>> -> memref<128x128xf32, #tpu.memory_space<vmem>>
        %dma_wait3A_62 = arith.constant 0 : i32
        %dma_wait3A_63 = tpu.memref_slice %arg8[%rem3A_27, %dma_wait3A_62] : memref<2x128xi32, #tpu.memory_space<vmem>> -> memref<1x128xi32, #tpu.memory_space<vmem>>
        %dma_wait3A_64 = tpu.memref_squeeze %dma_wait3A_63 : memref<1x128xi32, #tpu.memory_space<vmem>> -> memref<128xi32, #tpu.memory_space<vmem>>
        %dma_wait3A_65 = arith.constant 0 : i32
        %dma_wait3A_66 = arith.constant 0 : i32
        %dma_wait3A_67 = tpu.memref_slice %arg10[%dma_wait3A_65, %dma_wait3A_66] : memref<10112x128xf32, #tpu.memory_space<vmem_shared>> -> memref<10112x128xf32, #tpu.memory_space<vmem_shared>>
        tpu.wait_indirect_dma semaphore(%run_scoped3A_47 : memref<!tpu.dma_semaphore, #tpu.memory_space<semaphore_mem>>) src(%dma_wait3A_61 : memref<128x128xf32, #tpu.memory_space<vmem>>) dst(%dma_wait3A_67 : memref<10112x128xf32, #tpu.memory_space<vmem_shared>>)
        tpu.yield
      }) : () -> ()
    }
    %scan3A_24 = arith.constant 40 : i32
    %barrier3A_25 = arith.constant 0 : index
    tpu.barrier barrier_id(%barrier3A_25)
    "tpu.region"() ({
      %run_scoped3A_26 = tpu.sem_alloc : memref<!tpu.dma_semaphore, #tpu.memory_space<semaphore_mem>>
      %dma_start3A_27 = arith.constant 0 : i32
      %dma_start3A_28 = tpu.memref_slice %arg6[%arg0, %mul3A_0, %dma_start3A_27] : memref<2x10112x128xf32, #tpu.memory_space<hbm>> -> memref<1x632x128xf32, #tpu.memory_space<hbm>>
      %dma_start3A_29 = tpu.memref_squeeze %dma_start3A_28 : memref<1x632x128xf32, #tpu.memory_space<hbm>> -> memref<632x128xf32, #tpu.memory_space<hbm>>
      %dma_start3A_30 = arith.constant 0 : i32
      %dma_start3A_31 = tpu.memref_slice %arg10[%mul3A_0, %dma_start3A_30] : memref<10112x128xf32, #tpu.memory_space<vmem_shared>> -> memref<632x128xf32, #tpu.memory_space<vmem_shared>>
      tpu.enqueue_dma source(%dma_start3A_31 : memref<632x128xf32, #tpu.memory_space<vmem_shared>>) target(%dma_start3A_29 : memref<632x128xf32, #tpu.memory_space<hbm>>) target_semaphore(%run_scoped3A_26 : memref<!tpu.dma_semaphore, #tpu.memory_space<semaphore_mem>>)
      %dma_wait3A = arith.constant 0 : i32
      %dma_wait3A_32 = tpu.memref_slice %arg6[%arg0, %mul3A_0, %dma_wait3A] : memref<2x10112x128xf32, #tpu.memory_space<hbm>> -> memref<1x632x128xf32, #tpu.memory_space<hbm>>
      %dma_wait3A_33 = tpu.memref_squeeze %dma_wait3A_32 : memref<1x632x128xf32, #tpu.memory_space<hbm>> -> memref<632x128xf32, #tpu.memory_space<hbm>>
      %dma_wait3A_34 = arith.constant 0 : i32
      %dma_wait3A_35 = tpu.memref_slice %arg10[%mul3A_0, %dma_wait3A_34] : memref<10112x128xf32, #tpu.memory_space<vmem_shared>> -> memref<632x128xf32, #tpu.memory_space<vmem_shared>>
      tpu.wait_dma2 semaphore(%run_scoped3A_26 : memref<!tpu.dma_semaphore, #tpu.memory_space<semaphore_mem>>) src(%dma_wait3A_35 : memref<632x128xf32, #tpu.memory_space<vmem_shared>>) dst(%dma_wait3A_33 : memref<632x128xf32, #tpu.memory_space<hbm>>)
      tpu.yield
    }) : () -> ()
    return
  }
}

module attributes {stable_mosaic.version = 14 : i64} {
  func.func @_gcn_body(%arg0: i32, %arg1: memref<2000x128xf32, #tpu.memory_space<vmem>>, %arg2: memref<128x128xf32, #tpu.memory_space<vmem>>, %arg3: memref<128x128xf32, #tpu.memory_space<vmem>>, %arg4: memref<128x128xf32, #tpu.memory_space<vmem>>, %arg5: memref<1x128xf32, #tpu.memory_space<vmem>>, %arg6: memref<2000x128xf32, #tpu.memory_space<vmem>>, %arg7: memref<2000x128xf32, #tpu.memory_space<vmem>>, %arg8: memref<1x1xf32, #tpu.memory_space<vmem>>, %arg9: memref<2000x128xf32, #tpu.memory_space<vmem>>) attributes {dimension_semantics = [#tpu.dimension_semantics<arbitrary>], iteration_bounds = array<i64: 4>, scalar_prefetch = 0 : i64, scratch_operands = 0 : i64, tpu.core_type = #tpu.core_type<tc>, window_params = [{transform_indices = @transform_0, window_bounds = array<i64: 2000, 128>}, {pipeline_mode = #tpu.pipeline_mode<synchronous>, transform_indices = @transform_1, window_bounds = array<i64: 128, 128>}, {pipeline_mode = #tpu.pipeline_mode<synchronous>, transform_indices = @transform_2, window_bounds = array<i64: 128, 128>}, {pipeline_mode = #tpu.pipeline_mode<synchronous>, transform_indices = @transform_3, window_bounds = array<i64: 128, 128>}, {pipeline_mode = #tpu.pipeline_mode<synchronous>, transform_indices = @transform_4, window_bounds = array<i64: 1, 128>}, {transform_indices = @transform_5, window_bounds = array<i64: 2000, 128>}, {transform_indices = @transform_6, window_bounds = array<i64: 2000, 128>}, {pipeline_mode = #tpu.pipeline_mode<synchronous>, transform_indices = @transform_7, window_bounds = array<i64: 1, 1>}, {transform_indices = @transform_8, window_bounds = array<i64: 2000, 128>}]} {
    %get3A = arith.constant 0 : index
    %get3A_0 = arith.constant 0 : index
    %get3A_1 = vector.load %arg1[%get3A, %get3A_0] : memref<2000x128xf32, #tpu.memory_space<vmem>>, vector<2000x128xf32>
    %get3A_2 = arith.constant 0 : index
    %get3A_3 = arith.constant 0 : index
    %get3A_4 = vector.load %arg2[%get3A_2, %get3A_3] : memref<128x128xf32, #tpu.memory_space<vmem>>, vector<128x128xf32>
    %dot_general3A = arith.constant dense<0.000000e+00> : vector<2000x128xf32>
    %dot_general3A_5 = tpu.matmul %get3A_1, %get3A_4, %dot_general3A {dimension_numbers = #tpu.dot_dimension_numbers<[1], [0], [0], [1], [0, 0, 1, 1], [], []>, transpose_lhs_hint = false} : vector<2000x128xf32>, vector<128x128xf32>, vector<2000x128xf32> -> vector<2000x128xf32>
    %get3A_6 = arith.constant 0 : index
    %get3A_7 = arith.constant 0 : index
    %get3A_8 = vector.load %arg6[%get3A_6, %get3A_7] : memref<2000x128xf32, #tpu.memory_space<vmem>>, vector<2000x128xf32>
    %get3A_9 = arith.constant 0 : index
    %get3A_10 = arith.constant 0 : index
    %get3A_11 = vector.load %arg7[%get3A_9, %get3A_10] : memref<2000x128xf32, #tpu.memory_space<vmem>>, vector<2000x128xf32>
    %add3A = arith.addf %get3A_8, %get3A_11 : vector<2000x128xf32>
    %get3A_12 = arith.constant 0 : index
    %get3A_13 = arith.constant 0 : index
    %get3A_14 = vector.load %arg8[%get3A_12, %get3A_13] : memref<1x1xf32, #tpu.memory_space<vmem>>, vector<1x1xf32>
    %get3A_15 = vector.extract %get3A_14[0, 0] : f32 from vector<1x1xf32>
    %mul3A = vector.broadcast %get3A_15 : f32 to vector<2000x128xf32>
    %mul3A_16 = arith.mulf %add3A, %mul3A : vector<2000x128xf32>
    %get3A_17 = arith.constant 0 : index
    %get3A_18 = arith.constant 0 : index
    %get3A_19 = vector.load %arg3[%get3A_17, %get3A_18] : memref<128x128xf32, #tpu.memory_space<vmem>>, vector<128x128xf32>
    %dot_general3A_20 = arith.constant dense<0.000000e+00> : vector<2000x128xf32>
    %dot_general3A_21 = tpu.matmul %dot_general3A_5, %get3A_19, %dot_general3A_20 {dimension_numbers = #tpu.dot_dimension_numbers<[1], [0], [0], [1], [0, 0, 1, 1], [], []>, transpose_lhs_hint = false} : vector<2000x128xf32>, vector<128x128xf32>, vector<2000x128xf32> -> vector<2000x128xf32>
    %get3A_22 = arith.constant 0 : index
    %get3A_23 = arith.constant 0 : index
    %get3A_24 = vector.load %arg4[%get3A_22, %get3A_23] : memref<128x128xf32, #tpu.memory_space<vmem>>, vector<128x128xf32>
    %dot_general3A_25 = arith.constant dense<0.000000e+00> : vector<2000x128xf32>
    %dot_general3A_26 = tpu.matmul %mul3A_16, %get3A_24, %dot_general3A_25 {dimension_numbers = #tpu.dot_dimension_numbers<[1], [0], [0], [1], [0, 0, 1, 1], [], []>, transpose_lhs_hint = false} : vector<2000x128xf32>, vector<128x128xf32>, vector<2000x128xf32> -> vector<2000x128xf32>
    %add3A_27 = arith.addf %dot_general3A_21, %dot_general3A_26 : vector<2000x128xf32>
    %get3A_28 = arith.constant 0 : index
    %get3A_29 = arith.constant 0 : index
    %get3A_30 = vector.load %arg5[%get3A_28, %get3A_29] : memref<1x128xf32, #tpu.memory_space<vmem>>, vector<1x128xf32>
    %add3A_31 = vector.broadcast %get3A_30 : vector<1x128xf32> to vector<2000x128xf32>
    %add3A_32 = arith.addf %add3A_27, %add3A_31 : vector<2000x128xf32>
    %max3A = arith.constant 0.000000e+00 : f32
    %max3A_33 = vector.broadcast %max3A : f32 to vector<2000x128xf32>
    %max3A_34 = arith.maximumf %add3A_32, %max3A_33 : vector<2000x128xf32>
    %mul3A_35 = arith.mulf %max3A_34, %max3A_34 : vector<2000x128xf32>
    %reduce_sum3A = arith.constant dense<0.000000e+00> : vector<2000xf32>
    %reduce_sum3A_36 = vector.multi_reduction <add>, %mul3A_35, %reduce_sum3A [1] : vector<2000x128xf32> to vector<2000xf32>
    %broadcast_in_dim3A = vector.shape_cast %reduce_sum3A_36 : vector<2000xf32> to vector<2000x1xf32>
    %sqrt3A = math.sqrt %broadcast_in_dim3A : vector<2000x1xf32>
    %add3A_37 = arith.constant 9.99999971E-10 : f32
    %add3A_38 = vector.broadcast %add3A_37 : f32 to vector<2000x1xf32>
    %add3A_39 = arith.addf %sqrt3A, %add3A_38 : vector<2000x1xf32>
    %div3A = vector.broadcast %add3A_39 : vector<2000x1xf32> to vector<2000x128xf32>
    %div3A_40 = arith.divf %max3A_34, %div3A : vector<2000x128xf32>
    %swap3A = arith.constant 0 : index
    %swap3A_41 = arith.constant 0 : index
    %swap3A_42 = vector.load %arg9[%swap3A, %swap3A_41] : memref<2000x128xf32, #tpu.memory_space<vmem>>, vector<2000x128xf32>
    tpu.vector_store %arg9[%swap3A, %swap3A_41], %div3A_40 {strides = array<i32>} : memref<2000x128xf32, #tpu.memory_space<vmem>>, vector<2000x128xf32>,
    return
  }
  func.func @transform_0(%arg0: i32) -> (i32, i32) {
    %c0_i32 = arith.constant 0 : i32
    %c0_i32_0 = arith.constant 0 : i32
    return %arg0, %c0_i32 : i32, i32
  }
  func.func @transform_1(%arg0: i32) -> (i32, i32) {
    %c0_i32 = arith.constant 0 : i32
    %c0_i32_0 = arith.constant 0 : i32
    %c0_i32_1 = arith.constant 0 : i32
    return %c0_i32, %c0_i32_0 : i32, i32
  }
  func.func @transform_2(%arg0: i32) -> (i32, i32) {
    %c0_i32 = arith.constant 0 : i32
    %c0_i32_0 = arith.constant 0 : i32
    %c0_i32_1 = arith.constant 0 : i32
    return %c0_i32, %c0_i32_0 : i32, i32
  }
  func.func @transform_3(%arg0: i32) -> (i32, i32) {
    %c0_i32 = arith.constant 0 : i32
    %c0_i32_0 = arith.constant 0 : i32
    %c0_i32_1 = arith.constant 0 : i32
    return %c0_i32, %c0_i32_0 : i32, i32
  }
  func.func @transform_4(%arg0: i32) -> (i32, i32) {
    %c0_i32 = arith.constant 0 : i32
    %c0_i32_0 = arith.constant 0 : i32
    %c0_i32_1 = arith.constant 0 : i32
    return %c0_i32, %c0_i32_0 : i32, i32
  }
  func.func @transform_5(%arg0: i32) -> (i32, i32) {
    %c0_i32 = arith.constant 0 : i32
    %c0_i32_0 = arith.constant 0 : i32
    return %arg0, %c0_i32 : i32, i32
  }
  func.func @transform_6(%arg0: i32) -> (i32, i32) {
    %c0_i32 = arith.constant 0 : i32
    %c0_i32_0 = arith.constant 0 : i32
    return %arg0, %c0_i32 : i32, i32
  }
  func.func @transform_7(%arg0: i32) -> (i32, i32) {
    %c0_i32 = arith.constant 0 : i32
    %c0_i32_0 = arith.constant 0 : i32
    %c0_i32_1 = arith.constant 0 : i32
    return %c0_i32, %c0_i32_0 : i32, i32
  }
  func.func @transform_8(%arg0: i32) -> (i32, i32) {
    %c0_i32 = arith.constant 0 : i32
    %c0_i32_0 = arith.constant 0 : i32
    return %arg0, %c0_i32 : i32, i32
  }
}

module attributes {stable_mosaic.version = 14 : i64} {
  func.func @_gcn_body(%arg0: i32, %arg1: memref<2000x128xf32, #tpu.memory_space<vmem>>, %arg2: memref<128x128xf32, #tpu.memory_space<vmem>>, %arg3: memref<128x128xf32, #tpu.memory_space<vmem>>, %arg4: memref<128x128xf32, #tpu.memory_space<vmem>>, %arg5: memref<1x128xf32, #tpu.memory_space<vmem>>, %arg6: memref<2000x128xf32, #tpu.memory_space<vmem>>, %arg7: memref<2000x128xf32, #tpu.memory_space<vmem>>, %arg8: memref<1x1xf32, #tpu.memory_space<vmem>>, %arg9: memref<2000x128xf32, #tpu.memory_space<vmem>>) attributes {dimension_semantics = [#tpu.dimension_semantics<arbitrary>], iteration_bounds = array<i64: 1>, scalar_prefetch = 0 : i64, scratch_operands = 0 : i64, tpu.core_type = #tpu.core_type<tc>, window_params = [{transform_indices = @transform_0, window_bounds = array<i64: 2000, 128>}, {pipeline_mode = #tpu.pipeline_mode<synchronous>, transform_indices = @transform_1, window_bounds = array<i64: 128, 128>}, {pipeline_mode = #tpu.pipeline_mode<synchronous>, transform_indices = @transform_2, window_bounds = array<i64: 128, 128>}, {pipeline_mode = #tpu.pipeline_mode<synchronous>, transform_indices = @transform_3, window_bounds = array<i64: 128, 128>}, {pipeline_mode = #tpu.pipeline_mode<synchronous>, transform_indices = @transform_4, window_bounds = array<i64: 1, 128>}, {transform_indices = @transform_5, window_bounds = array<i64: 2000, 128>}, {transform_indices = @transform_6, window_bounds = array<i64: 2000, 128>}, {pipeline_mode = #tpu.pipeline_mode<synchronous>, transform_indices = @transform_7, window_bounds = array<i64: 1, 1>}, {transform_indices = @transform_8, window_bounds = array<i64: 2000, 128>}]} {
    %get3A = arith.constant 0 : index
    %get3A_0 = arith.constant 0 : index
    %get3A_1 = vector.load %arg1[%get3A, %get3A_0] : memref<2000x128xf32, #tpu.memory_space<vmem>>, vector<2000x128xf32>
    %get3A_2 = arith.constant 0 : index
    %get3A_3 = arith.constant 0 : index
    %get3A_4 = vector.load %arg2[%get3A_2, %get3A_3] : memref<128x128xf32, #tpu.memory_space<vmem>>, vector<128x128xf32>
    %dot_general3A = arith.constant dense<0.000000e+00> : vector<2000x128xf32>
    %dot_general3A_5 = tpu.matmul %get3A_1, %get3A_4, %dot_general3A {dimension_numbers = #tpu.dot_dimension_numbers<[1], [0], [0], [1], [0, 0, 1, 1], [], []>, transpose_lhs_hint = false} : vector<2000x128xf32>, vector<128x128xf32>, vector<2000x128xf32> -> vector<2000x128xf32>
    %get3A_6 = arith.constant 0 : index
    %get3A_7 = arith.constant 0 : index
    %get3A_8 = vector.load %arg6[%get3A_6, %get3A_7] : memref<2000x128xf32, #tpu.memory_space<vmem>>, vector<2000x128xf32>
    %get3A_9 = arith.constant 0 : index
    %get3A_10 = arith.constant 0 : index
    %get3A_11 = vector.load %arg7[%get3A_9, %get3A_10] : memref<2000x128xf32, #tpu.memory_space<vmem>>, vector<2000x128xf32>
    %add3A = arith.addf %get3A_8, %get3A_11 : vector<2000x128xf32>
    %get3A_12 = arith.constant 0 : index
    %get3A_13 = arith.constant 0 : index
    %get3A_14 = vector.load %arg8[%get3A_12, %get3A_13] : memref<1x1xf32, #tpu.memory_space<vmem>>, vector<1x1xf32>
    %get3A_15 = vector.extract %get3A_14[0, 0] : f32 from vector<1x1xf32>
    %mul3A = vector.broadcast %get3A_15 : f32 to vector<2000x128xf32>
    %mul3A_16 = arith.mulf %add3A, %mul3A : vector<2000x128xf32>
    %get3A_17 = arith.constant 0 : index
    %get3A_18 = arith.constant 0 : index
    %get3A_19 = vector.load %arg3[%get3A_17, %get3A_18] : memref<128x128xf32, #tpu.memory_space<vmem>>, vector<128x128xf32>
    %dot_general3A_20 = arith.constant dense<0.000000e+00> : vector<2000x128xf32>
    %dot_general3A_21 = tpu.matmul %dot_general3A_5, %get3A_19, %dot_general3A_20 {dimension_numbers = #tpu.dot_dimension_numbers<[1], [0], [0], [1], [0, 0, 1, 1], [], []>, transpose_lhs_hint = false} : vector<2000x128xf32>, vector<128x128xf32>, vector<2000x128xf32> -> vector<2000x128xf32>
    %get3A_22 = arith.constant 0 : index
    %get3A_23 = arith.constant 0 : index
    %get3A_24 = vector.load %arg4[%get3A_22, %get3A_23] : memref<128x128xf32, #tpu.memory_space<vmem>>, vector<128x128xf32>
    %dot_general3A_25 = arith.constant dense<0.000000e+00> : vector<2000x128xf32>
    %dot_general3A_26 = tpu.matmul %mul3A_16, %get3A_24, %dot_general3A_25 {dimension_numbers = #tpu.dot_dimension_numbers<[1], [0], [0], [1], [0, 0, 1, 1], [], []>, transpose_lhs_hint = false} : vector<2000x128xf32>, vector<128x128xf32>, vector<2000x128xf32> -> vector<2000x128xf32>
    %add3A_27 = arith.addf %dot_general3A_21, %dot_general3A_26 : vector<2000x128xf32>
    %get3A_28 = arith.constant 0 : index
    %get3A_29 = arith.constant 0 : index
    %get3A_30 = vector.load %arg5[%get3A_28, %get3A_29] : memref<1x128xf32, #tpu.memory_space<vmem>>, vector<1x128xf32>
    %add3A_31 = vector.broadcast %get3A_30 : vector<1x128xf32> to vector<2000x128xf32>
    %add3A_32 = arith.addf %add3A_27, %add3A_31 : vector<2000x128xf32>
    %max3A = arith.constant 0.000000e+00 : f32
    %max3A_33 = vector.broadcast %max3A : f32 to vector<2000x128xf32>
    %max3A_34 = arith.maximumf %add3A_32, %max3A_33 : vector<2000x128xf32>
    %mul3A_35 = arith.mulf %max3A_34, %max3A_34 : vector<2000x128xf32>
    %reduce_sum3A = arith.constant dense<0.000000e+00> : vector<2000xf32>
    %reduce_sum3A_36 = vector.multi_reduction <add>, %mul3A_35, %reduce_sum3A [1] : vector<2000x128xf32> to vector<2000xf32>
    %broadcast_in_dim3A = vector.shape_cast %reduce_sum3A_36 : vector<2000xf32> to vector<2000x1xf32>
    %sqrt3A = math.sqrt %broadcast_in_dim3A : vector<2000x1xf32>
    %add3A_37 = arith.constant 9.99999971E-10 : f32
    %add3A_38 = vector.broadcast %add3A_37 : f32 to vector<2000x1xf32>
    %add3A_39 = arith.addf %sqrt3A, %add3A_38 : vector<2000x1xf32>
    %div3A = vector.broadcast %add3A_39 : vector<2000x1xf32> to vector<2000x128xf32>
    %div3A_40 = arith.divf %max3A_34, %div3A : vector<2000x128xf32>
    %swap3A = arith.constant 0 : index
    %swap3A_41 = arith.constant 0 : index
    %swap3A_42 = vector.load %arg9[%swap3A, %swap3A_41] : memref<2000x128xf32, #tpu.memory_space<vmem>>, vector<2000x128xf32>
    tpu.vector_store %arg9[%swap3A, %swap3A_41], %div3A_40 {strides = array<i32>} : memref<2000x128xf32, #tpu.memory_space<vmem>>, vector<2000x128xf32>,
    return
  }
  func.func @transform_0(%arg0: i32) -> (i32, i32) {
    %c0_i32 = arith.constant 0 : i32
    %c0_i32_0 = arith.constant 0 : i32
    return %arg0, %c0_i32 : i32, i32
  }
  func.func @transform_1(%arg0: i32) -> (i32, i32) {
    %c0_i32 = arith.constant 0 : i32
    %c0_i32_0 = arith.constant 0 : i32
    %c0_i32_1 = arith.constant 0 : i32
    return %c0_i32, %c0_i32_0 : i32, i32
  }
  func.func @transform_2(%arg0: i32) -> (i32, i32) {
    %c0_i32 = arith.constant 0 : i32
    %c0_i32_0 = arith.constant 0 : i32
    %c0_i32_1 = arith.constant 0 : i32
    return %c0_i32, %c0_i32_0 : i32, i32
  }
  func.func @transform_3(%arg0: i32) -> (i32, i32) {
    %c0_i32 = arith.constant 0 : i32
    %c0_i32_0 = arith.constant 0 : i32
    %c0_i32_1 = arith.constant 0 : i32
    return %c0_i32, %c0_i32_0 : i32, i32
  }
  func.func @transform_4(%arg0: i32) -> (i32, i32) {
    %c0_i32 = arith.constant 0 : i32
    %c0_i32_0 = arith.constant 0 : i32
    %c0_i32_1 = arith.constant 0 : i32
    return %c0_i32, %c0_i32_0 : i32, i32
  }
  func.func @transform_5(%arg0: i32) -> (i32, i32) {
    %c0_i32 = arith.constant 0 : i32
    %c0_i32_0 = arith.constant 0 : i32
    return %arg0, %c0_i32 : i32, i32
  }
  func.func @transform_6(%arg0: i32) -> (i32, i32) {
    %c0_i32 = arith.constant 0 : i32
    %c0_i32_0 = arith.constant 0 : i32
    return %arg0, %c0_i32 : i32, i32
  }
  func.func @transform_7(%arg0: i32) -> (i32, i32) {
    %c0_i32 = arith.constant 0 : i32
    %c0_i32_0 = arith.constant 0 : i32
    %c0_i32_1 = arith.constant 0 : i32
    return %c0_i32, %c0_i32_0 : i32, i32
  }
  func.func @transform_8(%arg0: i32) -> (i32, i32) {
    %c0_i32 = arith.constant 0 : i32
    %c0_i32_0 = arith.constant 0 : i32
    return %arg0, %c0_i32 : i32, i32
  }
}

module attributes {stable_mosaic.version = 14 : i64} {
  func.func @_res_body(%arg0: i32, %arg1: memref<2000x128xf32, #tpu.memory_space<vmem>>, %arg2: memref<2000x128xf32, #tpu.memory_space<vmem>>, %arg3: memref<128x128xf32, #tpu.memory_space<vmem>>, %arg4: memref<1x128xf32, #tpu.memory_space<vmem>>, %arg5: memref<2000x128xf32, #tpu.memory_space<vmem>>) attributes {dimension_semantics = [#tpu.dimension_semantics<arbitrary>], iteration_bounds = array<i64: 4>, scalar_prefetch = 0 : i64, scratch_operands = 0 : i64, tpu.core_type = #tpu.core_type<tc>, window_params = [{transform_indices = @transform_0, window_bounds = array<i64: 2000, 128>}, {transform_indices = @transform_1, window_bounds = array<i64: 2000, 128>}, {pipeline_mode = #tpu.pipeline_mode<synchronous>, transform_indices = @transform_2, window_bounds = array<i64: 128, 128>}, {pipeline_mode = #tpu.pipeline_mode<synchronous>, transform_indices = @transform_3, window_bounds = array<i64: 1, 128>}, {transform_indices = @transform_4, window_bounds = array<i64: 2000, 128>}]} {
    %get3A = arith.constant 0 : index
    %get3A_0 = arith.constant 0 : index
    %get3A_1 = vector.load %arg1[%get3A, %get3A_0] : memref<2000x128xf32, #tpu.memory_space<vmem>>, vector<2000x128xf32>
    %get3A_2 = arith.constant 0 : index
    %get3A_3 = arith.constant 0 : index
    %get3A_4 = vector.load %arg2[%get3A_2, %get3A_3] : memref<2000x128xf32, #tpu.memory_space<vmem>>, vector<2000x128xf32>
    %get3A_5 = arith.constant 0 : index
    %get3A_6 = arith.constant 0 : index
    %get3A_7 = vector.load %arg3[%get3A_5, %get3A_6] : memref<128x128xf32, #tpu.memory_space<vmem>>, vector<128x128xf32>
    %dot_general3A = arith.constant dense<0.000000e+00> : vector<2000x128xf32>
    %dot_general3A_8 = tpu.matmul %get3A_4, %get3A_7, %dot_general3A {dimension_numbers = #tpu.dot_dimension_numbers<[1], [0], [0], [1], [0, 0, 1, 1], [], []>, transpose_lhs_hint = false} : vector<2000x128xf32>, vector<128x128xf32>, vector<2000x128xf32> -> vector<2000x128xf32>
    %add3A = arith.addf %get3A_1, %dot_general3A_8 : vector<2000x128xf32>
    %get3A_9 = arith.constant 0 : index
    %get3A_10 = arith.constant 0 : index
    %get3A_11 = vector.load %arg4[%get3A_9, %get3A_10] : memref<1x128xf32, #tpu.memory_space<vmem>>, vector<1x128xf32>
    %add3A_12 = vector.broadcast %get3A_11 : vector<1x128xf32> to vector<2000x128xf32>
    %add3A_13 = arith.addf %add3A, %add3A_12 : vector<2000x128xf32>
    %swap3A = arith.constant 0 : index
    %swap3A_14 = arith.constant 0 : index
    %swap3A_15 = vector.load %arg5[%swap3A, %swap3A_14] : memref<2000x128xf32, #tpu.memory_space<vmem>>, vector<2000x128xf32>
    tpu.vector_store %arg5[%swap3A, %swap3A_14], %add3A_13 {strides = array<i32>} : memref<2000x128xf32, #tpu.memory_space<vmem>>, vector<2000x128xf32>,
    return
  }
  func.func @transform_0(%arg0: i32) -> (i32, i32) {
    %c0_i32 = arith.constant 0 : i32
    %c0_i32_0 = arith.constant 0 : i32
    return %arg0, %c0_i32 : i32, i32
  }
  func.func @transform_1(%arg0: i32) -> (i32, i32) {
    %c0_i32 = arith.constant 0 : i32
    %c0_i32_0 = arith.constant 0 : i32
    return %arg0, %c0_i32 : i32, i32
  }
  func.func @transform_2(%arg0: i32) -> (i32, i32) {
    %c0_i32 = arith.constant 0 : i32
    %c0_i32_0 = arith.constant 0 : i32
    %c0_i32_1 = arith.constant 0 : i32
    return %c0_i32, %c0_i32_0 : i32, i32
  }
  func.func @transform_3(%arg0: i32) -> (i32, i32) {
    %c0_i32 = arith.constant 0 : i32
    %c0_i32_0 = arith.constant 0 : i32
    %c0_i32_1 = arith.constant 0 : i32
    return %c0_i32, %c0_i32_0 : i32, i32
  }
  func.func @transform_4(%arg0: i32) -> (i32, i32) {
    %c0_i32 = arith.constant 0 : i32
    %c0_i32_0 = arith.constant 0 : i32
    return %arg0, %c0_i32 : i32, i32
  }
}

module attributes {stable_mosaic.version = 14 : i64} {
  func.func @_res_body(%arg0: i32, %arg1: memref<2000x128xf32, #tpu.memory_space<vmem>>, %arg2: memref<2000x128xf32, #tpu.memory_space<vmem>>, %arg3: memref<128x128xf32, #tpu.memory_space<vmem>>, %arg4: memref<1x128xf32, #tpu.memory_space<vmem>>, %arg5: memref<2000x128xf32, #tpu.memory_space<vmem>>) attributes {dimension_semantics = [#tpu.dimension_semantics<arbitrary>], iteration_bounds = array<i64: 1>, scalar_prefetch = 0 : i64, scratch_operands = 0 : i64, tpu.core_type = #tpu.core_type<tc>, window_params = [{transform_indices = @transform_0, window_bounds = array<i64: 2000, 128>}, {transform_indices = @transform_1, window_bounds = array<i64: 2000, 128>}, {pipeline_mode = #tpu.pipeline_mode<synchronous>, transform_indices = @transform_2, window_bounds = array<i64: 128, 128>}, {pipeline_mode = #tpu.pipeline_mode<synchronous>, transform_indices = @transform_3, window_bounds = array<i64: 1, 128>}, {transform_indices = @transform_4, window_bounds = array<i64: 2000, 128>}]} {
    %get3A = arith.constant 0 : index
    %get3A_0 = arith.constant 0 : index
    %get3A_1 = vector.load %arg1[%get3A, %get3A_0] : memref<2000x128xf32, #tpu.memory_space<vmem>>, vector<2000x128xf32>
    %get3A_2 = arith.constant 0 : index
    %get3A_3 = arith.constant 0 : index
    %get3A_4 = vector.load %arg2[%get3A_2, %get3A_3] : memref<2000x128xf32, #tpu.memory_space<vmem>>, vector<2000x128xf32>
    %get3A_5 = arith.constant 0 : index
    %get3A_6 = arith.constant 0 : index
    %get3A_7 = vector.load %arg3[%get3A_5, %get3A_6] : memref<128x128xf32, #tpu.memory_space<vmem>>, vector<128x128xf32>
    %dot_general3A = arith.constant dense<0.000000e+00> : vector<2000x128xf32>
    %dot_general3A_8 = tpu.matmul %get3A_4, %get3A_7, %dot_general3A {dimension_numbers = #tpu.dot_dimension_numbers<[1], [0], [0], [1], [0, 0, 1, 1], [], []>, transpose_lhs_hint = false} : vector<2000x128xf32>, vector<128x128xf32>, vector<2000x128xf32> -> vector<2000x128xf32>
    %add3A = arith.addf %get3A_1, %dot_general3A_8 : vector<2000x128xf32>
    %get3A_9 = arith.constant 0 : index
    %get3A_10 = arith.constant 0 : index
    %get3A_11 = vector.load %arg4[%get3A_9, %get3A_10] : memref<1x128xf32, #tpu.memory_space<vmem>>, vector<1x128xf32>
    %add3A_12 = vector.broadcast %get3A_11 : vector<1x128xf32> to vector<2000x128xf32>
    %add3A_13 = arith.addf %add3A, %add3A_12 : vector<2000x128xf32>
    %swap3A = arith.constant 0 : index
    %swap3A_14 = arith.constant 0 : index
    %swap3A_15 = vector.load %arg5[%swap3A, %swap3A_14] : memref<2000x128xf32, #tpu.memory_space<vmem>>, vector<2000x128xf32>
    tpu.vector_store %arg5[%swap3A, %swap3A_14], %add3A_13 {strides = array<i32>} : memref<2000x128xf32, #tpu.memory_space<vmem>>, vector<2000x128xf32>,
    return
  }
  func.func @transform_0(%arg0: i32) -> (i32, i32) {
    %c0_i32 = arith.constant 0 : i32
    %c0_i32_0 = arith.constant 0 : i32
    return %arg0, %c0_i32 : i32, i32
  }
  func.func @transform_1(%arg0: i32) -> (i32, i32) {
    %c0_i32 = arith.constant 0 : i32
    %c0_i32_0 = arith.constant 0 : i32
    return %arg0, %c0_i32 : i32, i32
  }
  func.func @transform_2(%arg0: i32) -> (i32, i32) {
    %c0_i32 = arith.constant 0 : i32
    %c0_i32_0 = arith.constant 0 : i32
    %c0_i32_1 = arith.constant 0 : i32
    return %c0_i32, %c0_i32_0 : i32, i32
  }
  func.func @transform_3(%arg0: i32) -> (i32, i32) {
    %c0_i32 = arith.constant 0 : i32
    %c0_i32_0 = arith.constant 0 : i32
    %c0_i32_1 = arith.constant 0 : i32
    return %c0_i32, %c0_i32_0 : i32, i32
  }
  func.func @transform_4(%arg0: i32) -> (i32, i32) {
    %c0_i32 = arith.constant 0 : i32
    %c0_i32_0 = arith.constant 0 : i32
    return %arg0, %c0_i32 : i32, i32
  }
}

module attributes {stable_mosaic.version = 14 : i64} {
  func.func @_attn_vec_body(%arg0: i32, %arg1: memref<2000x128xf32, #tpu.memory_space<vmem>>, %arg2: memref<2000x128xf32, #tpu.memory_space<vmem>>, %arg3: memref<2000x128xf32, #tpu.memory_space<vmem>>, %arg4: memref<128x128xf32, #tpu.memory_space<vmem>>, %arg5: memref<128x128xf32, #tpu.memory_space<vmem>>, %arg6: memref<1x128xf32, #tpu.memory_space<vmem>>, %arg7: memref<1x1xf32, #tpu.memory_space<vmem>>, %arg8: memref<2000x384xf32, #tpu.memory_space<vmem>>) attributes {dimension_semantics = [#tpu.dimension_semantics<arbitrary>], iteration_bounds = array<i64: 4>, scalar_prefetch = 0 : i64, scratch_operands = 0 : i64, tpu.core_type = #tpu.core_type<tc>, window_params = [{transform_indices = @transform_0, window_bounds = array<i64: 2000, 128>}, {transform_indices = @transform_1, window_bounds = array<i64: 2000, 128>}, {transform_indices = @transform_2, window_bounds = array<i64: 2000, 128>}, {pipeline_mode = #tpu.pipeline_mode<synchronous>, transform_indices = @transform_3, window_bounds = array<i64: 128, 128>}, {pipeline_mode = #tpu.pipeline_mode<synchronous>, transform_indices = @transform_4, window_bounds = array<i64: 128, 128>}, {pipeline_mode = #tpu.pipeline_mode<synchronous>, transform_indices = @transform_5, window_bounds = array<i64: 1, 128>}, {pipeline_mode = #tpu.pipeline_mode<synchronous>, transform_indices = @transform_6, window_bounds = array<i64: 1, 1>}, {transform_indices = @transform_7, window_bounds = array<i64: 2000, 384>}]} {
    %get3A = arith.constant 0 : index
    %get3A_0 = arith.constant 0 : index
    %get3A_1 = vector.load %arg2[%get3A, %get3A_0] : memref<2000x128xf32, #tpu.memory_space<vmem>>, vector<2000x128xf32>
    %get3A_2 = arith.constant 0 : index
    %get3A_3 = arith.constant 0 : index
    %get3A_4 = vector.load %arg3[%get3A_2, %get3A_3] : memref<2000x128xf32, #tpu.memory_space<vmem>>, vector<2000x128xf32>
    %add3A = arith.addf %get3A_1, %get3A_4 : vector<2000x128xf32>
    %get3A_5 = arith.constant 0 : index
    %get3A_6 = arith.constant 0 : index
    %get3A_7 = vector.load %arg7[%get3A_5, %get3A_6] : memref<1x1xf32, #tpu.memory_space<vmem>>, vector<1x1xf32>
    %get3A_8 = vector.extract %get3A_7[0, 0] : f32 from vector<1x1xf32>
    %mul3A = vector.broadcast %get3A_8 : f32 to vector<2000x128xf32>
    %mul3A_9 = arith.mulf %add3A, %mul3A : vector<2000x128xf32>
    %get3A_10 = arith.constant 0 : index
    %get3A_11 = arith.constant 0 : index
    %get3A_12 = vector.load %arg1[%get3A_10, %get3A_11] : memref<2000x128xf32, #tpu.memory_space<vmem>>, vector<2000x128xf32>
    %get3A_13 = arith.constant 0 : index
    %get3A_14 = arith.constant 0 : index
    %get3A_15 = vector.load %arg4[%get3A_13, %get3A_14] : memref<128x128xf32, #tpu.memory_space<vmem>>, vector<128x128xf32>
    %dot_general3A = arith.constant dense<0.000000e+00> : vector<2000x128xf32>
    %dot_general3A_16 = tpu.matmul %get3A_12, %get3A_15, %dot_general3A {dimension_numbers = #tpu.dot_dimension_numbers<[1], [0], [0], [1], [0, 0, 1, 1], [], []>, transpose_lhs_hint = false} : vector<2000x128xf32>, vector<128x128xf32>, vector<2000x128xf32> -> vector<2000x128xf32>
    %get3A_17 = arith.constant 0 : index
    %get3A_18 = arith.constant 0 : index
    %get3A_19 = vector.load %arg5[%get3A_17, %get3A_18] : memref<128x128xf32, #tpu.memory_space<vmem>>, vector<128x128xf32>
    %dot_general3A_20 = arith.constant dense<0.000000e+00> : vector<2000x128xf32>
    %dot_general3A_21 = tpu.matmul %mul3A_9, %get3A_19, %dot_general3A_20 {dimension_numbers = #tpu.dot_dimension_numbers<[1], [0], [0], [1], [0, 0, 1, 1], [], []>, transpose_lhs_hint = false} : vector<2000x128xf32>, vector<128x128xf32>, vector<2000x128xf32> -> vector<2000x128xf32>
    %add3A_22 = arith.addf %dot_general3A_16, %dot_general3A_21 : vector<2000x128xf32>
    %get3A_23 = arith.constant 0 : index
    %get3A_24 = arith.constant 0 : index
    %get3A_25 = vector.load %arg6[%get3A_23, %get3A_24] : memref<1x128xf32, #tpu.memory_space<vmem>>, vector<1x128xf32>
    %add3A_26 = vector.broadcast %get3A_25 : vector<1x128xf32> to vector<2000x128xf32>
    %add3A_27 = arith.addf %add3A_22, %add3A_26 : vector<2000x128xf32>
    %slice3A = vector.extract_strided_slice %add3A_27 {offsets = [0, 0], sizes = [2000, 1], strides = [1, 1]} : vector<2000x128xf32> to vector<2000x1xf32>
    %exp3A = math.exp %slice3A : vector<2000x1xf32>
    %get3A_28 = arith.constant 0 : index
    %get3A_29 = arith.constant 0 : index
    %get3A_30 = vector.load %arg1[%get3A_28, %get3A_29] : memref<2000x128xf32, #tpu.memory_space<vmem>>, vector<2000x128xf32>
    %mul3A_31 = vector.broadcast %exp3A : vector<2000x1xf32> to vector<2000x128xf32>
    %mul3A_32 = arith.mulf %mul3A_31, %get3A_30 : vector<2000x128xf32>
    %mul3A_33 = vector.broadcast %exp3A : vector<2000x1xf32> to vector<2000x128xf32>
    %mul3A_34 = arith.mulf %mul3A_33, %mul3A_9 : vector<2000x128xf32>
    %broadcast_in_dim3A = arith.constant 1.000000e+00 : f32
    %broadcast_in_dim3A_35 = vector.broadcast %broadcast_in_dim3A : f32 to vector<1x128xf32>
    %mul3A_36 = vector.broadcast %exp3A : vector<2000x1xf32> to vector<2000x128xf32>
    %mul3A_37 = vector.broadcast %broadcast_in_dim3A_35 : vector<1x128xf32> to vector<2000x128xf32>
    %mul3A_38 = arith.mulf %mul3A_36, %mul3A_37 : vector<2000x128xf32>
    %concatenate3A = tpu.concatenate %mul3A_32, %mul3A_34, %mul3A_38 in 1 : vector<2000x128xf32>, vector<2000x128xf32>, vector<2000x128xf32> -> vector<2000x384xf32>
    %swap3A = arith.constant 0 : index
    %swap3A_39 = arith.constant 0 : index
    %swap3A_40 = vector.load %arg8[%swap3A, %swap3A_39] : memref<2000x384xf32, #tpu.memory_space<vmem>>, vector<2000x384xf32>
    tpu.vector_store %arg8[%swap3A, %swap3A_39], %concatenate3A {strides = array<i32>} : memref<2000x384xf32, #tpu.memory_space<vmem>>, vector<2000x384xf32>,
    return
  }
  func.func @transform_0(%arg0: i32) -> (i32, i32) {
    %c0_i32 = arith.constant 0 : i32
    %c0_i32_0 = arith.constant 0 : i32
    return %arg0, %c0_i32 : i32, i32
  }
  func.func @transform_1(%arg0: i32) -> (i32, i32) {
    %c0_i32 = arith.constant 0 : i32
    %c0_i32_0 = arith.constant 0 : i32
    return %arg0, %c0_i32 : i32, i32
  }
  func.func @transform_2(%arg0: i32) -> (i32, i32) {
    %c0_i32 = arith.constant 0 : i32
    %c0_i32_0 = arith.constant 0 : i32
    return %arg0, %c0_i32 : i32, i32
  }
  func.func @transform_3(%arg0: i32) -> (i32, i32) {
    %c0_i32 = arith.constant 0 : i32
    %c0_i32_0 = arith.constant 0 : i32
    %c0_i32_1 = arith.constant 0 : i32
    return %c0_i32, %c0_i32_0 : i32, i32
  }
  func.func @transform_4(%arg0: i32) -> (i32, i32) {
    %c0_i32 = arith.constant 0 : i32
    %c0_i32_0 = arith.constant 0 : i32
    %c0_i32_1 = arith.constant 0 : i32
    return %c0_i32, %c0_i32_0 : i32, i32
  }
  func.func @transform_5(%arg0: i32) -> (i32, i32) {
    %c0_i32 = arith.constant 0 : i32
    %c0_i32_0 = arith.constant 0 : i32
    %c0_i32_1 = arith.constant 0 : i32
    return %c0_i32, %c0_i32_0 : i32, i32
  }
  func.func @transform_6(%arg0: i32) -> (i32, i32) {
    %c0_i32 = arith.constant 0 : i32
    %c0_i32_0 = arith.constant 0 : i32
    %c0_i32_1 = arith.constant 0 : i32
    return %c0_i32, %c0_i32_0 : i32, i32
  }
  func.func @transform_7(%arg0: i32) -> (i32, i32) {
    %c0_i32 = arith.constant 0 : i32
    %c0_i32_0 = arith.constant 0 : i32
    return %arg0, %c0_i32 : i32, i32
  }
}

module attributes {stable_mosaic.version = 14 : i64} {
  func.func @_pool_body(%arg0: i32, %arg1: memref<512x8000xf32, #tpu.memory_space<vmem>>, %arg2: memref<8000x384xf32, #tpu.memory_space<vmem>>, %arg3: memref<512x384xf32, #tpu.memory_space<vmem>>) attributes {dimension_semantics = [#tpu.dimension_semantics<arbitrary>], iteration_bounds = array<i64: 2>, scalar_prefetch = 0 : i64, scratch_operands = 0 : i64, tpu.core_type = #tpu.core_type<tc>, window_params = [{transform_indices = @transform_0, window_bounds = array<i64: 512, 8000>}, {pipeline_mode = #tpu.pipeline_mode<synchronous>, transform_indices = @transform_1, window_bounds = array<i64: 8000, 384>}, {transform_indices = @transform_2, window_bounds = array<i64: 512, 384>}]} {
    %get3A = arith.constant 0 : index
    %get3A_0 = arith.constant 0 : index
    %get3A_1 = vector.load %arg1[%get3A, %get3A_0] : memref<512x8000xf32, #tpu.memory_space<vmem>>, vector<512x8000xf32>
    %get3A_2 = arith.constant 0 : index
    %get3A_3 = arith.constant 0 : index
    %get3A_4 = vector.load %arg2[%get3A_2, %get3A_3] : memref<8000x384xf32, #tpu.memory_space<vmem>>, vector<8000x384xf32>
    %dot_general3A = arith.constant dense<0.000000e+00> : vector<512x384xf32>
    %dot_general3A_5 = tpu.matmul %get3A_1, %get3A_4, %dot_general3A {dimension_numbers = #tpu.dot_dimension_numbers<[1], [0], [0], [1], [0, 0, 1, 1], [], []>, transpose_lhs_hint = false} : vector<512x8000xf32>, vector<8000x384xf32>, vector<512x384xf32> -> vector<512x384xf32>
    %swap3A = arith.constant 0 : index
    %swap3A_6 = arith.constant 0 : index
    %swap3A_7 = vector.load %arg3[%swap3A, %swap3A_6] : memref<512x384xf32, #tpu.memory_space<vmem>>, vector<512x384xf32>
    tpu.vector_store %arg3[%swap3A, %swap3A_6], %dot_general3A_5 {strides = array<i32>} : memref<512x384xf32, #tpu.memory_space<vmem>>, vector<512x384xf32>,
    return
  }
  func.func @transform_0(%arg0: i32) -> (i32, i32) {
    %c0_i32 = arith.constant 0 : i32
    %c0_i32_0 = arith.constant 0 : i32
    return %arg0, %c0_i32 : i32, i32
  }
  func.func @transform_1(%arg0: i32) -> (i32, i32) {
    %c0_i32 = arith.constant 0 : i32
    %c0_i32_0 = arith.constant 0 : i32
    %c0_i32_1 = arith.constant 0 : i32
    return %c0_i32, %c0_i32_0 : i32, i32
  }
  func.func @transform_2(%arg0: i32) -> (i32, i32) {
    %c0_i32 = arith.constant 0 : i32
    %c0_i32_0 = arith.constant 0 : i32
    return %arg0, %c0_i32 : i32, i32
  }
}

module attributes {stable_mosaic.version = 14 : i64} {
  func.func @_heads_body(%arg0: memref<1024x384xf32, #tpu.memory_space<vmem>>, %arg1: memref<2000x128xf32, #tpu.memory_space<vmem>>, %arg2: memref<2000x128xf32, #tpu.memory_space<vmem>>, %arg3: memref<2000x128xf32, #tpu.memory_space<vmem>>, %arg4: memref<1x1xf32, #tpu.memory_space<vmem>>, %arg5: memref<2000x22xf32, #tpu.memory_space<vmem>>, %arg6: memref<22x384xf32, #tpu.memory_space<vmem>>, %arg7: memref<256x256xf32, #tpu.memory_space<vmem>>, %arg8: memref<1x256xf32, #tpu.memory_space<vmem>>, %arg9: memref<256x256xf32, #tpu.memory_space<vmem>>, %arg10: memref<1x256xf32, #tpu.memory_space<vmem>>, %arg11: memref<384x128xf32, #tpu.memory_space<vmem>>, %arg12: memref<1x128xf32, #tpu.memory_space<vmem>>, %arg13: memref<128x256xf32, #tpu.memory_space<vmem>>, %arg14: memref<1x256xf32, #tpu.memory_space<vmem>>, %arg15: memref<256x256xf32, #tpu.memory_space<vmem>>, %arg16: memref<256x256xf32, #tpu.memory_space<vmem>>, %arg17: memref<1x256xf32, #tpu.memory_space<vmem>>, %arg18: memref<256x256xf32, #tpu.memory_space<vmem>>, %arg19: memref<1x256xf32, #tpu.memory_space<vmem>>, %arg20: memref<256x128xf32, #tpu.memory_space<vmem>>, %arg21: memref<1x128xf32, #tpu.memory_space<vmem>>, %arg22: memref<128x8xf32, #tpu.memory_space<vmem>>, %arg23: memref<1x8xf32, #tpu.memory_space<vmem>>, %arg24: memref<256x128xf32, #tpu.memory_space<vmem>>, %arg25: memref<1x128xf32, #tpu.memory_space<vmem>>, %arg26: memref<128x12xf32, #tpu.memory_space<vmem>>, %arg27: memref<1x12xf32, #tpu.memory_space<vmem>>, %arg28: memref<8x128xf32, #tpu.memory_space<vmem>>, %arg29: memref<12x128xf32, #tpu.memory_space<vmem>>, %arg30: memref<128x128xf32, #tpu.memory_space<vmem>>, %arg31: memref<128x128xf32, #tpu.memory_space<vmem>>, %arg32: memref<1x128xf32, #tpu.memory_space<vmem>>, %arg33: memref<128x2xf32, #tpu.memory_space<vmem>>, %arg34: memref<1x2xf32, #tpu.memory_space<vmem>>, %arg35: memref<128x256xf32, #tpu.memory_space<vmem>>, %arg36: memref<128x256xf32, #tpu.memory_space<vmem>>, %arg37: memref<1x256xf32, #tpu.memory_space<vmem>>, %arg38: memref<256x256xf32, #tpu.memory_space<vmem>>, %arg39: memref<256x256xf32, #tpu.memory_space<vmem>>, %arg40: memref<1x256xf32, #tpu.memory_space<vmem>>, %arg41: memref<1024x256xf32, #tpu.memory_space<vmem>>, %arg42: memref<2000x256xf32, #tpu.memory_space<vmem>>) attributes {dimension_semantics = [], scalar_prefetch = 0 : i64, scratch_operands = 0 : i64, tpu.core_type = #tpu.core_type<tc>} {
    %get3A = arith.constant 0 : index
    %get3A_0 = arith.constant 0 : index
    %get3A_1 = vector.load %arg0[%get3A, %get3A_0] : memref<1024x384xf32, #tpu.memory_space<vmem>>, vector<1024x384xf32>
    %slice3A = vector.extract_strided_slice %get3A_1 {offsets = [0, 0], sizes = [1024, 256], strides = [1, 1]} : vector<1024x384xf32> to vector<1024x256xf32>
    %slice3A_2 = vector.extract_strided_slice %get3A_1 {offsets = [0, 256], sizes = [1024, 1], strides = [1, 1]} : vector<1024x384xf32> to vector<1024x1xf32>
    %div3A = vector.broadcast %slice3A_2 : vector<1024x1xf32> to vector<1024x256xf32>
    %div3A_3 = arith.divf %slice3A, %div3A : vector<1024x256xf32>
    %get3A_4 = arith.constant 0 : index
    %get3A_5 = arith.constant 0 : index
    %get3A_6 = vector.load %arg7[%get3A_4, %get3A_5] : memref<256x256xf32, #tpu.memory_space<vmem>>, vector<256x256xf32>
    %dot_general3A = arith.constant dense<0.000000e+00> : vector<1024x256xf32>
    %dot_general3A_7 = tpu.matmul %div3A_3, %get3A_6, %dot_general3A {dimension_numbers = #tpu.dot_dimension_numbers<[1], [0], [0], [1], [0, 0, 1, 1], [], []>, transpose_lhs_hint = false} : vector<1024x256xf32>, vector<256x256xf32>, vector<1024x256xf32> -> vector<1024x256xf32>
    %get3A_8 = arith.constant 0 : index
    %get3A_9 = arith.constant 0 : index
    %get3A_10 = vector.load %arg8[%get3A_8, %get3A_9] : memref<1x256xf32, #tpu.memory_space<vmem>>, vector<1x256xf32>
    %add3A = vector.broadcast %get3A_10 : vector<1x256xf32> to vector<1024x256xf32>
    %add3A_11 = arith.addf %dot_general3A_7, %add3A : vector<1024x256xf32>
    %max3A = arith.constant 0.000000e+00 : f32
    %max3A_12 = vector.broadcast %max3A : f32 to vector<1024x256xf32>
    %max3A_13 = arith.maximumf %add3A_11, %max3A_12 : vector<1024x256xf32>
    %get3A_14 = arith.constant 0 : index
    %get3A_15 = arith.constant 0 : index
    %get3A_16 = vector.load %arg9[%get3A_14, %get3A_15] : memref<256x256xf32, #tpu.memory_space<vmem>>, vector<256x256xf32>
    %dot_general3A_17 = arith.constant dense<0.000000e+00> : vector<1024x256xf32>
    %dot_general3A_18 = tpu.matmul %max3A_13, %get3A_16, %dot_general3A_17 {dimension_numbers = #tpu.dot_dimension_numbers<[1], [0], [0], [1], [0, 0, 1, 1], [], []>, transpose_lhs_hint = false} : vector<1024x256xf32>, vector<256x256xf32>, vector<1024x256xf32> -> vector<1024x256xf32>
    %get3A_19 = arith.constant 0 : index
    %get3A_20 = arith.constant 0 : index
    %get3A_21 = vector.load %arg10[%get3A_19, %get3A_20] : memref<1x256xf32, #tpu.memory_space<vmem>>, vector<1x256xf32>
    %add3A_22 = vector.broadcast %get3A_21 : vector<1x256xf32> to vector<1024x256xf32>
    %add3A_23 = arith.addf %dot_general3A_18, %add3A_22 : vector<1024x256xf32>
    %get3A_24 = arith.constant 0 : index
    %get3A_25 = arith.constant 0 : index
    %get3A_26 = vector.load %arg2[%get3A_24, %get3A_25] : memref<2000x128xf32, #tpu.memory_space<vmem>>, vector<2000x128xf32>
    %get3A_27 = arith.constant 0 : index
    %get3A_28 = arith.constant 0 : index
    %get3A_29 = vector.load %arg3[%get3A_27, %get3A_28] : memref<2000x128xf32, #tpu.memory_space<vmem>>, vector<2000x128xf32>
    %add3A_30 = arith.addf %get3A_26, %get3A_29 : vector<2000x128xf32>
    %get3A_31 = arith.constant 0 : index
    %get3A_32 = arith.constant 0 : index
    %get3A_33 = vector.load %arg4[%get3A_31, %get3A_32] : memref<1x1xf32, #tpu.memory_space<vmem>>, vector<1x1xf32>
    %get3A_34 = vector.extract %get3A_33[0, 0] : f32 from vector<1x1xf32>
    %mul3A = vector.broadcast %get3A_34 : f32 to vector<2000x128xf32>
    %mul3A_35 = arith.mulf %add3A_30, %mul3A : vector<2000x128xf32>
    %get3A_36 = arith.constant 0 : index
    %get3A_37 = arith.constant 0 : index
    %get3A_38 = vector.load %arg1[%get3A_36, %get3A_37] : memref<2000x128xf32, #tpu.memory_space<vmem>>, vector<2000x128xf32>
    %concatenate3A = tpu.concatenate %get3A_38, %mul3A_35 in 1 : vector<2000x128xf32>, vector<2000x128xf32> -> vector<2000x256xf32>
    %get3A_39 = arith.constant 0 : index
    %get3A_40 = arith.constant 0 : index
    %get3A_41 = vector.load %arg5[%get3A_39, %get3A_40] : memref<2000x22xf32, #tpu.memory_space<vmem>>, vector<2000x22xf32>
    %get3A_42 = arith.constant 0 : index
    %get3A_43 = arith.constant 0 : index
    %get3A_44 = vector.load %arg6[%get3A_42, %get3A_43] : memref<22x384xf32, #tpu.memory_space<vmem>>, vector<22x384xf32>
    %dot_general3A_45 = arith.constant dense<0.000000e+00> : vector<2000x384xf32>
    %dot_general3A_46 = tpu.matmul %get3A_41, %get3A_44, %dot_general3A_45 {dimension_numbers = #tpu.dot_dimension_numbers<[1], [0], [0], [1], [0, 0, 1, 1], [], []>, transpose_lhs_hint = false} : vector<2000x22xf32>, vector<22x384xf32>, vector<2000x384xf32> -> vector<2000x384xf32>
    %get3A_47 = arith.constant 0 : index
    %get3A_48 = arith.constant 0 : index
    %get3A_49 = vector.load %arg11[%get3A_47, %get3A_48] : memref<384x128xf32, #tpu.memory_space<vmem>>, vector<384x128xf32>
    %dot_general3A_50 = arith.constant dense<0.000000e+00> : vector<2000x128xf32>
    %dot_general3A_51 = tpu.matmul %dot_general3A_46, %get3A_49, %dot_general3A_50 {dimension_numbers = #tpu.dot_dimension_numbers<[1], [0], [0], [1], [0, 0, 1, 1], [], []>, transpose_lhs_hint = false} : vector<2000x384xf32>, vector<384x128xf32>, vector<2000x128xf32> -> vector<2000x128xf32>
    %get3A_52 = arith.constant 0 : index
    %get3A_53 = arith.constant 0 : index
    %get3A_54 = vector.load %arg12[%get3A_52, %get3A_53] : memref<1x128xf32, #tpu.memory_space<vmem>>, vector<1x128xf32>
    %add3A_55 = vector.broadcast %get3A_54 : vector<1x128xf32> to vector<2000x128xf32>
    %add3A_56 = arith.addf %dot_general3A_51, %add3A_55 : vector<2000x128xf32>
    %get3A_57 = arith.constant 0 : index
    %get3A_58 = arith.constant 0 : index
    %get3A_59 = vector.load %arg13[%get3A_57, %get3A_58] : memref<128x256xf32, #tpu.memory_space<vmem>>, vector<128x256xf32>
    %dot_general3A_60 = arith.constant dense<0.000000e+00> : vector<2000x256xf32>
    %dot_general3A_61 = tpu.matmul %add3A_56, %get3A_59, %dot_general3A_60 {dimension_numbers = #tpu.dot_dimension_numbers<[1], [0], [0], [1], [0, 0, 1, 1], [], []>, transpose_lhs_hint = false} : vector<2000x128xf32>, vector<128x256xf32>, vector<2000x256xf32> -> vector<2000x256xf32>
    %get3A_62 = arith.constant 0 : index
    %get3A_63 = arith.constant 0 : index
    %get3A_64 = vector.load %arg14[%get3A_62, %get3A_63] : memref<1x256xf32, #tpu.memory_space<vmem>>, vector<1x256xf32>
    %add3A_65 = vector.broadcast %get3A_64 : vector<1x256xf32> to vector<2000x256xf32>
    %add3A_66 = arith.addf %dot_general3A_61, %add3A_65 : vector<2000x256xf32>
    %get3A_67 = arith.constant 0 : index
    %get3A_68 = arith.constant 0 : index
    %get3A_69 = vector.load %arg15[%get3A_67, %get3A_68] : memref<256x256xf32, #tpu.memory_space<vmem>>, vector<256x256xf32>
    %dot_general3A_70 = arith.constant dense<0.000000e+00> : vector<2000x256xf32>
    %dot_general3A_71 = tpu.matmul %concatenate3A, %get3A_69, %dot_general3A_70 {dimension_numbers = #tpu.dot_dimension_numbers<[1], [0], [0], [1], [0, 0, 1, 1], [], []>, transpose_lhs_hint = false} : vector<2000x256xf32>, vector<256x256xf32>, vector<2000x256xf32> -> vector<2000x256xf32>
    %get3A_72 = arith.constant 0 : index
    %get3A_73 = arith.constant 0 : index
    %get3A_74 = vector.load %arg16[%get3A_72, %get3A_73] : memref<256x256xf32, #tpu.memory_space<vmem>>, vector<256x256xf32>
    %dot_general3A_75 = arith.constant dense<0.000000e+00> : vector<2000x256xf32>
    %dot_general3A_76 = tpu.matmul %add3A_66, %get3A_74, %dot_general3A_75 {dimension_numbers = #tpu.dot_dimension_numbers<[1], [0], [0], [1], [0, 0, 1, 1], [], []>, transpose_lhs_hint = false} : vector<2000x256xf32>, vector<256x256xf32>, vector<2000x256xf32> -> vector<2000x256xf32>
    %add3A_77 = arith.addf %dot_general3A_71, %dot_general3A_76 : vector<2000x256xf32>
    %get3A_78 = arith.constant 0 : index
    %get3A_79 = arith.constant 0 : index
    %get3A_80 = vector.load %arg17[%get3A_78, %get3A_79] : memref<1x256xf32, #tpu.memory_space<vmem>>, vector<1x256xf32>
    %add3A_81 = vector.broadcast %get3A_80 : vector<1x256xf32> to vector<2000x256xf32>
    %add3A_82 = arith.addf %add3A_77, %add3A_81 : vector<2000x256xf32>
    %max3A_83 = arith.constant 0.000000e+00 : f32
    %max3A_84 = vector.broadcast %max3A_83 : f32 to vector<2000x256xf32>
    %max3A_85 = arith.maximumf %add3A_82, %max3A_84 : vector<2000x256xf32>
    %get3A_86 = arith.constant 0 : index
    %get3A_87 = arith.constant 0 : index
    %get3A_88 = vector.load %arg18[%get3A_86, %get3A_87] : memref<256x256xf32, #tpu.memory_space<vmem>>, vector<256x256xf32>
    %dot_general3A_89 = arith.constant dense<0.000000e+00> : vector<2000x256xf32>
    %dot_general3A_90 = tpu.matmul %max3A_85, %get3A_88, %dot_general3A_89 {dimension_numbers = #tpu.dot_dimension_numbers<[1], [0], [0], [1], [0, 0, 1, 1], [], []>, transpose_lhs_hint = false} : vector<2000x256xf32>, vector<256x256xf32>, vector<2000x256xf32> -> vector<2000x256xf32>
    %get3A_91 = arith.constant 0 : index
    %get3A_92 = arith.constant 0 : index
    %get3A_93 = vector.load %arg19[%get3A_91, %get3A_92] : memref<1x256xf32, #tpu.memory_space<vmem>>, vector<1x256xf32>
    %add3A_94 = vector.broadcast %get3A_93 : vector<1x256xf32> to vector<2000x256xf32>
    %add3A_95 = arith.addf %dot_general3A_90, %add3A_94 : vector<2000x256xf32>
    %logistic3A = arith.negf %add3A_95 : vector<2000x256xf32>
    %logistic3A_96 = math.exp %logistic3A : vector<2000x256xf32>
    %logistic3A_97 = arith.constant 1.000000e+00 : f32
    %logistic3A_98 = vector.broadcast %logistic3A_97 : f32 to vector<2000x256xf32>
    %logistic3A_99 = arith.addf %logistic3A_98, %logistic3A_96 : vector<2000x256xf32>
    %logistic3A_100 = arith.divf %logistic3A_98, %logistic3A_99 : vector<2000x256xf32>
    %mul3A_101 = arith.mulf %logistic3A_100, %concatenate3A : vector<2000x256xf32>
    %sub3A = arith.constant 1.000000e+00 : f32
    %sub3A_102 = vector.broadcast %sub3A : f32 to vector<2000x256xf32>
    %sub3A_103 = arith.subf %sub3A_102, %logistic3A_100 : vector<2000x256xf32>
    %mul3A_104 = arith.mulf %sub3A_103, %add3A_66 : vector<2000x256xf32>
    %add3A_105 = arith.addf %mul3A_101, %mul3A_104 : vector<2000x256xf32>
    %swap3A = arith.constant 0 : index
    %swap3A_106 = arith.constant 0 : index
    %swap3A_107 = vector.load %arg42[%swap3A, %swap3A_106] : memref<2000x256xf32, #tpu.memory_space<vmem>>, vector<2000x256xf32>
    tpu.vector_store %arg42[%swap3A, %swap3A_106], %add3A_105 {strides = array<i32>} : memref<2000x256xf32, #tpu.memory_space<vmem>>, vector<2000x256xf32>,
    %get3A_108 = arith.constant 0 : index
    %get3A_109 = arith.constant 0 : index
    %get3A_110 = vector.load %arg20[%get3A_108, %get3A_109] : memref<256x128xf32, #tpu.memory_space<vmem>>, vector<256x128xf32>
    %dot_general3A_111 = arith.constant dense<0.000000e+00> : vector<1024x128xf32>
    %dot_general3A_112 = tpu.matmul %add3A_23, %get3A_110, %dot_general3A_111 {dimension_numbers = #tpu.dot_dimension_numbers<[1], [0], [0], [1], [0, 0, 1, 1], [], []>, transpose_lhs_hint = false} : vector<1024x256xf32>, vector<256x128xf32>, vector<1024x128xf32> -> vector<1024x128xf32>
    %get3A_113 = arith.constant 0 : index
    %get3A_114 = arith.constant 0 : index
    %get3A_115 = vector.load %arg21[%get3A_113, %get3A_114] : memref<1x128xf32, #tpu.memory_space<vmem>>, vector<1x128xf32>
    %add3A_116 = vector.broadcast %get3A_115 : vector<1x128xf32> to vector<1024x128xf32>
    %add3A_117 = arith.addf %dot_general3A_112, %add3A_116 : vector<1024x128xf32>
    %max3A_118 = arith.constant 0.000000e+00 : f32
    %max3A_119 = vector.broadcast %max3A_118 : f32 to vector<1024x128xf32>
    %max3A_120 = arith.maximumf %add3A_117, %max3A_119 : vector<1024x128xf32>
    %get3A_121 = arith.constant 0 : index
    %get3A_122 = arith.constant 0 : index
    %get3A_123 = vector.load %arg22[%get3A_121, %get3A_122] : memref<128x8xf32, #tpu.memory_space<vmem>>, vector<128x8xf32>
    %dot_general3A_124 = arith.constant dense<0.000000e+00> : vector<1024x8xf32>
    %dot_general3A_125 = tpu.matmul %max3A_120, %get3A_123, %dot_general3A_124 {dimension_numbers = #tpu.dot_dimension_numbers<[1], [0], [0], [1], [0, 0, 1, 1], [], []>, transpose_lhs_hint = false} : vector<1024x128xf32>, vector<128x8xf32>, vector<1024x8xf32> -> vector<1024x8xf32>
    %get3A_126 = arith.constant 0 : index
    %get3A_127 = arith.constant 0 : index
    %get3A_128 = vector.load %arg23[%get3A_126, %get3A_127] : memref<1x8xf32, #tpu.memory_space<vmem>>, vector<1x8xf32>
    %add3A_129 = vector.broadcast %get3A_128 : vector<1x8xf32> to vector<1024x8xf32>
    %add3A_130 = arith.addf %dot_general3A_125, %add3A_129 : vector<1024x8xf32>
    %get3A_131 = arith.constant 0 : index
    %get3A_132 = arith.constant 0 : index
    %get3A_133 = vector.load %arg24[%get3A_131, %get3A_132] : memref<256x128xf32, #tpu.memory_space<vmem>>, vector<256x128xf32>
    %dot_general3A_134 = arith.constant dense<0.000000e+00> : vector<1024x128xf32>
    %dot_general3A_135 = tpu.matmul %add3A_23, %get3A_133, %dot_general3A_134 {dimension_numbers = #tpu.dot_dimension_numbers<[1], [0], [0], [1], [0, 0, 1, 1], [], []>, transpose_lhs_hint = false} : vector<1024x256xf32>, vector<256x128xf32>, vector<1024x128xf32> -> vector<1024x128xf32>
    %get3A_136 = arith.constant 0 : index
    %get3A_137 = arith.constant 0 : index
    %get3A_138 = vector.load %arg25[%get3A_136, %get3A_137] : memref<1x128xf32, #tpu.memory_space<vmem>>, vector<1x128xf32>
    %add3A_139 = vector.broadcast %get3A_138 : vector<1x128xf32> to vector<1024x128xf32>
    %add3A_140 = arith.addf %dot_general3A_135, %add3A_139 : vector<1024x128xf32>
    %max3A_141 = arith.constant 0.000000e+00 : f32
    %max3A_142 = vector.broadcast %max3A_141 : f32 to vector<1024x128xf32>
    %max3A_143 = arith.maximumf %add3A_140, %max3A_142 : vector<1024x128xf32>
    %get3A_144 = arith.constant 0 : index
    %get3A_145 = arith.constant 0 : index
    %get3A_146 = vector.load %arg26[%get3A_144, %get3A_145] : memref<128x12xf32, #tpu.memory_space<vmem>>, vector<128x12xf32>
    %dot_general3A_147 = arith.constant dense<0.000000e+00> : vector<1024x12xf32>
    %dot_general3A_148 = tpu.matmul %max3A_143, %get3A_146, %dot_general3A_147 {dimension_numbers = #tpu.dot_dimension_numbers<[1], [0], [0], [1], [0, 0, 1, 1], [], []>, transpose_lhs_hint = false} : vector<1024x128xf32>, vector<128x12xf32>, vector<1024x12xf32> -> vector<1024x12xf32>
    %get3A_149 = arith.constant 0 : index
    %get3A_150 = arith.constant 0 : index
    %get3A_151 = vector.load %arg27[%get3A_149, %get3A_150] : memref<1x12xf32, #tpu.memory_space<vmem>>, vector<1x12xf32>
    %add3A_152 = vector.broadcast %get3A_151 : vector<1x12xf32> to vector<1024x12xf32>
    %add3A_153 = arith.addf %dot_general3A_148, %add3A_152 : vector<1024x12xf32>
    %reduce_max3A = arith.constant dense<0xFF800000> : vector<1024xf32>
    %reduce_max3A_154 = vector.multi_reduction <maximumf>, %add3A_130, %reduce_max3A [1] : vector<1024x8xf32> to vector<1024xf32>
    %max3A_155 = arith.constant 0xFF800000 : f32
    %max3A_156 = vector.broadcast %max3A_155 : f32 to vector<1024xf32>
    %max3A_157 = arith.maximumf %max3A_156, %reduce_max3A_154 : vector<1024xf32>
    %broadcast_in_dim3A = vector.shape_cast %max3A_157 : vector<1024xf32> to vector<1024x1xf32>
    %sub3A_158 = vector.broadcast %broadcast_in_dim3A : vector<1024x1xf32> to vector<1024x8xf32>
    %sub3A_159 = arith.subf %add3A_130, %sub3A_158 : vector<1024x8xf32>
    %exp3A = math.exp %sub3A_159 : vector<1024x8xf32>
    %reduce_sum3A = arith.constant dense<0.000000e+00> : vector<1024xf32>
    %reduce_sum3A_160 = vector.multi_reduction <add>, %exp3A, %reduce_sum3A [1] : vector<1024x8xf32> to vector<1024xf32>
    %broadcast_in_dim3A_161 = vector.shape_cast %reduce_sum3A_160 : vector<1024xf32> to vector<1024x1xf32>
    %div3A_162 = vector.broadcast %broadcast_in_dim3A_161 : vector<1024x1xf32> to vector<1024x8xf32>
    %div3A_163 = arith.divf %exp3A, %div3A_162 : vector<1024x8xf32>
    %get3A_164 = arith.constant 0 : index
    %get3A_165 = arith.constant 0 : index
    %get3A_166 = vector.load %arg28[%get3A_164, %get3A_165] : memref<8x128xf32, #tpu.memory_space<vmem>>, vector<8x128xf32>
    %dot_general3A_167 = arith.constant dense<0.000000e+00> : vector<1024x128xf32>
    %dot_general3A_168 = tpu.matmul %div3A_163, %get3A_166, %dot_general3A_167 {dimension_numbers = #tpu.dot_dimension_numbers<[1], [0], [0], [1], [0, 0, 1, 1], [], []>, transpose_lhs_hint = false} : vector<1024x8xf32>, vector<8x128xf32>, vector<1024x128xf32> -> vector<1024x128xf32>
    %reduce_max3A_169 = arith.constant dense<0xFF800000> : vector<1024xf32>
    %reduce_max3A_170 = vector.multi_reduction <maximumf>, %add3A_153, %reduce_max3A_169 [1] : vector<1024x12xf32> to vector<1024xf32>
    %max3A_171 = arith.constant 0xFF800000 : f32
    %max3A_172 = vector.broadcast %max3A_171 : f32 to vector<1024xf32>
    %max3A_173 = arith.maximumf %max3A_172, %reduce_max3A_170 : vector<1024xf32>
    %broadcast_in_dim3A_174 = vector.shape_cast %max3A_173 : vector<1024xf32> to vector<1024x1xf32>
    %sub3A_175 = vector.broadcast %broadcast_in_dim3A_174 : vector<1024x1xf32> to vector<1024x12xf32>
    %sub3A_176 = arith.subf %add3A_153, %sub3A_175 : vector<1024x12xf32>
    %exp3A_177 = math.exp %sub3A_176 : vector<1024x12xf32>
    %reduce_sum3A_178 = arith.constant dense<0.000000e+00> : vector<1024xf32>
    %reduce_sum3A_179 = vector.multi_reduction <add>, %exp3A_177, %reduce_sum3A_178 [1] : vector<1024x12xf32> to vector<1024xf32>
    %broadcast_in_dim3A_180 = vector.shape_cast %reduce_sum3A_179 : vector<1024xf32> to vector<1024x1xf32>
    %div3A_181 = vector.broadcast %broadcast_in_dim3A_180 : vector<1024x1xf32> to vector<1024x12xf32>
    %div3A_182 = arith.divf %exp3A_177, %div3A_181 : vector<1024x12xf32>
    %get3A_183 = arith.constant 0 : index
    %get3A_184 = arith.constant 0 : index
    %get3A_185 = vector.load %arg29[%get3A_183, %get3A_184] : memref<12x128xf32, #tpu.memory_space<vmem>>, vector<12x128xf32>
    %dot_general3A_186 = arith.constant dense<0.000000e+00> : vector<1024x128xf32>
    %dot_general3A_187 = tpu.matmul %div3A_182, %get3A_185, %dot_general3A_186 {dimension_numbers = #tpu.dot_dimension_numbers<[1], [0], [0], [1], [0, 0, 1, 1], [], []>, transpose_lhs_hint = false} : vector<1024x12xf32>, vector<12x128xf32>, vector<1024x128xf32> -> vector<1024x128xf32>
    %get3A_188 = arith.constant 0 : index
    %get3A_189 = arith.constant 0 : index
    %get3A_190 = vector.load %arg30[%get3A_188, %get3A_189] : memref<128x128xf32, #tpu.memory_space<vmem>>, vector<128x128xf32>
    %dot_general3A_191 = arith.constant dense<0.000000e+00> : vector<1024x128xf32>
    %dot_general3A_192 = tpu.matmul %dot_general3A_168, %get3A_190, %dot_general3A_191 {dimension_numbers = #tpu.dot_dimension_numbers<[1], [0], [0], [1], [0, 0, 1, 1], [], []>, transpose_lhs_hint = false} : vector<1024x128xf32>, vector<128x128xf32>, vector<1024x128xf32> -> vector<1024x128xf32>
    %get3A_193 = arith.constant 0 : index
    %get3A_194 = arith.constant 0 : index
    %get3A_195 = vector.load %arg31[%get3A_193, %get3A_194] : memref<128x128xf32, #tpu.memory_space<vmem>>, vector<128x128xf32>
    %dot_general3A_196 = arith.constant dense<0.000000e+00> : vector<1024x128xf32>
    %dot_general3A_197 = tpu.matmul %dot_general3A_187, %get3A_195, %dot_general3A_196 {dimension_numbers = #tpu.dot_dimension_numbers<[1], [0], [0], [1], [0, 0, 1, 1], [], []>, transpose_lhs_hint = false} : vector<1024x128xf32>, vector<128x128xf32>, vector<1024x128xf32> -> vector<1024x128xf32>
    %add3A_198 = arith.addf %dot_general3A_192, %dot_general3A_197 : vector<1024x128xf32>
    %get3A_199 = arith.constant 0 : index
    %get3A_200 = arith.constant 0 : index
    %get3A_201 = vector.load %arg32[%get3A_199, %get3A_200] : memref<1x128xf32, #tpu.memory_space<vmem>>, vector<1x128xf32>
    %add3A_202 = vector.broadcast %get3A_201 : vector<1x128xf32> to vector<1024x128xf32>
    %add3A_203 = arith.addf %add3A_198, %add3A_202 : vector<1024x128xf32>
    %max3A_204 = arith.constant 0.000000e+00 : f32
    %max3A_205 = vector.broadcast %max3A_204 : f32 to vector<1024x128xf32>
    %max3A_206 = arith.maximumf %add3A_203, %max3A_205 : vector<1024x128xf32>
    %get3A_207 = arith.constant 0 : index
    %get3A_208 = arith.constant 0 : index
    %get3A_209 = vector.load %arg33[%get3A_207, %get3A_208] : memref<128x2xf32, #tpu.memory_space<vmem>>, vector<128x2xf32>
    %dot_general3A_210 = arith.constant dense<0.000000e+00> : vector<1024x2xf32>
    %dot_general3A_211 = tpu.matmul %max3A_206, %get3A_209, %dot_general3A_210 {dimension_numbers = #tpu.dot_dimension_numbers<[1], [0], [0], [1], [0, 0, 1, 1], [], []>, transpose_lhs_hint = false} : vector<1024x128xf32>, vector<128x2xf32>, vector<1024x2xf32> -> vector<1024x2xf32>
    %get3A_212 = arith.constant 0 : index
    %get3A_213 = arith.constant 0 : index
    %get3A_214 = vector.load %arg34[%get3A_212, %get3A_213] : memref<1x2xf32, #tpu.memory_space<vmem>>, vector<1x2xf32>
    %add3A_215 = vector.broadcast %get3A_214 : vector<1x2xf32> to vector<1024x2xf32>
    %add3A_216 = arith.addf %dot_general3A_211, %add3A_215 : vector<1024x2xf32>
    %reduce_max3A_217 = arith.constant dense<0xFF800000> : vector<1024xf32>
    %reduce_max3A_218 = vector.multi_reduction <maximumf>, %add3A_216, %reduce_max3A_217 [1] : vector<1024x2xf32> to vector<1024xf32>
    %max3A_219 = arith.constant 0xFF800000 : f32
    %max3A_220 = vector.broadcast %max3A_219 : f32 to vector<1024xf32>
    %max3A_221 = arith.maximumf %max3A_220, %reduce_max3A_218 : vector<1024xf32>
    %broadcast_in_dim3A_222 = vector.shape_cast %max3A_221 : vector<1024xf32> to vector<1024x1xf32>
    %sub3A_223 = vector.broadcast %broadcast_in_dim3A_222 : vector<1024x1xf32> to vector<1024x2xf32>
    %sub3A_224 = arith.subf %add3A_216, %sub3A_223 : vector<1024x2xf32>
    %exp3A_225 = math.exp %sub3A_224 : vector<1024x2xf32>
    %reduce_sum3A_226 = arith.constant dense<0.000000e+00> : vector<1024xf32>
    %reduce_sum3A_227 = vector.multi_reduction <add>, %exp3A_225, %reduce_sum3A_226 [1] : vector<1024x2xf32> to vector<1024xf32>
    %broadcast_in_dim3A_228 = vector.shape_cast %reduce_sum3A_227 : vector<1024xf32> to vector<1024x1xf32>
    %div3A_229 = vector.broadcast %broadcast_in_dim3A_228 : vector<1024x1xf32> to vector<1024x2xf32>
    %div3A_230 = arith.divf %exp3A_225, %div3A_229 : vector<1024x2xf32>
    %slice3A_231 = vector.extract_strided_slice %div3A_230 {offsets = [0, 0], sizes = [1024, 1], strides = [1, 1]} : vector<1024x2xf32> to vector<1024x1xf32>
    %mul3A_232 = vector.broadcast %slice3A_231 : vector<1024x1xf32> to vector<1024x128xf32>
    %mul3A_233 = arith.mulf %mul3A_232, %dot_general3A_168 : vector<1024x128xf32>
    %get3A_234 = arith.constant 0 : index
    %get3A_235 = arith.constant 0 : index
    %get3A_236 = vector.load %arg35[%get3A_234, %get3A_235] : memref<128x256xf32, #tpu.memory_space<vmem>>, vector<128x256xf32>
    %dot_general3A_237 = arith.constant dense<0.000000e+00> : vector<1024x256xf32>
    %dot_general3A_238 = tpu.matmul %mul3A_233, %get3A_236, %dot_general3A_237 {dimension_numbers = #tpu.dot_dimension_numbers<[1], [0], [0], [1], [0, 0, 1, 1], [], []>, transpose_lhs_hint = false} : vector<1024x128xf32>, vector<128x256xf32>, vector<1024x256xf32> -> vector<1024x256xf32>
    %slice3A_239 = vector.extract_strided_slice %div3A_230 {offsets = [0, 1], sizes = [1024, 1], strides = [1, 1]} : vector<1024x2xf32> to vector<1024x1xf32>
    %mul3A_240 = vector.broadcast %slice3A_239 : vector<1024x1xf32> to vector<1024x128xf32>
    %mul3A_241 = arith.mulf %mul3A_240, %dot_general3A_187 : vector<1024x128xf32>
    %get3A_242 = arith.constant 0 : index
    %get3A_243 = arith.constant 0 : index
    %get3A_244 = vector.load %arg36[%get3A_242, %get3A_243] : memref<128x256xf32, #tpu.memory_space<vmem>>, vector<128x256xf32>
    %dot_general3A_245 = arith.constant dense<0.000000e+00> : vector<1024x256xf32>
    %dot_general3A_246 = tpu.matmul %mul3A_241, %get3A_244, %dot_general3A_245 {dimension_numbers = #tpu.dot_dimension_numbers<[1], [0], [0], [1], [0, 0, 1, 1], [], []>, transpose_lhs_hint = false} : vector<1024x128xf32>, vector<128x256xf32>, vector<1024x256xf32> -> vector<1024x256xf32>
    %add3A_247 = arith.addf %dot_general3A_238, %dot_general3A_246 : vector<1024x256xf32>
    %get3A_248 = arith.constant 0 : index
    %get3A_249 = arith.constant 0 : index
    %get3A_250 = vector.load %arg37[%get3A_248, %get3A_249] : memref<1x256xf32, #tpu.memory_space<vmem>>, vector<1x256xf32>
    %add3A_251 = vector.broadcast %get3A_250 : vector<1x256xf32> to vector<1024x256xf32>
    %add3A_252 = arith.addf %add3A_247, %add3A_251 : vector<1024x256xf32>
    %get3A_253 = arith.constant 0 : index
    %get3A_254 = arith.constant 0 : index
    %get3A_255 = vector.load %arg38[%get3A_253, %get3A_254] : memref<256x256xf32, #tpu.memory_space<vmem>>, vector<256x256xf32>
    %dot_general3A_256 = arith.constant dense<0.000000e+00> : vector<1024x256xf32>
    %dot_general3A_257 = tpu.matmul %add3A_23, %get3A_255, %dot_general3A_256 {dimension_numbers = #tpu.dot_dimension_numbers<[1], [0], [0], [1], [0, 0, 1, 1], [], []>, transpose_lhs_hint = false} : vector<1024x256xf32>, vector<256x256xf32>, vector<1024x256xf32> -> vector<1024x256xf32>
    %get3A_258 = arith.constant 0 : index
    %get3A_259 = arith.constant 0 : index
    %get3A_260 = vector.load %arg39[%get3A_258, %get3A_259] : memref<256x256xf32, #tpu.memory_space<vmem>>, vector<256x256xf32>
    %dot_general3A_261 = arith.constant dense<0.000000e+00> : vector<1024x256xf32>
    %dot_general3A_262 = tpu.matmul %add3A_252, %get3A_260, %dot_general3A_261 {dimension_numbers = #tpu.dot_dimension_numbers<[1], [0], [0], [1], [0, 0, 1, 1], [], []>, transpose_lhs_hint = false} : vector<1024x256xf32>, vector<256x256xf32>, vector<1024x256xf32> -> vector<1024x256xf32>
    %add3A_263 = arith.addf %dot_general3A_257, %dot_general3A_262 : vector<1024x256xf32>
    %get3A_264 = arith.constant 0 : index
    %get3A_265 = arith.constant 0 : index
    %get3A_266 = vector.load %arg40[%get3A_264, %get3A_265] : memref<1x256xf32, #tpu.memory_space<vmem>>, vector<1x256xf32>
    %add3A_267 = vector.broadcast %get3A_266 : vector<1x256xf32> to vector<1024x256xf32>
    %add3A_268 = arith.addf %add3A_263, %add3A_267 : vector<1024x256xf32>
    %logistic3A_269 = arith.negf %add3A_268 : vector<1024x256xf32>
    %logistic3A_270 = math.exp %logistic3A_269 : vector<1024x256xf32>
    %logistic3A_271 = arith.constant 1.000000e+00 : f32
    %logistic3A_272 = vector.broadcast %logistic3A_271 : f32 to vector<1024x256xf32>
    %logistic3A_273 = arith.addf %logistic3A_272, %logistic3A_270 : vector<1024x256xf32>
    %logistic3A_274 = arith.divf %logistic3A_272, %logistic3A_273 : vector<1024x256xf32>
    %mul3A_275 = arith.mulf %logistic3A_274, %add3A_23 : vector<1024x256xf32>
    %sub3A_276 = arith.constant 1.000000e+00 : f32
    %sub3A_277 = vector.broadcast %sub3A_276 : f32 to vector<1024x256xf32>
    %sub3A_278 = arith.subf %sub3A_277, %logistic3A_274 : vector<1024x256xf32>
    %mul3A_279 = arith.mulf %sub3A_278, %add3A_252 : vector<1024x256xf32>
    %add3A_280 = arith.addf %mul3A_275, %mul3A_279 : vector<1024x256xf32>
    %swap3A_281 = arith.constant 0 : index
    %swap3A_282 = arith.constant 0 : index
    %swap3A_283 = vector.load %arg41[%swap3A_281, %swap3A_282] : memref<1024x256xf32, #tpu.memory_space<vmem>>, vector<1024x256xf32>
    tpu.vector_store %arg41[%swap3A_281, %swap3A_282], %add3A_280 {strides = array<i32>} : memref<1024x256xf32, #tpu.memory_space<vmem>>, vector<1024x256xf32>,
    return
  }
}

module attributes {stable_mosaic.version = 14 : i64} {
  func.func @_final_body(%arg0: i32, %arg1: memref<512x256xf32, #tpu.memory_space<vmem>>, %arg2: memref<2000x256xf32, #tpu.memory_space<vmem>>, %arg3: memref<512x2000xf32, #tpu.memory_space<vmem>>) attributes {dimension_semantics = [#tpu.dimension_semantics<arbitrary>], iteration_bounds = array<i64: 2>, scalar_prefetch = 0 : i64, scratch_operands = 0 : i64, tpu.core_type = #tpu.core_type<tc>, window_params = [{transform_indices = @transform_0, window_bounds = array<i64: 512, 256>}, {pipeline_mode = #tpu.pipeline_mode<synchronous>, transform_indices = @transform_1, window_bounds = array<i64: 2000, 256>}, {transform_indices = @transform_2, window_bounds = array<i64: 512, 2000>}]} {
    %get3A = arith.constant 0 : index
    %get3A_0 = arith.constant 0 : index
    %get3A_1 = vector.load %arg1[%get3A, %get3A_0] : memref<512x256xf32, #tpu.memory_space<vmem>>, vector<512x256xf32>
    %get3A_2 = arith.constant 0 : index
    %get3A_3 = arith.constant 0 : index
    %get3A_4 = vector.load %arg2[%get3A_2, %get3A_3] : memref<2000x256xf32, #tpu.memory_space<vmem>>, vector<2000x256xf32>
    %dot_general3A = arith.constant dense<0.000000e+00> : vector<512x2000xf32>
    %dot_general3A_5 = tpu.matmul %get3A_1, %get3A_4, %dot_general3A {dimension_numbers = #tpu.dot_dimension_numbers<[1], [1], [0], [0], [0, 0, 1, 0], [], []>, transpose_lhs_hint = false} : vector<512x256xf32>, vector<2000x256xf32>, vector<512x2000xf32> -> vector<512x2000xf32>
    %logistic3A = arith.negf %dot_general3A_5 : vector<512x2000xf32>
    %logistic3A_6 = math.exp %logistic3A : vector<512x2000xf32>
    %logistic3A_7 = arith.constant 1.000000e+00 : f32
    %logistic3A_8 = vector.broadcast %logistic3A_7 : f32 to vector<512x2000xf32>
    %logistic3A_9 = arith.addf %logistic3A_8, %logistic3A_6 : vector<512x2000xf32>
    %logistic3A_10 = arith.divf %logistic3A_8, %logistic3A_9 : vector<512x2000xf32>
    %swap3A = arith.constant 0 : index
    %swap3A_11 = arith.constant 0 : index
    %swap3A_12 = vector.load %arg3[%swap3A, %swap3A_11] : memref<512x2000xf32, #tpu.memory_space<vmem>>, vector<512x2000xf32>
    tpu.vector_store %arg3[%swap3A, %swap3A_11], %logistic3A_10 {strides = array<i32>} : memref<512x2000xf32, #tpu.memory_space<vmem>>, vector<512x2000xf32>,
    return
  }
  func.func @transform_0(%arg0: i32) -> (i32, i32) {
    %c0_i32 = arith.constant 0 : i32
    %c0_i32_0 = arith.constant 0 : i32
    return %arg0, %c0_i32 : i32, i32
  }
  func.func @transform_1(%arg0: i32) -> (i32, i32) {
    %c0_i32 = arith.constant 0 : i32
    %c0_i32_0 = arith.constant 0 : i32
    %c0_i32_1 = arith.constant 0 : i32
    return %c0_i32, %c0_i32_0 : i32, i32
  }
  func.func @transform_2(%arg0: i32) -> (i32, i32) {
    %c0_i32 = arith.constant 0 : i32
    %c0_i32_0 = arith.constant 0 : i32
    return %arg0, %c0_i32 : i32, i32
  }
}

</mosaic_0001>

<sc_bundles>
// kernel: kernel.15.cloned.1.call-start
scs
__scs_entry_jumppad:
0x0: {  	(pc) =	sbr.rel $0x88, $3  }
0x1: {  	(tag) =	ssettag $0x0;
	lr =	simm.s32 $0x1  }
0x2: {  	[smem:$0x3F68] =	sst lr;
	_ =	strace $0xD0000000  }
0x3: {  	_ = 	snop  }
0x4: {  	_ = 	snop  }
0x5: {  	_ = 	snop  }
0x6: {  	_ = 	snop  }
0x7: {  	_ = 	snop  }
__scs_overlays_trampoline_lowered:
0x8: {  	[smem:$0x3F77] =	sst s0  }
0x9: {  	[smem:$0x3F78] =	sst s1  }
0xa: {  	[smem:$0x3F79] =	sst s2  }
0xb: {  	[smem:$0x3F7A] =	sst s3  }
0xc: {  	[smem:$0x3F7B] =	sst s4  }
0xd: {  	[smem:$0x3F7C] =	sst s5  }
0xe: {  	[smem:$0x3F7D] =	sst s6  }
0xf: {  	[smem:$0x3F7E] =	sst s7  }
0x10: {  	[smem:$0x3F7F] =	sst s8  }
0x11: {  	[smem:$0x3F80] =	sst s9;
	s0 =	simm.s32 @!p0 $0x0  }
0x12: {  	s1 =	sld [smem:$0x3F66];
	s0 =	simm.s32 @p0 $0x1  }
0x13: {  	[smem:$0x3F81] =	sst s0;
	s0 =	simm.s32 @!p1 $0x0  }
0x14: {  	s2 =	sld [smem:$0x3F65];
	s0 =	simm.s32 @p1 $0x1  }
0x15: {  	[smem:$0x3F82] =	sst s0;
	s0 =	simm.s32 @!p2 $0x0  }
0x16: {  	s3 =	sld [smem:$0x3FDB];
	s0 =	simm.s32 @p2 $0x1  }
0x17: {  	s4 =	simm.s32 $0x1BF5;
	[smem:$0x3F84] =	sst s0  }
0x18: {  	s0 =	sld [smem:$0x3F67];
	_ =	swait.ge [sflag:s4], $0x0  }
0x19: {  	s7 =	sld [smem:$0x3F68]  }
0x1a: {  	s8 =	sadd.s32 $0xFFFFE003, lr  }
0x1b: {  	s9 =	sadd.s32 $0xFFFFFEF7, lr;
	s5 =	simm.s32 $0xFFFFFFFF;
	p2 =	slt.u32 s8, $0xFFFFF086  }
0x1c: {  	p1 =	slt.u32 s9, $0xF7A;
	s5 =	simm.s32 @!p2 $0x0  }
0x1d: {  	s5 =	simm.s32 @p1 $0x1;
	p0 =	seq.s32 s7, s2  }
0x1e: {  	s7 =	smul.u32 @!p0 $0xF7A, s2;
	p2 =	seq.s32 @!p0 s5, $0x0  }
0x1f: {  	s9 =	smul.u32 $0xF7A, s1;
	s8 =	simm.s32 @!p0 $0x1BF5;
	p2 =	por !p2, p0  }
0x20: {  	[sflag:s8] =	ssyncset.s32 @!p0 $0xFFFFF086;
	s6 =	sadd.s32 @!p0 s3, s7;
	s7 =	simm.s32 @!p0 $0x108  }
0x21: {  	s3 =	sadd.s32 s3, s9;
	s6 =	sadd.s32 @!p0 $0x88, s6;
	s7 =	simm.s32 @p2 $0x1082  }
0x22: {  	[simem:s7], [sflag:s8] =	dma.local @!p0 [hbm:s6], $0xF7A  }
0x23: {  	s9 =	sor.u32 $0xD0000000, s2;
	s6 =	simm.s32 $0x108;
	_ =	swait.ge @!p0 [sflag:s8], $0x0  }
0x24: {  	s3 =	sadd.s32 $0x88, s3;
	s6 =	simm.s32 @!p1 $0x1082;
	[sflag:s4] =	ssyncset.s32 $0xFFFFF086  }
0x25: {  	[simem:s6], [sflag:s4] =	dma.local [hbm:s3], $0xF7A  }
0x26: {  	[smem:$0x3F68] =	sst s1;
	(tag) =	ssettag s2;
	_ =	strace s9  }
0x27: {  	s1 =	sld [smem:$0x3F78]  }
0x28: {  	s2 =	sld [smem:$0x3F79]  }
0x29: {  	s4 =	sld [smem:$0x3F7B]  }
0x2a: {  	p0 =	seq.s32 s5, $0x0;
	s5 =	sld [smem:$0x3F7C]  }
0x2b: {  	s6 =	sld [smem:$0x3F7D]  }
0x2c: {  	s7 =	sld [smem:$0x3F7E]  }
0x2d: {  	s3 =	simm.s32 $0x108;
	s8 =	sld [smem:$0x3F7F]  }
0x2e: {  	s3 =	simm.s32 @!p0 $0x1082;
	s9 =	sld [smem:$0x3F80]  }
0x2f: {  	lr =	sadd.s32 s0, s3;
	s0 =	sld [smem:$0x3F77]  }
0x30: {  	s3 =	sld [smem:$0x3F7A]  }
0x31: {  	[smem:$0x3F83] =	sst s10  }
0x32: {  	s10 =	sld [smem:$0x3F81];
	_ =	sdelay $0x3  }
0x33: {  	p0 =	seq.s32 s10, $0x1;
	s10 =	sld [smem:$0x3F83];
	_ =	sdelay $0x3  }
0x34: {  	[smem:$0x3F83] =	sst s10  }
0x35: {  	s10 =	sld [smem:$0x3F82];
	_ =	sdelay $0x3  }
0x36: {  	p1 =	seq.s32 s10, $0x1;
	s10 =	sld [smem:$0x3F83];
	_ =	sdelay $0x3  }
0x37: {  	[smem:$0x3F83] =	sst s10  }
0x38: {  	s10 =	sld [smem:$0x3F84]  }
0x39: {  	_ = 	snop;
	(pc) =	sbr.ind lr, $3  }
0x3a: {  	_ = 	snop  }
0x3b: {  	_ = 	snop  }
0x3c: {  	p2 =	seq.s32 s10, $0x1;
	s10 =	sld [smem:$0x3F83]  }
0x3d: {  	_ =	shalt  }
0x3e: {  	_ =	shalt  }
0x3f: {  	_ =	shalt  }
0x40: {  	_ =	shalt  }
0x41: {  	_ =	shalt  }
0x42: {  	_ =	shalt  }
0x43: {  	_ =	shalt  }
0x44: {  	_ =	shalt  }
0x45: {  	_ =	shalt  }
0x46: {  	_ =	shalt  }
0x47: {  	_ =	shalt  }
0x48: {  	_ =	shalt  }
0x49: {  	_ =	shalt  }
0x4a: {  	_ =	shalt  }
0x4b: {  	_ =	shalt  }
0x4c: {  	_ =	shalt  }
0x4d: {  	_ =	shalt  }
0x4e: {  	_ =	shalt  }
0x4f: {  	_ =	shalt  }
0x50: {  	_ =	shalt  }
0x51: {  	_ =	shalt  }
0x52: {  	_ =	shalt  }
0x53: {  	_ =	shalt  }
0x54: {  	_ =	shalt  }
0x55: {  	_ =	shalt  }
0x56: {  	_ =	shalt  }
0x57: {  	_ =	shalt  }
0x58: {  	_ =	shalt  }
0x59: {  	_ =	shalt  }
0x5a: {  	_ =	shalt  }
0x5b: {  	_ =	shalt  }
0x5c: {  	_ =	shalt  }
0x5d: {  	_ =	shalt  }
0x5e: {  	_ =	shalt  }
0x5f: {  	_ =	shalt  }
0x60: {  	_ =	shalt  }
0x61: {  	_ =	shalt  }
0x62: {  	_ =	shalt  }
0x63: {  	_ =	shalt  }
0x64: {  	_ =	shalt  }
0x65: {  	_ =	shalt  }
0x66: {  	_ =	shalt  }
0x67: {  	_ =	shalt  }
0x68: {  	_ =	shalt  }
0x69: {  	_ =	shalt  }
0x6a: {  	_ =	shalt  }
0x6b: {  	_ =	shalt  }
0x6c: {  	_ =	shalt  }
0x6d: {  	_ =	shalt  }
0x6e: {  	_ =	shalt  }
0x6f: {  	_ =	shalt  }
0x70: {  	_ =	shalt  }
0x71: {  	_ =	shalt  }
0x72: {  	_ =	shalt  }
0x73: {  	_ =	shalt  }
0x74: {  	_ =	shalt  }
0x75: {  	_ =	shalt  }
0x76: {  	_ =	shalt  }
0x77: {  	_ =	shalt  }
0x78: {  	_ =	shalt  }
0x79: {  	_ =	shalt  }
0x7a: {  	_ =	shalt  }
0x7b: {  	_ =	shalt  }
0x7c: {  	_ =	shalt  }
0x7d: {  	_ =	shalt  }
0x7e: {  	_ =	shalt  }
0x7f: {  	_ =	shalt  }
0x80: {  	_ =	shalt  }
0x81: {  	_ =	shalt  }
0x82: {  	_ =	shalt  }
0x83: {  	_ =	shalt  }
0x84: {  	_ =	shalt  }
0x85: {  	_ =	shalt  }
0x86: {  	_ =	shalt  }
0x87: {  	_ =	shalt  }
.Lfunc_end0:
.L_simem_size_0:
called_computation_lowered:
.L_overlay_start_0:
0x88: {  	s2 =	sld [smem:$0x3FD9]  }
0x89: {  	s3 =	sld [smem:$0x3FFE];
	_ =	sdelay $0x1  }
0x8a: {  	s1 =	srdreg.scid  }
0x8b: {  	s0 =	sand.u32 $0x1, s1  }
0x8c: {  	s17 =	sshll.u32 s0, $0xA;
	s2 =	sadd.s32 s3, s2  }
0x8d: {  	s2 =	sadd.s32 s2, s17  }
0x8e: {  	[smem:$0x3F8F] =	sst s2  }
0x8f: {  	_ = 	snop  }
0x90: {  	s2 =	sld [smem:$0x3FD0];
	(tm) =	ssettm $0x1  }
0x91: {  	s18 =	sld [smem:$0x3FFB];
	_ =	sdelay $0x3  }
0x92: {  	_ =	strace s18  }
0x93: {  	s3 =	sld [smem:$0x3FFC];
	_ =	sdelay $0x3  }
0x94: {  	_ =	strace s3  }
0x95: {  	s3 =	sld [smem:$0x3FFD];
	_ =	sdelay $0x3  }
0x96: {  	_ =	strace s3  }
0x97: {  	_ =	strace $0x8FFFFFFF  }
0x98: {  	s19 =	sld [smem:$0x3FDB];
	_ =	sdelay $0x1  }
0x99: {  	s4 =	simm.s32 $_scs_section_size  }
0x9a: {  	s5 =	simm.s32 $_size__tile_overlayer_lowered;
	s6 =	simm.s32 $_tile_overlayer_lowered  }
0x9b: {  	s22 =	simm.s32 $0x1BFF;
	s21 =	sshll.u32 s6, $0x1;
	s3 =	sadd.s32 s4, s19  }
0x9c: {  	s7 =	simm.s32 $0x0;
	s20 =	sshll.u32 s5, $0x1;
	s5 =	sadd.s32 s21, s3  }
0x9d: {  	[timem:s7], [sflag:s22] =	dma.local [hbm:s5], s20  }
0x9e: {  	_ =	swait.ge [sflag:s22], s20  }
0x9f: {  	s4 =	ssub.s32 $0x0, s20;
	[sflag:s22] =	ssyncset.done $0x0  }
0xa0: {  	[sflag:s22] =	ssyncadd.s32 s4;
	_ =	sdelay $0x1  }
0xa1: {  	s23 =	simm.s32 $0x1B8B  }
0xa2: {  	_ =	swait.ge [sflag:s23], $0x1  }
0xa3: {  	[sflag:s23] =	ssyncset.done $0x0  }
0xa4: {  	s25 =	simm.s32 $0x1B8E;
	s24 =	sld [smem:$0x3FFE];
	[sflag:s23] =	ssyncadd.s32 $0xFFFFFFFF  }
0xa5: {  	s26 =	simm.s32 $execute0_lowered;
	[smem:$0x3FD2] =	sst s25  }
0xa6: {  	s5 =	sshll.u32 s26, $0x1;
	_ =	strace $0x80000046;
	[dreg:$0x1] =	wrdreg $0xFFFFFFFF  }
0xa7: {  	s28 =	simm.s32 $_size_execute0_lowered;
	s3 =	sadd.s32 s3, s5;
	[dreg:$0x0] =	wrdreg $0x0  }
0xa8: {  	s5 =	sshll.u32 s28, $0x1;
	[dreg:$0x2] =	wrdreg s3  }
0xa9: {  	[dreg:$0x3] =	wrdreg s5  }
0xaa: {  	[dreg:$0x4] =	wrdreg $0xC0  }
0xab: {  	_ =	task [dreg:s7], $0x5FFFF  }
0xac: {  	[dreg:$0x1] =	wrdreg $0xFFFFFFFF  }
0xad: {  	[dreg:$0x0] =	wrdreg $0x60  }
0xae: {  	[dreg:$0x2] =	wrdreg s2  }
0xaf: {  	[dreg:$0x3] =	wrdreg s24  }
0xb0: {  	[dreg:$0x4] =	wrdreg $0x82000  }
0xb1: {  	[dreg:$0x5] =	wrdreg $0x9  }
0xb2: {  	_ =	task.clear_ibuf [dreg:s7], $0x6FFFF;
	_ =	strace $0x90000046  }
0xb3: {  	s29 =	simm.s32 $0x9;
	_ =	strace $0x80000048  }
0xb4: {  	_ =	swait.ge [sflag:s29], $0x1  }
0xb5: {  	[sflag:s29] =	ssyncadd.s32 $0xFFFFFFFF  }
0xb6: {  	_ =	strace $0x90000048  }
0xb7: {  	_ =	sfence  }
0xb8: {  	s30 =	sld [smem:$0x0];
	_ =	sdelay $0x2  }
0xb9: {  	s31 =	sshll.u32 s1, $0xD;
	s1 =	sshrl.u32 s1, $0x2  }
0xba: {  	s3 =	sand.u32 $0x4000, s31;
	s1 =	sadd.s32 s1, s30  }
0xbb: {  	s0 =	sor.u32 s3, s0;
	s1 =	sshll.u32 s1, $0x11  }
0xbc: {  	s0 =	sor.u32 s1, s0  }
0xbd: {  	s0 =	sadd.s32 $0x8F2B, s0  }
0xbe: {  	[sflag:s0] =	ssyncadd.remote.s32 $0x1  }
0xbf: {  	_ =	sfence.sel $0xFFFF  }
0xc0: {  	[dreg:$0x0] =	wrdreg $0xFFFFFFFF;
	(pc) =	sbr.abs _section_cstart, $3  }
0xc1: {  	[dreg:$0x1] =	wrdreg $0xFFFFFFFF  }
0xc2: {  	_ =	task.clear_ibuf [dreg:s7], $0x2FFFF;
	_ =	strace $0x9FFFFFFF  }
0xc3: {  	(tm) =	ssettm $0x7FFFFFFF  }
tec
execute0_lowered:
.L_overlay_start_1:
0x0: {  	(tag) =	ssettag $0x1  }
0x1: {  	s1 =	rddreg [dreg:$0x0]  }
0x2: {  	s8 =	rddreg [dreg:$0x1]  }
0x3: {  	s2 =	rddreg [dreg:$0x2]  }
0x4: {  	s3 =	srdreg.scid;
	s0 =	rddreg [dreg:$0x3];
	s4 =	simm.s32 $0x0  }
0x5: {  	s17 =	simm.s32 $0x80;
	s18 =	simm.s32 $0x200;
	s9 =	sand.u32 $0x1, s3  }
0x6: {  	s19 =	simm.s32 $0x1;
	s3 =	stileid.u32;
	s7 =	smul.u32 $0x13C000, s9  }
0x7: {  	s20 =	simm.s32 $0x0;
	[smem:$0x7FF] =	sst s4;
	s10 =	smul.u32 $0x13C00, s3  }
0x8: {  	s5 =	sadd.s32 $0x12200, s8;
	s6 =	sadd.s32 $0x8400, s8;
	s13 =	smul.u32 $0x4F000, s3  }
0x9: {  	_ =	strace $0x80000047;
	s11 =	sshll.u32 s9, $0x4;
	s30 =	smul.u32 $0x27800, s9  }
0xa: {  	s12 =	ssub.s32 $0x2, s9;
	s31 =	sshll.u32 s3, $0x6;
	s15 =	smul.u32 $0x2780, s3  }
0xb: {  	s11 =	sor.u32 s3, s11;
	s26 =	sshrl.u32 s12, $0x1;
	s10 =	sadd.s32 s10, s7  }
0xc: {  	s7 =	sadd.s32 $0x1C000, s8;
	s28 =	smul.u32 $0x2780, s11;
	s12 =	ssub.s32 s12, s26  }
0xd: {  	s29 =	sshrl.u32 s13, $0x2;
	s13 =	sadd.s32 s15, s30;
	s15 =	simm.s32 $0x3  }
0xe: {  	s10 =	sshrl.u32 s10, $0x3;
	s16 =	sadd.s32 s29, s2;
	s12 =	smax.u32 s12, $0x1  }
0xf: {  	s13 =	sadd.s32 $0x80, s13;
	s14 =	sadd.s32 s10, s8;
	s10 =	sshrl.u32 s28, $0x3  }
0x10: {  	s8 =	sor.u32 $0x1C03, s31;
	s9 =	sadd.s32 s5, s10;
	s10 =	sadd.s32 s6, s10  }
0x11: {  	s11 =	sadd.s32 $0x1EC00, s14;
	s14 =	sshrl.u32 s16, $0x3;
	s16 =	simm.s32 $0x100  }
.LBB2_1:
0x12: {  	[spmem:s14], [sflag:s8] =	dma.local [hbm:s7], $0x2780  }
0x13: {  	_ =	swait.ge [sflag:s15], $0x2780  }
0x14: {  	[sflag:s15] =	ssyncset.done $0x0  }
0x15: {  	[sflag:s15] =	ssyncadd.s32 $0xFFFFD880  }
0x16: {  	[bflag:$0x0] =	sbarrier.arrive $0xFFFF  }
0x17: {  	[tilespmem:s4], [sflag:$0x3] =	stream.linear.gather [hbm4b:s9+s4], $0x80, $0x38;
	[tilespmem:$0x1BE00] =	vst v63  }
0x18: {  	_ =	swait.ge [sflag:s15], $0x80  }
0x19: {  	[sflag:s15] =	ssyncset.done $0x0  }
0x1a: {  	[sflag:s15] =	ssyncadd.s32 $0xFFFFFF80  }
0x1b: {  	[tilespmem:s16], [sflag:$0x3] =	stream.linear.gather [hbm4b:s10+s4], $0x80, $0x38;
	[tilespmem:$0x1BE00] =	vst v63  }
0x1c: {  	_ =	swait.ge [sflag:s15], $0x80  }
0x1d: {  	[sflag:s15] =	ssyncset.done $0x0  }
0x1e: {  	s21 =	sand.u32 $0x1, s19;
	s22 =	sshrl.u32 s13, $0x3;
	[sflag:s15] =	ssyncadd.s32 $0xFFFFFF80  }
0x1f: {  	[tilespmem:s18], [sflag:$0x1] =	stream.indirect.gather [hbm4b:s1+s17], $0x80, s4, s17, $0xb8;
	[tilespmem:$0x1BE00] =	vst v63  }
0x20: {  	s23 =	sshll.u32 s21, $0x7;
	s24 =	sadd.s32 s5, s22  }
0x21: {  	[tilespmem:s23], [sflag:$0x3] =	stream.linear.gather [hbm4b:s24+s4], $0x80, $0x38;
	[tilespmem:$0x1BE00] =	vst v63  }
0x22: {  	_ =	swait.ge [sflag:s15], $0x80  }
0x23: {  	[sflag:s15] =	ssyncset.done $0x0  }
0x24: {  	s22 =	sadd.s32 s6, s22;
	s26 =	sor.u32 $0x100, s23;
	[sflag:s15] =	ssyncadd.s32 $0xFFFFFF80  }
0x25: {  	[tilespmem:s26], [sflag:$0x3] =	stream.linear.gather [hbm4b:s22+s4], $0x80, $0x38;
	[tilespmem:$0x1BE00] =	vst v63  }
0x26: {  	s29 =	simm.s32 $0x0;
	s28 =	sadd.s32 $0x1, s21;
	_ =	swait.ge [sflag:s15], $0x80  }
0x27: {  	s21 =	sshll.u32 s21, $0xE;
	s24 =	sand.u32 $0x1, s29;
	[sflag:s15] =	ssyncset.done $0x0  }
0x28: {  	s21 =	sor.u32 $0x200, s21;
	s25 =	sadd.s32 $0x1, s24;
	[sflag:s15] =	ssyncadd.s32 $0xFFFFFF80  }
0x29: {  	[tilespmem:s21], [sflag:s28] =	stream.indirect.gather [hbm4b:s1+s17], $0x80, s23, s17, $0xb8;
	[tilespmem:$0x1BE00] =	vst v63  }
0x2a: {  	s31 =	sshll.u32 s24, $0x7;
	_ =	swait.ge [sflag:s25], $0x4000  }
0x2b: {  	s30 =	sshll.u32 s24, $0xE;
	s22 =	sor.u32 $0x100, s31;
	[sflag:s25] =	ssyncset.done $0x0  }
0x2c: {  	s21 =	sor.u32 $0x200, s30;
	s23 =	simm.s32 $0x2;
	[sflag:s25] =	ssyncadd.s32 $0xFFFFC000  }
0x2d: {  	[spmem:s2] =	stream.indirect.scatter.add.f32 [tilespmem:s21], [sflag:$0x3], $0x80, s22, s17, $0xb8;
	[tilespmem:$0x1BE00] =	vst v63  }
0x2e: {  	s24 =	sand.u32 $0x1, s23;
	s22 =	sadd.s32 $0x80, s13  }
0x2f: {  	s21 =	simm.s32 $0x3;
	s25 =	sshrl.u32 s22, $0x3;
	_ =	swait.ge [sflag:s15], $0x4000  }
.LBB2_2:
0x30: {  	s26 =	sshll.u32 s24, $0x7  }
0x31: {  	s28 =	sadd.s32 s5, s25;
	[sflag:s15] =	ssyncset.done $0x0;
	s29 =	smov.u32 s21  }
0x32: {  	p0 =	sne.s32 s21, $0x4E;
	s21 =	sadd.s32 $0x1, s21;
	[sflag:s15] =	ssyncadd.s32 $0xFFFFC000  }
0x33: {  	[tilespmem:s26], [sflag:$0x3] =	stream.linear.gather [hbm4b:s28+s4], $0x80, $0x38;
	[tilespmem:$0x1BE00] =	vst v63  }
0x34: {  	_ =	swait.ge [sflag:s15], $0x80  }
0x35: {  	s25 =	sadd.s32 s6, s25;
	s28 =	sor.u32 $0x100, s26;
	[sflag:s15] =	ssyncset.done $0x0  }
0x36: {  	s30 =	sadd.s32 $0x1, s24;
	[sflag:s15] =	ssyncadd.s32 $0xFFFFFF80  }
0x37: {  	[tilespmem:s28], [sflag:$0x3] =	stream.linear.gather [hbm4b:s25+s4], $0x80, $0x38;
	[tilespmem:$0x1BE00] =	vst v63  }
0x38: {  	s23 =	sadd.s32 $0xFFFFFFFF, s23;
	s24 =	sshll.u32 s24, $0xE;
	_ =	swait.ge [sflag:s15], $0x80  }
0x39: {  	s23 =	sand.u32 $0x1, s23;
	s24 =	sor.u32 $0x200, s24;
	[sflag:s15] =	ssyncset.done $0x0  }
0x3a: {  	s25 =	sshll.u32 s23, $0xE;
	s28 =	sadd.s32 $0x1, s23;
	[sflag:s15] =	ssyncadd.s32 $0xFFFFFF80  }
0x3b: {  	[tilespmem:s24], [sflag:s30] =	stream.indirect.gather [hbm4b:s1+s17], $0x80, s26, s17, $0xb8;
	[tilespmem:$0x1BE00] =	vst v63  }
.Ltmp0:
0x3c: {  	s23 =	sshll.u32 s23, $0x7;
	_ =	swait.ge [sflag:s28], $0x4000;
	(pc) =	sbr.rel @p0 .LBB2_2-.Ltmp0, $4  }
0x3d: {  	s24 =	sor.u32 $0x200, s25;
	s25 =	sor.u32 $0x100, s23;
	[sflag:s28] =	ssyncset.done $0x0  }
0x3e: {  	s22 =	sadd.s32 $0x80, s22;
	s23 =	smov.u32 s29;
	[sflag:s28] =	ssyncadd.s32 $0xFFFFC000  }
0x3f: {  	[spmem:s2] =	stream.indirect.scatter.add.f32 [tilespmem:s24], [sflag:$0x3], $0x80, s25, s17, $0xb8;
	[tilespmem:$0x1BE00] =	vst v63  }
0x40: {  	s24 =	sand.u32 $0x1, s23;
	s25 =	sshrl.u32 s22, $0x3;
	_ =	swait.ge [sflag:s15], $0x4000  }
0x41: {  	[sflag:s15] =	ssyncset.done $0x0  }
0x42: {  	s21 =	sshll.u32 s24, $0x7;
	s22 =	sadd.s32 s5, s25;
	[sflag:s15] =	ssyncadd.s32 $0xFFFFC000  }
0x43: {  	[tilespmem:s21], [sflag:$0x3] =	stream.linear.gather [hbm4b:s22+s4], $0x80, $0x38;
	[tilespmem:$0x1BE00] =	vst v63  }
0x44: {  	_ =	swait.ge [sflag:s15], $0x80  }
0x45: {  	[sflag:s15] =	ssyncset.done $0x0  }
0x46: {  	s31 =	sadd.s32 s6, s25;
	s30 =	sor.u32 $0x100, s21;
	[sflag:s15] =	ssyncadd.s32 $0xFFFFFF80  }
0x47: {  	[tilespmem:s30], [sflag:$0x3] =	stream.linear.gather [hbm4b:s31+s4], $0x80, $0x38;
	[tilespmem:$0x1BE00] =	vst v63  }
0x48: {  	s26 =	sadd.s32 $0x1, s24;
	s23 =	sadd.s32 $0xFFFFFFFF, s23;
	_ =	swait.ge [sflag:s15], $0x80  }
0x49: {  	s28 =	sshll.u32 s24, $0xE;
	s23 =	sand.u32 $0x1, s23;
	[sflag:s15] =	ssyncset.done $0x0  }
0x4a: {  	s24 =	sor.u32 $0x200, s28;
	s29 =	sadd.s32 $0x1, s23;
	[sflag:s15] =	ssyncadd.s32 $0xFFFFFF80  }
0x4b: {  	[tilespmem:s24], [sflag:s26] =	stream.indirect.gather [hbm4b:s1+s17], $0x80, s21, s17, $0xb8;
	[tilespmem:$0x1BE00] =	vst v63  }
0x4c: {  	_ =	swait.ge [sflag:s29], $0x4000  }
0x4d: {  	s30 =	sshll.u32 s23, $0xE;
	s31 =	sshll.u32 s23, $0x7;
	[sflag:s29] =	ssyncset.done $0x0  }
0x4e: {  	s22 =	sor.u32 $0x100, s31;
	s21 =	sor.u32 $0x200, s30;
	[sflag:s29] =	ssyncadd.s32 $0xFFFFC000  }
0x4f: {  	[spmem:s2] =	stream.indirect.scatter.add.f32 [tilespmem:s21], [sflag:$0x3], $0x80, s22, s17, $0xb8;
	[tilespmem:$0x1BE00] =	vst v63  }
0x50: {  	_ =	swait.ge [sflag:s15], $0x4000  }
0x51: {  	[sflag:s15] =	ssyncset.done $0x0  }
0x52: {  	[sflag:s15] =	ssyncadd.s32 $0xFFFFC000  }
0x53: {  	_ =	swait.ge [sflag:s19], $0x4000  }
0x54: {  	[sflag:s19] =	ssyncset.done $0x0  }
0x55: {  	[sflag:s19] =	ssyncadd.s32 $0xFFFFC000  }
0x56: {  	[spmem:s2] =	stream.indirect.scatter.add.f32 [tilespmem:s18], [sflag:$0x3], $0x80, s16, s17, $0xb8;
	[tilespmem:$0x1BE00] =	vst v63  }
0x57: {  	_ =	swait.ge [sflag:s15], $0x4000  }
0x58: {  	s20 =	sadd.s32 $0x1, s20;
	[sflag:s15] =	ssyncset.done $0x0  }
0x59: {  	p0 =	sne.s32 s20, s12;
	[sflag:s15] =	ssyncadd.s32 $0xFFFFC000  }
.Ltmp1:
0x5a: {  	[bflag:$0x0] =	sbarrier.arrive $0xFFFF;
	(pc) =	sbr.rel @p0 .LBB2_1-.Ltmp1, $4  }
0x5b: {  	[hbm:s11], [sflag:s8] =	dma.local [spmem:s14], $0x2780  }
0x5c: {  	_ =	swait.ge [sflag:s15], $0x2780  }
0x5d: {  	[sflag:s15] =	ssyncset.done $0x0  }
0x5e: {  	[sflag:s15] =	ssyncadd.s32 $0xFFFFD880  }
0x5f: {  	_ =	sfence.sel $0x180000  }
0x60: {  	[bflag:$0x0] =	sbarrier.arrive $0xFFFF  }
0x61: {  	p0 =	sne.s32 s3, $0x0;
	_ =	strace $0x90000047  }
0x62: {  	s0 =	sadd.s32 @!p0 $0x100000, s0;
	[bflag:$0x2] =	sbarrier.arrive $0xFFFF  }
0x63: {  	[sflag:s0] =	ssyncadd.tile.s32 @!p0 $0x1;
	_ =	shalt  }
.Lfunc_end2:
_tile_overlayer_lowered:
.L_overlay_start_2:
0x64: {  	(tag) =	ssettag $0x2  }
0x65: {  	s0 =	rddreg [dreg:$0x0];
	s2 =	stileid.u32  }
0x66: {  	s1 =	rddreg [dreg:$0x1];
	p0 =	sne.s32 s2, $0x0  }
0x67: {  	s3 =	rddreg [dreg:$0x2];
	[bflag:$0x3] =	sbarrier.arrive $0xFFFF;
	s2 =	simm.s32 @!p0 $0x1C03  }
0x68: {  	[timem:s3], [sflag:s2] =	dma.local @!p0 [hbm:s0], s1  }
0x69: {  	s0 =	simm.s32 @!p0 $0x3  }
0x6a: {  	_ =	swait.ge @!p0 [sflag:s0], s1  }
0x6b: {  	s1 =	ssub.s32 @!p0 $0x0, s1;
	[sflag:s0] =	ssyncset.done @!p0 $0x0  }
0x6c: {  	[sflag:s0] =	ssyncadd.s32 @!p0 s1  }
0x6d: {  	[bflag:$0x3] =	sbarrier.arrive $0xFFFF  }
0x6e: {  	_ =	shalt  }

// kernel: kernel.18.cloned.1.call-start
scs
__scs_entry_jumppad:
0x0: {  	(pc) =	sbr.rel $0x88, $3  }
0x1: {  	(tag) =	ssettag $0x0;
	lr =	simm.s32 $0x1  }
0x2: {  	[smem:$0x3F68] =	sst lr;
	_ =	strace $0xD0000000  }
0x3: {  	_ = 	snop  }
0x4: {  	_ = 	snop  }
0x5: {  	_ = 	snop  }
0x6: {  	_ = 	snop  }
0x7: {  	_ = 	snop  }
__scs_overlays_trampoline_lowered:
0x8: {  	[smem:$0x3F77] =	sst s0  }
0x9: {  	[smem:$0x3F78] =	sst s1  }
0xa: {  	[smem:$0x3F79] =	sst s2  }
0xb: {  	[smem:$0x3F7A] =	sst s3  }
0xc: {  	[smem:$0x3F7B] =	sst s4  }
0xd: {  	[smem:$0x3F7C] =	sst s5  }
0xe: {  	[smem:$0x3F7D] =	sst s6  }
0xf: {  	[smem:$0x3F7E] =	sst s7  }
0x10: {  	[smem:$0x3F7F] =	sst s8  }
0x11: {  	[smem:$0x3F80] =	sst s9;
	s0 =	simm.s32 @!p0 $0x0  }
0x12: {  	s1 =	sld [smem:$0x3F66];
	s0 =	simm.s32 @p0 $0x1  }
0x13: {  	[smem:$0x3F81] =	sst s0;
	s0 =	simm.s32 @!p1 $0x0  }
0x14: {  	s2 =	sld [smem:$0x3F65];
	s0 =	simm.s32 @p1 $0x1  }
0x15: {  	[smem:$0x3F82] =	sst s0;
	s0 =	simm.s32 @!p2 $0x0  }
0x16: {  	s3 =	sld [smem:$0x3FDB];
	s0 =	simm.s32 @p2 $0x1  }
0x17: {  	s4 =	simm.s32 $0x1BF5;
	[smem:$0x3F84] =	sst s0  }
0x18: {  	s0 =	sld [smem:$0x3F67];
	_ =	swait.ge [sflag:s4], $0x0  }
0x19: {  	s7 =	sld [smem:$0x3F68]  }
0x1a: {  	s8 =	sadd.s32 $0xFFFFE003, lr  }
0x1b: {  	s9 =	sadd.s32 $0xFFFFFEF7, lr;
	s5 =	simm.s32 $0xFFFFFFFF;
	p2 =	slt.u32 s8, $0xFFFFF086  }
0x1c: {  	p1 =	slt.u32 s9, $0xF7A;
	s5 =	simm.s32 @!p2 $0x0  }
0x1d: {  	s5 =	simm.s32 @p1 $0x1;
	p0 =	seq.s32 s7, s2  }
0x1e: {  	s7 =	smul.u32 @!p0 $0xF7A, s2;
	p2 =	seq.s32 @!p0 s5, $0x0  }
0x1f: {  	s9 =	smul.u32 $0xF7A, s1;
	s8 =	simm.s32 @!p0 $0x1BF5;
	p2 =	por !p2, p0  }
0x20: {  	[sflag:s8] =	ssyncset.s32 @!p0 $0xFFFFF086;
	s6 =	sadd.s32 @!p0 s3, s7;
	s7 =	simm.s32 @!p0 $0x108  }
0x21: {  	s3 =	sadd.s32 s3, s9;
	s6 =	sadd.s32 @!p0 $0x88, s6;
	s7 =	simm.s32 @p2 $0x1082  }
0x22: {  	[simem:s7], [sflag:s8] =	dma.local @!p0 [hbm:s6], $0xF7A  }
0x23: {  	s9 =	sor.u32 $0xD0000000, s2;
	s6 =	simm.s32 $0x108;
	_ =	swait.ge @!p0 [sflag:s8], $0x0  }
0x24: {  	s3 =	sadd.s32 $0x88, s3;
	s6 =	simm.s32 @!p1 $0x1082;
	[sflag:s4] =	ssyncset.s32 $0xFFFFF086  }
0x25: {  	[simem:s6], [sflag:s4] =	dma.local [hbm:s3], $0xF7A  }
0x26: {  	[smem:$0x3F68] =	sst s1;
	(tag) =	ssettag s2;
	_ =	strace s9  }
0x27: {  	s1 =	sld [smem:$0x3F78]  }
0x28: {  	s2 =	sld [smem:$0x3F79]  }
0x29: {  	s4 =	sld [smem:$0x3F7B]  }
0x2a: {  	p0 =	seq.s32 s5, $0x0;
	s5 =	sld [smem:$0x3F7C]  }
0x2b: {  	s6 =	sld [smem:$0x3F7D]  }
0x2c: {  	s7 =	sld [smem:$0x3F7E]  }
0x2d: {  	s3 =	simm.s32 $0x108;
	s8 =	sld [smem:$0x3F7F]  }
0x2e: {  	s3 =	simm.s32 @!p0 $0x1082;
	s9 =	sld [smem:$0x3F80]  }
0x2f: {  	lr =	sadd.s32 s0, s3;
	s0 =	sld [smem:$0x3F77]  }
0x30: {  	s3 =	sld [smem:$0x3F7A]  }
0x31: {  	[smem:$0x3F83] =	sst s10  }
0x32: {  	s10 =	sld [smem:$0x3F81];
	_ =	sdelay $0x3  }
0x33: {  	p0 =	seq.s32 s10, $0x1;
	s10 =	sld [smem:$0x3F83];
	_ =	sdelay $0x3  }
0x34: {  	[smem:$0x3F83] =	sst s10  }
0x35: {  	s10 =	sld [smem:$0x3F82];
	_ =	sdelay $0x3  }
0x36: {  	p1 =	seq.s32 s10, $0x1;
	s10 =	sld [smem:$0x3F83];
	_ =	sdelay $0x3  }
0x37: {  	[smem:$0x3F83] =	sst s10  }
0x38: {  	s10 =	sld [smem:$0x3F84]  }
0x39: {  	_ = 	snop;
	(pc) =	sbr.ind lr, $3  }
0x3a: {  	_ = 	snop  }
0x3b: {  	_ = 	snop  }
0x3c: {  	p2 =	seq.s32 s10, $0x1;
	s10 =	sld [smem:$0x3F83]  }
0x3d: {  	_ =	shalt  }
0x3e: {  	_ =	shalt  }
0x3f: {  	_ =	shalt  }
0x40: {  	_ =	shalt  }
0x41: {  	_ =	shalt  }
0x42: {  	_ =	shalt  }
0x43: {  	_ =	shalt  }
0x44: {  	_ =	shalt  }
0x45: {  	_ =	shalt  }
0x46: {  	_ =	shalt  }
0x47: {  	_ =	shalt  }
0x48: {  	_ =	shalt  }
0x49: {  	_ =	shalt  }
0x4a: {  	_ =	shalt  }
0x4b: {  	_ =	shalt  }
0x4c: {  	_ =	shalt  }
0x4d: {  	_ =	shalt  }
0x4e: {  	_ =	shalt  }
0x4f: {  	_ =	shalt  }
0x50: {  	_ =	shalt  }
0x51: {  	_ =	shalt  }
0x52: {  	_ =	shalt  }
0x53: {  	_ =	shalt  }
0x54: {  	_ =	shalt  }
0x55: {  	_ =	shalt  }
0x56: {  	_ =	shalt  }
0x57: {  	_ =	shalt  }
0x58: {  	_ =	shalt  }
0x59: {  	_ =	shalt  }
0x5a: {  	_ =	shalt  }
0x5b: {  	_ =	shalt  }
0x5c: {  	_ =	shalt  }
0x5d: {  	_ =	shalt  }
0x5e: {  	_ =	shalt  }
0x5f: {  	_ =	shalt  }
0x60: {  	_ =	shalt  }
0x61: {  	_ =	shalt  }
0x62: {  	_ =	shalt  }
0x63: {  	_ =	shalt  }
0x64: {  	_ =	shalt  }
0x65: {  	_ =	shalt  }
0x66: {  	_ =	shalt  }
0x67: {  	_ =	shalt  }
0x68: {  	_ =	shalt  }
0x69: {  	_ =	shalt  }
0x6a: {  	_ =	shalt  }
0x6b: {  	_ =	shalt  }
0x6c: {  	_ =	shalt  }
0x6d: {  	_ =	shalt  }
0x6e: {  	_ =	shalt  }
0x6f: {  	_ =	shalt  }
0x70: {  	_ =	shalt  }
0x71: {  	_ =	shalt  }
0x72: {  	_ =	shalt  }
0x73: {  	_ =	shalt  }
0x74: {  	_ =	shalt  }
0x75: {  	_ =	shalt  }
0x76: {  	_ =	shalt  }
0x77: {  	_ =	shalt  }
0x78: {  	_ =	shalt  }
0x79: {  	_ =	shalt  }
0x7a: {  	_ =	shalt  }
0x7b: {  	_ =	shalt  }
0x7c: {  	_ =	shalt  }
0x7d: {  	_ =	shalt  }
0x7e: {  	_ =	shalt  }
0x7f: {  	_ =	shalt  }
0x80: {  	_ =	shalt  }
0x81: {  	_ =	shalt  }
0x82: {  	_ =	shalt  }
0x83: {  	_ =	shalt  }
0x84: {  	_ =	shalt  }
0x85: {  	_ =	shalt  }
0x86: {  	_ =	shalt  }
0x87: {  	_ =	shalt  }
.Lfunc_end0:
.L_simem_size_0:
called_computation.1_lowered:
.L_overlay_start_0:
0x88: {  	s2 =	sld [smem:$0x3FD9]  }
0x89: {  	s3 =	sld [smem:$0x3FFE];
	_ =	sdelay $0x1  }
0x8a: {  	s1 =	srdreg.scid  }
0x8b: {  	s0 =	sand.u32 $0x1, s1  }
0x8c: {  	s17 =	sshll.u32 s0, $0xA;
	s2 =	sadd.s32 s3, s2  }
0x8d: {  	s2 =	sadd.s32 s2, s17  }
0x8e: {  	[smem:$0x3F8F] =	sst s2  }
0x8f: {  	_ = 	snop  }
0x90: {  	s2 =	sld [smem:$0x3FD0];
	(tm) =	ssettm $0x1  }
0x91: {  	s18 =	sld [smem:$0x3FFB];
	_ =	sdelay $0x3  }
0x92: {  	_ =	strace s18  }
0x93: {  	s3 =	sld [smem:$0x3FFC];
	_ =	sdelay $0x3  }
0x94: {  	_ =	strace s3  }
0x95: {  	s3 =	sld [smem:$0x3FFD];
	_ =	sdelay $0x3  }
0x96: {  	_ =	strace s3  }
0x97: {  	_ =	strace $0x8FFFFFFF  }
0x98: {  	s19 =	sld [smem:$0x3FDB];
	_ =	sdelay $0x1  }
0x99: {  	s4 =	simm.s32 $_scs_section_size  }
0x9a: {  	s5 =	simm.s32 $_size__tile_overlayer_lowered;
	s6 =	simm.s32 $_tile_overlayer_lowered  }
0x9b: {  	s22 =	simm.s32 $0x1BFF;
	s21 =	sshll.u32 s6, $0x1;
	s3 =	sadd.s32 s4, s19  }
0x9c: {  	s7 =	simm.s32 $0x0;
	s20 =	sshll.u32 s5, $0x1;
	s5 =	sadd.s32 s21, s3  }
0x9d: {  	[timem:s7], [sflag:s22] =	dma.local [hbm:s5], s20  }
0x9e: {  	_ =	swait.ge [sflag:s22], s20  }
0x9f: {  	s4 =	ssub.s32 $0x0, s20;
	[sflag:s22] =	ssyncset.done $0x0  }
0xa0: {  	[sflag:s22] =	ssyncadd.s32 s4;
	_ =	sdelay $0x1  }
0xa1: {  	s23 =	simm.s32 $0x1B8B  }
0xa2: {  	_ =	swait.ge [sflag:s23], $0x1  }
0xa3: {  	[sflag:s23] =	ssyncset.done $0x0  }
0xa4: {  	s25 =	simm.s32 $0x1B8E;
	s24 =	sld [smem:$0x3FFE];
	[sflag:s23] =	ssyncadd.s32 $0xFFFFFFFF  }
0xa5: {  	s26 =	simm.s32 $execute0_lowered;
	[smem:$0x3FD2] =	sst s25  }
0xa6: {  	s5 =	sshll.u32 s26, $0x1;
	_ =	strace $0x80000049;
	[dreg:$0x1] =	wrdreg $0xFFFFFFFF  }
0xa7: {  	s28 =	simm.s32 $_size_execute0_lowered;
	s3 =	sadd.s32 s3, s5;
	[dreg:$0x0] =	wrdreg $0x0  }
0xa8: {  	s5 =	sshll.u32 s28, $0x1;
	[dreg:$0x2] =	wrdreg s3  }
0xa9: {  	[dreg:$0x3] =	wrdreg s5  }
0xaa: {  	[dreg:$0x4] =	wrdreg $0xC0  }
0xab: {  	_ =	task [dreg:s7], $0x5FFFF  }
0xac: {  	[dreg:$0x1] =	wrdreg $0xFFFFFFFF  }
0xad: {  	[dreg:$0x0] =	wrdreg $0x60  }
0xae: {  	[dreg:$0x2] =	wrdreg s2  }
0xaf: {  	[dreg:$0x3] =	wrdreg s24  }
0xb0: {  	[dreg:$0x4] =	wrdreg $0x82000  }
0xb1: {  	[dreg:$0x5] =	wrdreg $0x9  }
0xb2: {  	_ =	task.clear_ibuf [dreg:s7], $0x6FFFF;
	_ =	strace $0x90000049  }
0xb3: {  	s29 =	simm.s32 $0x9;
	_ =	strace $0x8000004B  }
0xb4: {  	_ =	swait.ge [sflag:s29], $0x1  }
0xb5: {  	[sflag:s29] =	ssyncadd.s32 $0xFFFFFFFF  }
0xb6: {  	_ =	strace $0x9000004B  }
0xb7: {  	_ =	sfence  }
0xb8: {  	s30 =	sld [smem:$0x0];
	_ =	sdelay $0x2  }
0xb9: {  	s31 =	sshll.u32 s1, $0xD;
	s1 =	sshrl.u32 s1, $0x2  }
0xba: {  	s3 =	sand.u32 $0x4000, s31;
	s1 =	sadd.s32 s1, s30  }
0xbb: {  	s0 =	sor.u32 s3, s0;
	s1 =	sshll.u32 s1, $0x11  }
0xbc: {  	s0 =	sor.u32 s1, s0  }
0xbd: {  	s0 =	sadd.s32 $0x8F2B, s0  }
0xbe: {  	[sflag:s0] =	ssyncadd.remote.s32 $0x1  }
0xbf: {  	_ =	sfence.sel $0xFFFF  }
0xc0: {  	[dreg:$0x0] =	wrdreg $0xFFFFFFFF;
	(pc) =	sbr.abs _section_cstart, $3  }
0xc1: {  	[dreg:$0x1] =	wrdreg $0xFFFFFFFF  }
0xc2: {  	_ =	task.clear_ibuf [dreg:s7], $0x2FFFF;
	_ =	strace $0x9FFFFFFF  }
0xc3: {  	(tm) =	ssettm $0x7FFFFFFF  }
tec
execute0_lowered:
.L_overlay_start_1:
0x0: {  	(tag) =	ssettag $0x1  }
0x1: {  	s1 =	rddreg [dreg:$0x0]  }
0x2: {  	s8 =	rddreg [dreg:$0x1]  }
0x3: {  	s2 =	rddreg [dreg:$0x2]  }
0x4: {  	s3 =	srdreg.scid;
	s0 =	rddreg [dreg:$0x3];
	s4 =	simm.s32 $0x0  }
0x5: {  	s17 =	simm.s32 $0x80;
	s18 =	simm.s32 $0x200;
	s9 =	sand.u32 $0x1, s3  }
0x6: {  	s19 =	simm.s32 $0x1;
	s3 =	stileid.u32;
	s7 =	smul.u32 $0x13C000, s9  }
0x7: {  	s20 =	simm.s32 $0x0;
	[smem:$0x7FF] =	sst s4;
	s10 =	smul.u32 $0x13C00, s3  }
0x8: {  	s5 =	sadd.s32 $0x12200, s8;
	s6 =	sadd.s32 $0x8400, s8;
	s13 =	smul.u32 $0x4F000, s3  }
0x9: {  	_ =	strace $0x8000004A;
	s11 =	sshll.u32 s9, $0x4;
	s30 =	smul.u32 $0x27800, s9  }
0xa: {  	s12 =	ssub.s32 $0x2, s9;
	s31 =	sshll.u32 s3, $0x6;
	s15 =	smul.u32 $0x2780, s3  }
0xb: {  	s11 =	sor.u32 s3, s11;
	s26 =	sshrl.u32 s12, $0x1;
	s10 =	sadd.s32 s10, s7  }
0xc: {  	s7 =	sadd.s32 $0x1C000, s8;
	s28 =	smul.u32 $0x2780, s11;
	s12 =	ssub.s32 s12, s26  }
0xd: {  	s29 =	sshrl.u32 s13, $0x2;
	s13 =	sadd.s32 s15, s30;
	s15 =	simm.s32 $0x3  }
0xe: {  	s10 =	sshrl.u32 s10, $0x3;
	s16 =	sadd.s32 s29, s2;
	s12 =	smax.u32 s12, $0x1  }
0xf: {  	s13 =	sadd.s32 $0x80, s13;
	s14 =	sadd.s32 s10, s8;
	s10 =	sshrl.u32 s28, $0x3  }
0x10: {  	s8 =	sor.u32 $0x1C03, s31;
	s9 =	sadd.s32 s5, s10;
	s10 =	sadd.s32 s6, s10  }
0x11: {  	s11 =	sadd.s32 $0x1EC00, s14;
	s14 =	sshrl.u32 s16, $0x3;
	s16 =	simm.s32 $0x100  }
.LBB2_1:
0x12: {  	[spmem:s14], [sflag:s8] =	dma.local [hbm:s7], $0x2780  }
0x13: {  	_ =	swait.ge [sflag:s15], $0x2780  }
0x14: {  	[sflag:s15] =	ssyncset.done $0x0  }
0x15: {  	[sflag:s15] =	ssyncadd.s32 $0xFFFFD880  }
0x16: {  	[bflag:$0x0] =	sbarrier.arrive $0xFFFF  }
0x17: {  	[tilespmem:s4], [sflag:$0x3] =	stream.linear.gather [hbm4b:s9+s4], $0x80, $0x38;
	[tilespmem:$0x1BE00] =	vst v63  }
0x18: {  	_ =	swait.ge [sflag:s15], $0x80  }
0x19: {  	[sflag:s15] =	ssyncset.done $0x0  }
0x1a: {  	[sflag:s15] =	ssyncadd.s32 $0xFFFFFF80  }
0x1b: {  	[tilespmem:s16], [sflag:$0x3] =	stream.linear.gather [hbm4b:s10+s4], $0x80, $0x38;
	[tilespmem:$0x1BE00] =	vst v63  }
0x1c: {  	_ =	swait.ge [sflag:s15], $0x80  }
0x1d: {  	[sflag:s15] =	ssyncset.done $0x0  }
0x1e: {  	s21 =	sand.u32 $0x1, s19;
	s22 =	sshrl.u32 s13, $0x3;
	[sflag:s15] =	ssyncadd.s32 $0xFFFFFF80  }
0x1f: {  	[tilespmem:s18], [sflag:$0x1] =	stream.indirect.gather [hbm4b:s1+s17], $0x80, s4, s17, $0xb8;
	[tilespmem:$0x1BE00] =	vst v63  }
0x20: {  	s23 =	sshll.u32 s21, $0x7;
	s24 =	sadd.s32 s5, s22  }
0x21: {  	[tilespmem:s23], [sflag:$0x3] =	stream.linear.gather [hbm4b:s24+s4], $0x80, $0x38;
	[tilespmem:$0x1BE00] =	vst v63  }
0x22: {  	_ =	swait.ge [sflag:s15], $0x80  }
0x23: {  	[sflag:s15] =	ssyncset.done $0x0  }
0x24: {  	s22 =	sadd.s32 s6, s22;
	s26 =	sor.u32 $0x100, s23;
	[sflag:s15] =	ssyncadd.s32 $0xFFFFFF80  }
0x25: {  	[tilespmem:s26], [sflag:$0x3] =	stream.linear.gather [hbm4b:s22+s4], $0x80, $0x38;
	[tilespmem:$0x1BE00] =	vst v63  }
0x26: {  	s29 =	simm.s32 $0x0;
	s28 =	sadd.s32 $0x1, s21;
	_ =	swait.ge [sflag:s15], $0x80  }
0x27: {  	s21 =	sshll.u32 s21, $0xE;
	s24 =	sand.u32 $0x1, s29;
	[sflag:s15] =	ssyncset.done $0x0  }
0x28: {  	s21 =	sor.u32 $0x200, s21;
	s25 =	sadd.s32 $0x1, s24;
	[sflag:s15] =	ssyncadd.s32 $0xFFFFFF80  }
0x29: {  	[tilespmem:s21], [sflag:s28] =	stream.indirect.gather [hbm4b:s1+s17], $0x80, s23, s17, $0xb8;
	[tilespmem:$0x1BE00] =	vst v63  }
0x2a: {  	s31 =	sshll.u32 s24, $0x7;
	_ =	swait.ge [sflag:s25], $0x4000  }
0x2b: {  	s30 =	sshll.u32 s24, $0xE;
	s22 =	sor.u32 $0x100, s31;
	[sflag:s25] =	ssyncset.done $0x0  }
0x2c: {  	s21 =	sor.u32 $0x200, s30;
	s23 =	simm.s32 $0x2;
	[sflag:s25] =	ssyncadd.s32 $0xFFFFC000  }
0x2d: {  	[spmem:s2] =	stream.indirect.scatter.add.f32 [tilespmem:s21], [sflag:$0x3], $0x80, s22, s17, $0xb8;
	[tilespmem:$0x1BE00] =	vst v63  }
0x2e: {  	s24 =	sand.u32 $0x1, s23;
	s22 =	sadd.s32 $0x80, s13  }
0x2f: {  	s21 =	simm.s32 $0x3;
	s25 =	sshrl.u32 s22, $0x3;
	_ =	swait.ge [sflag:s15], $0x4000  }
.LBB2_2:
0x30: {  	s26 =	sshll.u32 s24, $0x7  }
0x31: {  	s28 =	sadd.s32 s5, s25;
	[sflag:s15] =	ssyncset.done $0x0;
	s29 =	smov.u32 s21  }
0x32: {  	p0 =	sne.s32 s21, $0x4E;
	s21 =	sadd.s32 $0x1, s21;
	[sflag:s15] =	ssyncadd.s32 $0xFFFFC000  }
0x33: {  	[tilespmem:s26], [sflag:$0x3] =	stream.linear.gather [hbm4b:s28+s4], $0x80, $0x38;
	[tilespmem:$0x1BE00] =	vst v63  }
0x34: {  	_ =	swait.ge [sflag:s15], $0x80  }
0x35: {  	s25 =	sadd.s32 s6, s25;
	s28 =	sor.u32 $0x100, s26;
	[sflag:s15] =	ssyncset.done $0x0  }
0x36: {  	s30 =	sadd.s32 $0x1, s24;
	[sflag:s15] =	ssyncadd.s32 $0xFFFFFF80  }
0x37: {  	[tilespmem:s28], [sflag:$0x3] =	stream.linear.gather [hbm4b:s25+s4], $0x80, $0x38;
	[tilespmem:$0x1BE00] =	vst v63  }
0x38: {  	s23 =	sadd.s32 $0xFFFFFFFF, s23;
	s24 =	sshll.u32 s24, $0xE;
	_ =	swait.ge [sflag:s15], $0x80  }
0x39: {  	s23 =	sand.u32 $0x1, s23;
	s24 =	sor.u32 $0x200, s24;
	[sflag:s15] =	ssyncset.done $0x0  }
0x3a: {  	s25 =	sshll.u32 s23, $0xE;
	s28 =	sadd.s32 $0x1, s23;
	[sflag:s15] =	ssyncadd.s32 $0xFFFFFF80  }
0x3b: {  	[tilespmem:s24], [sflag:s30] =	stream.indirect.gather [hbm4b:s1+s17], $0x80, s26, s17, $0xb8;
	[tilespmem:$0x1BE00] =	vst v63  }
.Ltmp0:
0x3c: {  	s23 =	sshll.u32 s23, $0x7;
	_ =	swait.ge [sflag:s28], $0x4000;
	(pc) =	sbr.rel @p0 .LBB2_2-.Ltmp0, $4  }
0x3d: {  	s24 =	sor.u32 $0x200, s25;
	s25 =	sor.u32 $0x100, s23;
	[sflag:s28] =	ssyncset.done $0x0  }
0x3e: {  	s22 =	sadd.s32 $0x80, s22;
	s23 =	smov.u32 s29;
	[sflag:s28] =	ssyncadd.s32 $0xFFFFC000  }
0x3f: {  	[spmem:s2] =	stream.indirect.scatter.add.f32 [tilespmem:s24], [sflag:$0x3], $0x80, s25, s17, $0xb8;
	[tilespmem:$0x1BE00] =	vst v63  }
0x40: {  	s24 =	sand.u32 $0x1, s23;
	s25 =	sshrl.u32 s22, $0x3;
	_ =	swait.ge [sflag:s15], $0x4000  }
0x41: {  	[sflag:s15] =	ssyncset.done $0x0  }
0x42: {  	s21 =	sshll.u32 s24, $0x7;
	s22 =	sadd.s32 s5, s25;
	[sflag:s15] =	ssyncadd.s32 $0xFFFFC000  }
0x43: {  	[tilespmem:s21], [sflag:$0x3] =	stream.linear.gather [hbm4b:s22+s4], $0x80, $0x38;
	[tilespmem:$0x1BE00] =	vst v63  }
0x44: {  	_ =	swait.ge [sflag:s15], $0x80  }
0x45: {  	[sflag:s15] =	ssyncset.done $0x0  }
0x46: {  	s31 =	sadd.s32 s6, s25;
	s30 =	sor.u32 $0x100, s21;
	[sflag:s15] =	ssyncadd.s32 $0xFFFFFF80  }
0x47: {  	[tilespmem:s30], [sflag:$0x3] =	stream.linear.gather [hbm4b:s31+s4], $0x80, $0x38;
	[tilespmem:$0x1BE00] =	vst v63  }
0x48: {  	s26 =	sadd.s32 $0x1, s24;
	s23 =	sadd.s32 $0xFFFFFFFF, s23;
	_ =	swait.ge [sflag:s15], $0x80  }
0x49: {  	s28 =	sshll.u32 s24, $0xE;
	s23 =	sand.u32 $0x1, s23;
	[sflag:s15] =	ssyncset.done $0x0  }
0x4a: {  	s24 =	sor.u32 $0x200, s28;
	s29 =	sadd.s32 $0x1, s23;
	[sflag:s15] =	ssyncadd.s32 $0xFFFFFF80  }
0x4b: {  	[tilespmem:s24], [sflag:s26] =	stream.indirect.gather [hbm4b:s1+s17], $0x80, s21, s17, $0xb8;
	[tilespmem:$0x1BE00] =	vst v63  }
0x4c: {  	_ =	swait.ge [sflag:s29], $0x4000  }
0x4d: {  	s30 =	sshll.u32 s23, $0xE;
	s31 =	sshll.u32 s23, $0x7;
	[sflag:s29] =	ssyncset.done $0x0  }
0x4e: {  	s22 =	sor.u32 $0x100, s31;
	s21 =	sor.u32 $0x200, s30;
	[sflag:s29] =	ssyncadd.s32 $0xFFFFC000  }
0x4f: {  	[spmem:s2] =	stream.indirect.scatter.add.f32 [tilespmem:s21], [sflag:$0x3], $0x80, s22, s17, $0xb8;
	[tilespmem:$0x1BE00] =	vst v63  }
0x50: {  	_ =	swait.ge [sflag:s15], $0x4000  }
0x51: {  	[sflag:s15] =	ssyncset.done $0x0  }
0x52: {  	[sflag:s15] =	ssyncadd.s32 $0xFFFFC000  }
0x53: {  	_ =	swait.ge [sflag:s19], $0x4000  }
0x54: {  	[sflag:s19] =	ssyncset.done $0x0  }
0x55: {  	[sflag:s19] =	ssyncadd.s32 $0xFFFFC000  }
0x56: {  	[spmem:s2] =	stream.indirect.scatter.add.f32 [tilespmem:s18], [sflag:$0x3], $0x80, s16, s17, $0xb8;
	[tilespmem:$0x1BE00] =	vst v63  }
0x57: {  	_ =	swait.ge [sflag:s15], $0x4000  }
0x58: {  	s20 =	sadd.s32 $0x1, s20;
	[sflag:s15] =	ssyncset.done $0x0  }
0x59: {  	p0 =	sne.s32 s20, s12;
	[sflag:s15] =	ssyncadd.s32 $0xFFFFC000  }
.Ltmp1:
0x5a: {  	[bflag:$0x0] =	sbarrier.arrive $0xFFFF;
	(pc) =	sbr.rel @p0 .LBB2_1-.Ltmp1, $4  }
0x5b: {  	[hbm:s11], [sflag:s8] =	dma.local [spmem:s14], $0x2780  }
0x5c: {  	_ =	swait.ge [sflag:s15], $0x2780  }
0x5d: {  	[sflag:s15] =	ssyncset.done $0x0  }
0x5e: {  	[sflag:s15] =	ssyncadd.s32 $0xFFFFD880  }
0x5f: {  	_ =	sfence.sel $0x180000  }
0x60: {  	[bflag:$0x0] =	sbarrier.arrive $0xFFFF  }
0x61: {  	p0 =	sne.s32 s3, $0x0;
	_ =	strace $0x9000004A  }
0x62: {  	s0 =	sadd.s32 @!p0 $0x100000, s0;
	[bflag:$0x2] =	sbarrier.arrive $0xFFFF  }
0x63: {  	[sflag:s0] =	ssyncadd.tile.s32 @!p0 $0x1;
	_ =	shalt  }
.Lfunc_end2:
_tile_overlayer_lowered:
.L_overlay_start_2:
0x64: {  	(tag) =	ssettag $0x2  }
0x65: {  	s0 =	rddreg [dreg:$0x0];
	s2 =	stileid.u32  }
0x66: {  	s1 =	rddreg [dreg:$0x1];
	p0 =	sne.s32 s2, $0x0  }
0x67: {  	s3 =	rddreg [dreg:$0x2];
	[bflag:$0x3] =	sbarrier.arrive $0xFFFF;
	s2 =	simm.s32 @!p0 $0x1C03  }
0x68: {  	[timem:s3], [sflag:s2] =	dma.local @!p0 [hbm:s0], s1  }
0x69: {  	s0 =	simm.s32 @!p0 $0x3  }
0x6a: {  	_ =	swait.ge @!p0 [sflag:s0], s1  }
0x6b: {  	s1 =	ssub.s32 @!p0 $0x0, s1;
	[sflag:s0] =	ssyncset.done @!p0 $0x0  }
0x6c: {  	[sflag:s0] =	ssyncadd.s32 @!p0 s1  }
0x6d: {  	[bflag:$0x3] =	sbarrier.arrive $0xFFFF  }
0x6e: {  	_ =	shalt  }

// kernel: kernel.21.cloned.1.call-start
scs
__scs_entry_jumppad:
0x0: {  	(pc) =	sbr.rel $0x88, $3  }
0x1: {  	(tag) =	ssettag $0x0;
	lr =	simm.s32 $0x1  }
0x2: {  	[smem:$0x3F68] =	sst lr;
	_ =	strace $0xD0000000  }
0x3: {  	_ = 	snop  }
0x4: {  	_ = 	snop  }
0x5: {  	_ = 	snop  }
0x6: {  	_ = 	snop  }
0x7: {  	_ = 	snop  }
__scs_overlays_trampoline_lowered:
0x8: {  	[smem:$0x3F77] =	sst s0  }
0x9: {  	[smem:$0x3F78] =	sst s1  }
0xa: {  	[smem:$0x3F79] =	sst s2  }
0xb: {  	[smem:$0x3F7A] =	sst s3  }
0xc: {  	[smem:$0x3F7B] =	sst s4  }
0xd: {  	[smem:$0x3F7C] =	sst s5  }
0xe: {  	[smem:$0x3F7D] =	sst s6  }
0xf: {  	[smem:$0x3F7E] =	sst s7  }
0x10: {  	[smem:$0x3F7F] =	sst s8  }
0x11: {  	[smem:$0x3F80] =	sst s9;
	s0 =	simm.s32 @!p0 $0x0  }
0x12: {  	s1 =	sld [smem:$0x3F66];
	s0 =	simm.s32 @p0 $0x1  }
0x13: {  	[smem:$0x3F81] =	sst s0;
	s0 =	simm.s32 @!p1 $0x0  }
0x14: {  	s2 =	sld [smem:$0x3F65];
	s0 =	simm.s32 @p1 $0x1  }
0x15: {  	[smem:$0x3F82] =	sst s0;
	s0 =	simm.s32 @!p2 $0x0  }
0x16: {  	s3 =	sld [smem:$0x3FDB];
	s0 =	simm.s32 @p2 $0x1  }
0x17: {  	s4 =	simm.s32 $0x1BF5;
	[smem:$0x3F84] =	sst s0  }
0x18: {  	s0 =	sld [smem:$0x3F67];
	_ =	swait.ge [sflag:s4], $0x0  }
0x19: {  	s7 =	sld [smem:$0x3F68]  }
0x1a: {  	s8 =	sadd.s32 $0xFFFFE003, lr  }
0x1b: {  	s9 =	sadd.s32 $0xFFFFFEF7, lr;
	s5 =	simm.s32 $0xFFFFFFFF;
	p2 =	slt.u32 s8, $0xFFFFF086  }
0x1c: {  	p1 =	slt.u32 s9, $0xF7A;
	s5 =	simm.s32 @!p2 $0x0  }
0x1d: {  	s5 =	simm.s32 @p1 $0x1;
	p0 =	seq.s32 s7, s2  }
0x1e: {  	s7 =	smul.u32 @!p0 $0xF7A, s2;
	p2 =	seq.s32 @!p0 s5, $0x0  }
0x1f: {  	s9 =	smul.u32 $0xF7A, s1;
	s8 =	simm.s32 @!p0 $0x1BF5;
	p2 =	por !p2, p0  }
0x20: {  	[sflag:s8] =	ssyncset.s32 @!p0 $0xFFFFF086;
	s6 =	sadd.s32 @!p0 s3, s7;
	s7 =	simm.s32 @!p0 $0x108  }
0x21: {  	s3 =	sadd.s32 s3, s9;
	s6 =	sadd.s32 @!p0 $0x88, s6;
	s7 =	simm.s32 @p2 $0x1082  }
0x22: {  	[simem:s7], [sflag:s8] =	dma.local @!p0 [hbm:s6], $0xF7A  }
0x23: {  	s9 =	sor.u32 $0xD0000000, s2;
	s6 =	simm.s32 $0x108;
	_ =	swait.ge @!p0 [sflag:s8], $0x0  }
0x24: {  	s3 =	sadd.s32 $0x88, s3;
	s6 =	simm.s32 @!p1 $0x1082;
	[sflag:s4] =	ssyncset.s32 $0xFFFFF086  }
0x25: {  	[simem:s6], [sflag:s4] =	dma.local [hbm:s3], $0xF7A  }
0x26: {  	[smem:$0x3F68] =	sst s1;
	(tag) =	ssettag s2;
	_ =	strace s9  }
0x27: {  	s1 =	sld [smem:$0x3F78]  }
0x28: {  	s2 =	sld [smem:$0x3F79]  }
0x29: {  	s4 =	sld [smem:$0x3F7B]  }
0x2a: {  	p0 =	seq.s32 s5, $0x0;
	s5 =	sld [smem:$0x3F7C]  }
0x2b: {  	s6 =	sld [smem:$0x3F7D]  }
0x2c: {  	s7 =	sld [smem:$0x3F7E]  }
0x2d: {  	s3 =	simm.s32 $0x108;
	s8 =	sld [smem:$0x3F7F]  }
0x2e: {  	s3 =	simm.s32 @!p0 $0x1082;
	s9 =	sld [smem:$0x3F80]  }
0x2f: {  	lr =	sadd.s32 s0, s3;
	s0 =	sld [smem:$0x3F77]  }
0x30: {  	s3 =	sld [smem:$0x3F7A]  }
0x31: {  	[smem:$0x3F83] =	sst s10  }
0x32: {  	s10 =	sld [smem:$0x3F81];
	_ =	sdelay $0x3  }
0x33: {  	p0 =	seq.s32 s10, $0x1;
	s10 =	sld [smem:$0x3F83];
	_ =	sdelay $0x3  }
0x34: {  	[smem:$0x3F83] =	sst s10  }
0x35: {  	s10 =	sld [smem:$0x3F82];
	_ =	sdelay $0x3  }
0x36: {  	p1 =	seq.s32 s10, $0x1;
	s10 =	sld [smem:$0x3F83];
	_ =	sdelay $0x3  }
0x37: {  	[smem:$0x3F83] =	sst s10  }
0x38: {  	s10 =	sld [smem:$0x3F84]  }
0x39: {  	_ = 	snop;
	(pc) =	sbr.ind lr, $3  }
0x3a: {  	_ = 	snop  }
0x3b: {  	_ = 	snop  }
0x3c: {  	p2 =	seq.s32 s10, $0x1;
	s10 =	sld [smem:$0x3F83]  }
0x3d: {  	_ =	shalt  }
0x3e: {  	_ =	shalt  }
0x3f: {  	_ =	shalt  }
0x40: {  	_ =	shalt  }
0x41: {  	_ =	shalt  }
0x42: {  	_ =	shalt  }
0x43: {  	_ =	shalt  }
0x44: {  	_ =	shalt  }
0x45: {  	_ =	shalt  }
0x46: {  	_ =	shalt  }
0x47: {  	_ =	shalt  }
0x48: {  	_ =	shalt  }
0x49: {  	_ =	shalt  }
0x4a: {  	_ =	shalt  }
0x4b: {  	_ =	shalt  }
0x4c: {  	_ =	shalt  }
0x4d: {  	_ =	shalt  }
0x4e: {  	_ =	shalt  }
0x4f: {  	_ =	shalt  }
0x50: {  	_ =	shalt  }
0x51: {  	_ =	shalt  }
0x52: {  	_ =	shalt  }
0x53: {  	_ =	shalt  }
0x54: {  	_ =	shalt  }
0x55: {  	_ =	shalt  }
0x56: {  	_ =	shalt  }
0x57: {  	_ =	shalt  }
0x58: {  	_ =	shalt  }
0x59: {  	_ =	shalt  }
0x5a: {  	_ =	shalt  }
0x5b: {  	_ =	shalt  }
0x5c: {  	_ =	shalt  }
0x5d: {  	_ =	shalt  }
0x5e: {  	_ =	shalt  }
0x5f: {  	_ =	shalt  }
0x60: {  	_ =	shalt  }
0x61: {  	_ =	shalt  }
0x62: {  	_ =	shalt  }
0x63: {  	_ =	shalt  }
0x64: {  	_ =	shalt  }
0x65: {  	_ =	shalt  }
0x66: {  	_ =	shalt  }
0x67: {  	_ =	shalt  }
0x68: {  	_ =	shalt  }
0x69: {  	_ =	shalt  }
0x6a: {  	_ =	shalt  }
0x6b: {  	_ =	shalt  }
0x6c: {  	_ =	shalt  }
0x6d: {  	_ =	shalt  }
0x6e: {  	_ =	shalt  }
0x6f: {  	_ =	shalt  }
0x70: {  	_ =	shalt  }
0x71: {  	_ =	shalt  }
0x72: {  	_ =	shalt  }
0x73: {  	_ =	shalt  }
0x74: {  	_ =	shalt  }
0x75: {  	_ =	shalt  }
0x76: {  	_ =	shalt  }
0x77: {  	_ =	shalt  }
0x78: {  	_ =	shalt  }
0x79: {  	_ =	shalt  }
0x7a: {  	_ =	shalt  }
0x7b: {  	_ =	shalt  }
0x7c: {  	_ =	shalt  }
0x7d: {  	_ =	shalt  }
0x7e: {  	_ =	shalt  }
0x7f: {  	_ =	shalt  }
0x80: {  	_ =	shalt  }
0x81: {  	_ =	shalt  }
0x82: {  	_ =	shalt  }
0x83: {  	_ =	shalt  }
0x84: {  	_ =	shalt  }
0x85: {  	_ =	shalt  }
0x86: {  	_ =	shalt  }
0x87: {  	_ =	shalt  }
.Lfunc_end0:
.L_simem_size_0:
called_computation.2_lowered:
.L_overlay_start_0:
0x88: {  	s2 =	sld [smem:$0x3FD9]  }
0x89: {  	s3 =	sld [smem:$0x3FFE];
	_ =	sdelay $0x1  }
0x8a: {  	s1 =	srdreg.scid  }
0x8b: {  	s0 =	sand.u32 $0x1, s1  }
0x8c: {  	s17 =	sshll.u32 s0, $0xA;
	s2 =	sadd.s32 s3, s2  }
0x8d: {  	s2 =	sadd.s32 s2, s17  }
0x8e: {  	[smem:$0x3F8F] =	sst s2  }
0x8f: {  	_ = 	snop  }
0x90: {  	s2 =	sld [smem:$0x3FD0];
	(tm) =	ssettm $0x1  }
0x91: {  	s18 =	sld [smem:$0x3FFB];
	_ =	sdelay $0x3  }
0x92: {  	_ =	strace s18  }
0x93: {  	s3 =	sld [smem:$0x3FFC];
	_ =	sdelay $0x3  }
0x94: {  	_ =	strace s3  }
0x95: {  	s3 =	sld [smem:$0x3FFD];
	_ =	sdelay $0x3  }
0x96: {  	_ =	strace s3  }
0x97: {  	_ =	strace $0x8FFFFFFF  }
0x98: {  	s19 =	sld [smem:$0x3FDB];
	_ =	sdelay $0x1  }
0x99: {  	s4 =	simm.s32 $_scs_section_size  }
0x9a: {  	s5 =	simm.s32 $_size__tile_overlayer_lowered;
	s6 =	simm.s32 $_tile_overlayer_lowered  }
0x9b: {  	s22 =	simm.s32 $0x1BFF;
	s21 =	sshll.u32 s6, $0x1;
	s3 =	sadd.s32 s4, s19  }
0x9c: {  	s7 =	simm.s32 $0x0;
	s20 =	sshll.u32 s5, $0x1;
	s5 =	sadd.s32 s21, s3  }
0x9d: {  	[timem:s7], [sflag:s22] =	dma.local [hbm:s5], s20  }
0x9e: {  	_ =	swait.ge [sflag:s22], s20  }
0x9f: {  	s4 =	ssub.s32 $0x0, s20;
	[sflag:s22] =	ssyncset.done $0x0  }
0xa0: {  	[sflag:s22] =	ssyncadd.s32 s4;
	_ =	sdelay $0x1  }
0xa1: {  	s23 =	simm.s32 $0x1B8B  }
0xa2: {  	_ =	swait.ge [sflag:s23], $0x1  }
0xa3: {  	[sflag:s23] =	ssyncset.done $0x0  }
0xa4: {  	s25 =	simm.s32 $0x1B8E;
	s24 =	sld [smem:$0x3FFE];
	[sflag:s23] =	ssyncadd.s32 $0xFFFFFFFF  }
0xa5: {  	s26 =	simm.s32 $execute0_lowered;
	[smem:$0x3FD2] =	sst s25  }
0xa6: {  	s5 =	sshll.u32 s26, $0x1;
	_ =	strace $0x8000004C;
	[dreg:$0x1] =	wrdreg $0xFFFFFFFF  }
0xa7: {  	s28 =	simm.s32 $_size_execute0_lowered;
	s3 =	sadd.s32 s3, s5;
	[dreg:$0x0] =	wrdreg $0x0  }
0xa8: {  	s5 =	sshll.u32 s28, $0x1;
	[dreg:$0x2] =	wrdreg s3  }
0xa9: {  	[dreg:$0x3] =	wrdreg s5  }
0xaa: {  	[dreg:$0x4] =	wrdreg $0xC0  }
0xab: {  	_ =	task [dreg:s7], $0x5FFFF  }
0xac: {  	[dreg:$0x1] =	wrdreg $0xFFFFFFFF  }
0xad: {  	[dreg:$0x0] =	wrdreg $0x60  }
0xae: {  	[dreg:$0x2] =	wrdreg s2  }
0xaf: {  	[dreg:$0x3] =	wrdreg s24  }
0xb0: {  	[dreg:$0x4] =	wrdreg $0x82000  }
0xb1: {  	[dreg:$0x5] =	wrdreg $0x9  }
0xb2: {  	_ =	task.clear_ibuf [dreg:s7], $0x6FFFF;
	_ =	strace $0x9000004C  }
0xb3: {  	s29 =	simm.s32 $0x9;
	_ =	strace $0x8000004E  }
0xb4: {  	_ =	swait.ge [sflag:s29], $0x1  }
0xb5: {  	[sflag:s29] =	ssyncadd.s32 $0xFFFFFFFF  }
0xb6: {  	_ =	strace $0x9000004E  }
0xb7: {  	_ =	sfence  }
0xb8: {  	s30 =	sld [smem:$0x0];
	_ =	sdelay $0x2  }
0xb9: {  	s31 =	sshll.u32 s1, $0xD;
	s1 =	sshrl.u32 s1, $0x2  }
0xba: {  	s3 =	sand.u32 $0x4000, s31;
	s1 =	sadd.s32 s1, s30  }
0xbb: {  	s0 =	sor.u32 s3, s0;
	s1 =	sshll.u32 s1, $0x11  }
0xbc: {  	s0 =	sor.u32 s1, s0  }
0xbd: {  	s0 =	sadd.s32 $0x8F2B, s0  }
0xbe: {  	[sflag:s0] =	ssyncadd.remote.s32 $0x1  }
0xbf: {  	_ =	sfence.sel $0xFFFF  }
0xc0: {  	[dreg:$0x0] =	wrdreg $0xFFFFFFFF;
	(pc) =	sbr.abs _section_cstart, $3  }
0xc1: {  	[dreg:$0x1] =	wrdreg $0xFFFFFFFF  }
0xc2: {  	_ =	task.clear_ibuf [dreg:s7], $0x2FFFF;
	_ =	strace $0x9FFFFFFF  }
0xc3: {  	(tm) =	ssettm $0x7FFFFFFF  }
tec
execute0_lowered:
.L_overlay_start_1:
0x0: {  	(tag) =	ssettag $0x1  }
0x1: {  	s1 =	rddreg [dreg:$0x0]  }
0x2: {  	s6 =	rddreg [dreg:$0x1]  }
0x3: {  	s2 =	rddreg [dreg:$0x2];
	s3 =	simm.s32 $0x0  }
0x4: {  	s4 =	srdreg.scid;
	s17 =	simm.s32 $0x200;
	s18 =	simm.s32 $0x2  }
0x5: {  	s19 =	simm.s32 $0x180;
	s20 =	simm.s32 $0x4200;
	s7 =	sand.u32 $0x1, s4  }
0x6: {  	s21 =	simm.s32 $0x0;
	s4 =	stileid.u32;
	s8 =	smul.u32 $0x13C000, s7  }
0x7: {  	[smem:$0x7FF] =	sst s3;
	s12 =	sadd.s32 $0x6DE00, s6;
	s9 =	smul.u32 $0x13C00, s4  }
0x8: {  	s11 =	sadd.s32 $0x72E00, s6;
	_ =	strace $0x8000004D;
	s10 =	smul.u32 $0x4F000, s4  }
0x9: {  	s5 =	sshll.u32 s7, $0x4;
	s24 =	ssub.s32 $0x2, s7;
	s7 =	smul.u32 $0x14000, s7  }
0xa: {  	s15 =	smul.u32 $0x1400, s4;
	s26 =	sshll.u32 s4, $0x6;
	s13 =	sor.u32 s4, s5  }
0xb: {  	s5 =	sadd.s32 $0x1C000, s6;
	s14 =	sshrl.u32 s24, $0x1;
	s8 =	sadd.s32 s9, s8  }
0xc: {  	s23 =	smul.u32 $0x1400, s13;
	s10 =	sshrl.u32 s10, $0x2;
	s13 =	ssub.s32 s24, s14  }
0xd: {  	s29 =	sadd.s32 s15, s7;
	s14 =	simm.s32 $0x3;
	s15 =	simm.s32 $0x100  }
0xe: {  	s8 =	sshrl.u32 s8, $0x3;
	s25 =	sadd.s32 s10, s2;
	s30 =	sor.u32 $0x80, s29  }
0xf: {  	s10 =	smax.u32 s13, $0x1;
	s16 =	sadd.s32 s8, s6;
	s28 =	sshrl.u32 s23, $0x3  }
0x10: {  	s6 =	sor.u32 $0x1C03, s26;
	s31 =	sshrl.u32 s30, $0x3;
	s13 =	sshrl.u32 s25, $0x3  }
0x11: {  	s7 =	sadd.s32 s12, s28;
	s8 =	sadd.s32 s11, s28;
	s9 =	sadd.s32 $0x1EC00, s16  }
0x12: {  	s11 =	sadd.s32 s31, s11;
	s12 =	sadd.s32 s31, s12;
	s16 =	simm.s32 $0x80  }
.LBB2_1:
0x13: {  	[spmem:s13], [sflag:s6] =	dma.local [hbm:s5], $0x2780  }
0x14: {  	_ =	swait.ge [sflag:s14], $0x2780  }
0x15: {  	[sflag:s14] =	ssyncset.done $0x0  }
0x16: {  	[sflag:s14] =	ssyncadd.s32 $0xFFFFD880  }
0x17: {  	[bflag:$0x0] =	sbarrier.arrive $0xFFFF  }
0x18: {  	[tilespmem:s3], [sflag:$0x3] =	stream.linear.gather [hbm4b:s7+s3], $0x80, $0x38;
	[tilespmem:$0x1BE00] =	vst v63  }
0x19: {  	_ =	swait.ge [sflag:s14], $0x80  }
0x1a: {  	[sflag:s14] =	ssyncset.done $0x0  }
0x1b: {  	[sflag:s14] =	ssyncadd.s32 $0xFFFFFF80  }
0x1c: {  	[tilespmem:s15], [sflag:$0x3] =	stream.linear.gather [hbm4b:s8+s3], $0x80, $0x38;
	[tilespmem:$0x1BE00] =	vst v63  }
0x1d: {  	_ =	swait.ge [sflag:s14], $0x80  }
0x1e: {  	s22 =	simm.s32 $0x1;
	[sflag:s14] =	ssyncset.done $0x0  }
0x1f: {  	s22 =	sand.u32 $0x1, s22;
	[sflag:s14] =	ssyncadd.s32 $0xFFFFFF80  }
0x20: {  	[tilespmem:s17], [sflag:$0x1] =	stream.indirect.gather [hbm4b:s1+s16], $0x80, s3, s16, $0xb8;
	[tilespmem:$0x1BE00] =	vst v63  }
0x21: {  	s23 =	sshll.u32 s22, $0x7  }
0x22: {  	[tilespmem:s23], [sflag:$0x3] =	stream.linear.gather [hbm4b:s12+s3], $0x80, $0x38;
	[tilespmem:$0x1BE00] =	vst v63  }
0x23: {  	_ =	swait.ge [sflag:s14], $0x80  }
0x24: {  	[sflag:s14] =	ssyncset.done $0x0  }
0x25: {  	s25 =	simm.s32 $0x0;
	s24 =	sor.u32 $0x100, s23;
	[sflag:s14] =	ssyncadd.s32 $0xFFFFFF80  }
0x26: {  	[tilespmem:s24], [sflag:$0x3] =	stream.linear.gather [hbm4b:s11+s3], $0x80, $0x38;
	[tilespmem:$0x1BE00] =	vst v63  }
0x27: {  	s25 =	sand.u32 $0x1, s25;
	s29 =	sadd.s32 $0x1, s22;
	_ =	swait.ge [sflag:s14], $0x80  }
0x28: {  	s22 =	sshll.u32 s22, $0xE;
	s26 =	sadd.s32 $0x1, s25;
	[sflag:s14] =	ssyncset.done $0x0  }
0x29: {  	s30 =	sshll.u32 s25, $0xE;
	s22 =	sor.u32 $0x200, s22;
	[sflag:s14] =	ssyncadd.s32 $0xFFFFFF80  }
0x2a: {  	[tilespmem:s22], [sflag:s29] =	stream.indirect.gather [hbm4b:s1+s16], $0x80, s23, s16, $0xb8;
	[tilespmem:$0x1BE00] =	vst v63  }
0x2b: {  	s31 =	sshll.u32 s25, $0x7;
	s24 =	simm.s32 $0x2;
	_ =	swait.ge [sflag:s26], $0x4000  }
0x2c: {  	s25 =	sand.u32 $0x1, s24;
	s22 =	sor.u32 $0x200, s30;
	[sflag:s26] =	ssyncset.done $0x0  }
0x2d: {  	s23 =	sor.u32 $0x100, s31;
	[sflag:s26] =	ssyncadd.s32 $0xFFFFC000;
	s26 =	simm.s32 $0x3  }
0x2e: {  	[spmem:s2] =	stream.indirect.scatter.add.f32 [tilespmem:s22], [sflag:$0x3], $0x80, s23, s16, $0xb8;
	[tilespmem:$0x1BE00] =	vst v63  }
0x2f: {  	s23 =	sadd.s32 $0x10, s12;
	s22 =	sadd.s32 $0x10, s11;
	_ =	swait.ge [sflag:s14], $0x4000  }
.LBB2_2:
0x30: {  	s28 =	sshll.u32 s25, $0x7  }
0x31: {  	[sflag:s14] =	ssyncset.done $0x0;
	s29 =	smov.u32 s26;
	s30 =	sadd.s32 $0x1, s26  }
0x32: {  	p0 =	sne.s32 s26, $0x27;
	[sflag:s14] =	ssyncadd.s32 $0xFFFFC000  }
0x33: {  	[tilespmem:s28], [sflag:$0x3] =	stream.linear.gather [hbm4b:s23+s3], $0x80, $0x38;
	[tilespmem:$0x1BE00] =	vst v63  }
0x34: {  	_ =	swait.ge [sflag:s14], $0x80  }
0x35: {  	s26 =	sor.u32 $0x100, s28;
	[sflag:s14] =	ssyncset.done $0x0  }
0x36: {  	s31 =	sadd.s32 $0x1, s25;
	s24 =	sadd.s32 $0xFFFFFFFF, s24;
	[sflag:s14] =	ssyncadd.s32 $0xFFFFFF80  }
0x37: {  	[tilespmem:s26], [sflag:$0x3] =	stream.linear.gather [hbm4b:s22+s3], $0x80, $0x38;
	[tilespmem:$0x1BE00] =	vst v63  }
0x38: {  	s25 =	sshll.u32 s25, $0xE;
	s24 =	sand.u32 $0x1, s24;
	_ =	swait.ge [sflag:s14], $0x80  }
0x39: {  	s25 =	sor.u32 $0x200, s25;
	s0 =	sadd.s32 $0x1, s24;
	[sflag:s14] =	ssyncset.done $0x0  }
0x3a: {  	s23 =	sadd.s32 $0x10, s23;
	s26 =	sshll.u32 s24, $0xE;
	[sflag:s14] =	ssyncadd.s32 $0xFFFFFF80  }
0x3b: {  	[tilespmem:s25], [sflag:s31] =	stream.indirect.gather [hbm4b:s1+s16], $0x80, s28, s16, $0xb8;
	[tilespmem:$0x1BE00] =	vst v63  }
.Ltmp0:
0x3c: {  	s24 =	sshll.u32 s24, $0x7;
	_ =	swait.ge [sflag:s0], $0x4000;
	(pc) =	sbr.rel @p0 .LBB2_2-.Ltmp0, $4  }
0x3d: {  	s25 =	sor.u32 $0x200, s26;
	s26 =	sor.u32 $0x100, s24;
	[sflag:s0] =	ssyncset.done $0x0  }
0x3e: {  	s22 =	sadd.s32 $0x10, s22;
	s24 =	smov.u32 s29;
	[sflag:s0] =	ssyncadd.s32 $0xFFFFC000  }
0x3f: {  	[spmem:s2] =	stream.indirect.scatter.add.f32 [tilespmem:s25], [sflag:$0x3], $0x80, s26, s16, $0xb8;
	[tilespmem:$0x1BE00] =	vst v63  }
0x40: {  	s25 =	sand.u32 $0x1, s24;
	s26 =	smov.u32 s30;
	_ =	swait.ge [sflag:s14], $0x4000  }
0x41: {  	[sflag:s14] =	ssyncset.done $0x0  }
0x42: {  	s0 =	sshll.u32 s25, $0x7;
	[sflag:s14] =	ssyncadd.s32 $0xFFFFC000  }
0x43: {  	[tilespmem:s0], [sflag:$0x3] =	stream.linear.gather [hbm4b:s23+s3], $0x80, $0x38;
	[tilespmem:$0x1BE00] =	vst v63  }
0x44: {  	_ =	swait.ge [sflag:s14], $0x80  }
0x45: {  	[sflag:s14] =	ssyncset.done $0x0  }
0x46: {  	s30 =	sor.u32 $0x100, s0;
	[sflag:s14] =	ssyncadd.s32 $0xFFFFFF80  }
0x47: {  	[tilespmem:s30], [sflag:$0x3] =	stream.linear.gather [hbm4b:s22+s3], $0x80, $0x38;
	[tilespmem:$0x1BE00] =	vst v63  }
0x48: {  	s31 =	sadd.s32 $0x1, s25;
	s26 =	sadd.s32 $0xFFFFFFFF, s24;
	_ =	swait.ge [sflag:s14], $0x80  }
0x49: {  	s28 =	sshll.u32 s25, $0xE;
	s23 =	sand.u32 $0x1, s26;
	[sflag:s14] =	ssyncset.done $0x0  }
0x4a: {  	s24 =	sor.u32 $0x200, s28;
	s29 =	sadd.s32 $0x1, s23;
	[sflag:s14] =	ssyncadd.s32 $0xFFFFFF80  }
0x4b: {  	[tilespmem:s24], [sflag:s31] =	stream.indirect.gather [hbm4b:s1+s16], $0x80, s0, s16, $0xb8;
	[tilespmem:$0x1BE00] =	vst v63  }
0x4c: {  	_ =	swait.ge [sflag:s29], $0x4000  }
0x4d: {  	s30 =	sshll.u32 s23, $0xE;
	s31 =	sshll.u32 s23, $0x7;
	[sflag:s29] =	ssyncset.done $0x0  }
0x4e: {  	s0 =	sor.u32 $0x200, s30;
	s22 =	sor.u32 $0x100, s31;
	[sflag:s29] =	ssyncadd.s32 $0xFFFFC000  }
0x4f: {  	[spmem:s2] =	stream.indirect.scatter.add.f32 [tilespmem:s0], [sflag:$0x3], $0x80, s22, s16, $0xb8;
	[tilespmem:$0x1BE00] =	vst v63  }
0x50: {  	_ =	swait.ge [sflag:s14], $0x4000  }
0x51: {  	[sflag:s14] =	ssyncset.done $0x0  }
0x52: {  	[sflag:s14] =	ssyncadd.s32 $0xFFFFC000  }
0x53: {  	_ =	swait.ge [sflag:s18], $0x4000  }
0x54: {  	[sflag:s18] =	ssyncset.done $0x0  }
0x55: {  	[sflag:s18] =	ssyncadd.s32 $0xFFFFC000  }
0x56: {  	[spmem:s2] =	stream.indirect.scatter.add.f32 [tilespmem:s20], [sflag:$0x3], $0x80, s19, s16, $0xb8;
	[tilespmem:$0x1BE00] =	vst v63  }
0x57: {  	_ =	swait.ge [sflag:s14], $0x4000  }
0x58: {  	s21 =	sadd.s32 $0x1, s21;
	[sflag:s14] =	ssyncset.done $0x0  }
0x59: {  	p0 =	sne.s32 s21, s10;
	[sflag:s14] =	ssyncadd.s32 $0xFFFFC000  }
.Ltmp1:
0x5a: {  	[bflag:$0x0] =	sbarrier.arrive $0xFFFF;
	(pc) =	sbr.rel @p0 .LBB2_1-.Ltmp1, $4  }
0x5b: {  	[hbm:s9], [sflag:s6] =	dma.local [spmem:s13], $0x2780  }
0x5c: {  	_ =	swait.ge [sflag:s14], $0x2780  }
0x5d: {  	[sflag:s14] =	ssyncset.done $0x0  }
0x5e: {  	[sflag:s14] =	ssyncadd.s32 $0xFFFFD880  }
0x5f: {  	_ =	sfence.sel $0x180000  }
0x60: {  	[bflag:$0x0] =	sbarrier.arrive $0xFFFF  }
0x61: {  	_ =	strace $0x9000004D  }
0x62: {  	[bflag:$0x2] =	sbarrier.arrive $0xFFFF  }
0x63: {  	p0 =	sne.s32 s4, $0x0;
	s0 =	rddreg [dreg:$0x3]  }
0x64: {  	s0 =	sadd.s32 @!p0 $0x100000, s0  }
0x65: {  	[sflag:s0] =	ssyncadd.tile.s32 @!p0 $0x1;
	_ =	shalt  }
.Lfunc_end2:
_tile_overlayer_lowered:
.L_overlay_start_2:
0x66: {  	(tag) =	ssettag $0x2  }
0x67: {  	s0 =	rddreg [dreg:$0x0];
	s2 =	stileid.u32  }
0x68: {  	s1 =	rddreg [dreg:$0x1];
	p0 =	sne.s32 s2, $0x0  }
0x69: {  	s3 =	rddreg [dreg:$0x2];
	[bflag:$0x3] =	sbarrier.arrive $0xFFFF;
	s2 =	simm.s32 @!p0 $0x1C03  }
0x6a: {  	[timem:s3], [sflag:s2] =	dma.local @!p0 [hbm:s0], s1  }
0x6b: {  	s0 =	simm.s32 @!p0 $0x3  }
0x6c: {  	_ =	swait.ge @!p0 [sflag:s0], s1  }
0x6d: {  	s1 =	ssub.s32 @!p0 $0x0, s1;
	[sflag:s0] =	ssyncset.done @!p0 $0x0  }
0x6e: {  	[sflag:s0] =	ssyncadd.s32 @!p0 s1  }
0x6f: {  	[bflag:$0x3] =	sbarrier.arrive $0xFFFF  }
0x70: {  	_ =	shalt  }

</sc_bundles>
